<compile_context>
chip_gen: v7x
topology: tpu7x:2x2x1
jax: 0.10.2.dev20260603
libtpu: 0.0.44.dev20260713+nightly
codegen_flags: <defaults>
</compile_context>

<pallas_src>
import functools

import jax
import jax.numpy as jnp
from jax import lax
from jax.experimental import pallas as pl
from jax.experimental.pallas import tpu as pltpu
from jax.experimental.pallas import tpu_sc as plsc

NN = 10000
NE = 320000
D = 128
NC, NS = 2, 16
NW = NC * NS
EPT = NE // NW
C = 125
NCH = EPT // C
NP = 10112
STRIPE = NP // NS


H2 = NCH // 2


@functools.lru_cache(maxsize=None)
def _make_sc_agg():
    mesh = plsc.VectorSubcoreMesh(core_axis_name="c", subcore_axis_name="s")
    out_type = [jax.ShapeDtypeStruct((NC, NP, D), jnp.float32)]
    scratch = [
        pltpu.VMEM((H2, C), jnp.int32),
        pltpu.VMEM((H2, C), jnp.int32),
        pltpu.VMEM((C, D), jnp.float32),
        pltpu.VMEM((C, D), jnp.float32),
        pltpu.VMEM_SHARED((NP, D), jnp.float32),
        pltpu.SemaphoreType.DMA,
        pltpu.SemaphoreType.DMA,
    ]

    def body(h_hbm, src_hbm, dst_hbm, z_hbm, acc_out,
             sidx, didx, rows_a, rows_b, accsh, sem_a, sem_b):
        ci = lax.axis_index("c")
        si = lax.axis_index("s")
        wid = ci * NS + si
        row0 = si * STRIPE
        pltpu.sync_copy(z_hbm.at[pl.ds(row0, STRIPE)],
                        accsh.at[pl.ds(row0, STRIPE)])
        plsc.subcore_barrier()

        for half in range(2):
            pltpu.sync_copy(src_hbm.at[wid, half], sidx)
            pltpu.sync_copy(dst_hbm.at[wid, half], didx)
            pltpu.async_copy(h_hbm.at[sidx.at[0]], rows_a, sem_a)

            @pl.loop(0, H2, step=2)
            def _(i):
                pltpu.async_copy(h_hbm.at[sidx.at[i + 1]], rows_b, sem_b)
                pltpu.make_async_copy(h_hbm.at[sidx.at[i]], rows_a, sem_a).wait()
                pltpu.sync_copy(rows_a, accsh.at[didx.at[i]], add=True)

                @pl.when(i < H2 - 2)
                def _():
                    pltpu.async_copy(h_hbm.at[sidx.at[i + 2]], rows_a, sem_a)

                pltpu.make_async_copy(h_hbm.at[sidx.at[i + 1]], rows_b, sem_b).wait()
                pltpu.sync_copy(rows_b, accsh.at[didx.at[i + 1]], add=True)

        plsc.subcore_barrier()
        pltpu.sync_copy(accsh.at[pl.ds(row0, STRIPE)],
                        acc_out.at[ci, pl.ds(row0, STRIPE)])

    return pl.kernel(
        body, out_type=out_type, mesh=mesh, scratch_types=scratch,
        compiler_params=pltpu.CompilerParams(use_tc_tiling_on_sc=False))


@functools.lru_cache(maxsize=None)
def _make_sc_deg():
    mesh = plsc.VectorSubcoreMesh(core_axis_name="c", subcore_axis_name="s")
    out_type = [jax.ShapeDtypeStruct((NC, NP, 16), jnp.float32)]
    scratch = [
        pltpu.VMEM((NCH, C), jnp.int32),
        pltpu.VMEM((C, 16), jnp.float32),
        pltpu.VMEM_SHARED((NP, 16), jnp.float32),
    ]

    def body(dst_hbm, z16_hbm, one16_hbm, deg_out, didx, ones_v, degsh):
        ci = lax.axis_index("c")
        si = lax.axis_index("s")
        wid = ci * NS + si
        row0 = si * STRIPE
        pltpu.sync_copy(z16_hbm.at[pl.ds(row0, STRIPE)],
                        degsh.at[pl.ds(row0, STRIPE)])
        pltpu.sync_copy(dst_hbm.at[wid], didx)
        pltpu.sync_copy(one16_hbm, ones_v)
        plsc.subcore_barrier()

        @pl.loop(0, NCH)
        def _(j):
            pltpu.sync_copy(ones_v, degsh.at[didx.at[j]], add=True)

        plsc.subcore_barrier()
        pltpu.sync_copy(degsh.at[pl.ds(row0, STRIPE)],
                        deg_out.at[ci, pl.ds(row0, STRIPE)])

    return pl.kernel(
        body, out_type=out_type, mesh=mesh, scratch_types=scratch,
        compiler_params=pltpu.CompilerParams(use_tc_tiling_on_sc=False))


def _tc_layer(h, acc, deg16, wn, ws, bias):
    BLK = 5000
    G = NN // BLK

    def body(acc_ref, deg_ref, h_ref, wn_ref, ws_ref, b_ref, o_ref):
        a = acc_ref[0] + acc_ref[1]
        d = deg_ref[...]
        dg = d[0, :, 0:1] + d[1, :, 0:1]
        mean = a / jnp.maximum(dg, 1.0)
        out = (jnp.dot(mean, wn_ref[...], preferred_element_type=jnp.float32)
               + jnp.dot(h_ref[...], ws_ref[...], preferred_element_type=jnp.float32)
               + b_ref[...])
        out = jnp.maximum(out, 0.0)
        nrm = jnp.sqrt(jnp.sum(out * out, axis=1, keepdims=True))
        o_ref[...] = out / jnp.maximum(nrm, 1e-12)

    return pl.pallas_call(
        body,
        grid=(G,),
        in_specs=[
            pl.BlockSpec((NC, BLK, D), lambda i: (0, i, 0)),
            pl.BlockSpec((NC, BLK, 16), lambda i: (0, i, 0)),
            pl.BlockSpec((BLK, D), lambda i: (i, 0)),
            pl.BlockSpec((D, D), lambda i: (0, 0)),
            pl.BlockSpec((D, D), lambda i: (0, 0)),
            pl.BlockSpec((1, D), lambda i: (0, 0)),
        ],
        out_specs=pl.BlockSpec((BLK, D), lambda i: (i, 0)),
        out_shape=jax.ShapeDtypeStruct((NN, D), jnp.float32),
    )(acc, deg16, h, wn, ws, bias)


def _tc_layer_head(h, acc, deg16, wn, ws, bias, w1, b1, w2, b2):
    BLK = 5000
    G = NN // BLK

    def body(acc_ref, deg_ref, h_ref, wn_ref, ws_ref, b_ref,
             w1_ref, b1_ref, w2_ref, b2_ref, o_ref, sum_ref):
        i = pl.program_id(0)
        a = acc_ref[0] + acc_ref[1]
        d = deg_ref[...]
        dg = d[0, :, 0:1] + d[1, :, 0:1]
        mean = a / jnp.maximum(dg, 1.0)
        out = (jnp.dot(mean, wn_ref[...], preferred_element_type=jnp.float32)
               + jnp.dot(h_ref[...], ws_ref[...], preferred_element_type=jnp.float32)
               + b_ref[...])
        out = jnp.maximum(out, 0.0)
        nrm = jnp.sqrt(jnp.sum(out * out, axis=1, keepdims=True))
        out = out / jnp.maximum(nrm, 1e-12)
        part = jnp.sum(out, axis=0, keepdims=True)

        @pl.when(i == 0)
        def _():
            sum_ref[...] = jnp.zeros_like(sum_ref)

        sum_ref[...] += part

        @pl.when(i == G - 1)
        def _():
            g = sum_ref[...] * (1.0 / NN)
            g = jnp.maximum(
                jnp.dot(g, w1_ref[...], preferred_element_type=jnp.float32)
                + b1_ref[...], 0.0)
            o_ref[...] = (jnp.dot(g, w2_ref[...],
                                  preferred_element_type=jnp.float32)
                          + b2_ref[...])

    return pl.pallas_call(
        body,
        grid=(G,),
        in_specs=[
            pl.BlockSpec((NC, BLK, D), lambda i: (0, i, 0)),
            pl.BlockSpec((NC, BLK, 16), lambda i: (0, i, 0)),
            pl.BlockSpec((BLK, D), lambda i: (i, 0)),
            pl.BlockSpec((D, D), lambda i: (0, 0)),
            pl.BlockSpec((D, D), lambda i: (0, 0)),
            pl.BlockSpec((1, D), lambda i: (0, 0)),
            pl.BlockSpec((D, D // 2), lambda i: (0, 0)),
            pl.BlockSpec((1, D // 2), lambda i: (0, 0)),
            pl.BlockSpec((D // 2, 2), lambda i: (0, 0)),
            pl.BlockSpec((1, 2), lambda i: (0, 0)),
        ],
        out_specs=pl.BlockSpec((1, 2), lambda i: (0, 0)),
        out_shape=jax.ShapeDtypeStruct((1, 2), jnp.float32),
        scratch_shapes=[pltpu.VMEM((1, D), jnp.float32)],
    )(acc, deg16, h, wn, ws, bias, w1, b1, w2, b2)


def kernel(x, edge_index, W_neigh, W_self, b, Wc1, bc1, Wc2, bc2):
    src_i = edge_index[0].astype(jnp.int32)
    dst_i = edge_index[1].astype(jnp.int32)
    src = src_i.reshape(NW, 2, NCH // 2, C)
    dst = dst_i.reshape(NW, 2, NCH // 2, C)
    dst3 = dst_i.reshape(NW, NCH, C)
    zeros = jnp.zeros((NP, D), jnp.float32)
    zeros16 = jnp.zeros((NP, 16), jnp.float32)
    ones16 = jnp.ones((C, 16), jnp.float32)

    h = x
    (deg16,) = _make_sc_deg()(dst3, zeros16, ones16)
    for l in range(2):
        (acc,) = _make_sc_agg()(h, src, dst, zeros)
        h = _tc_layer(h, acc, deg16, W_neigh[l], W_self[l], b[l].reshape(1, D))
    (acc,) = _make_sc_agg()(h, src, dst, zeros)
    return _tc_layer_head(h, acc, deg16, W_neigh[2], W_self[2],
                          b[2].reshape(1, D), Wc1, bc1.reshape(1, -1),
                          Wc2, bc2.reshape(1, -1))

# --- scband reference (transcript-rebuilt; emitter-appended) ---
"""Pipeline reference for scband-graph-sage-22617297781314 (READ-ONLY COPY).

The authoritative reference and input builder live on the scoring server;
editing this copy changes nothing except your own understanding.
"""

import jax, jax.numpy as jnp
import numpy as np

N_NODES = 10000
N_EDGES = 320000
D_IN = 128
D_HID = 128
N_LAYERS = 3
D_OUT = 2


def setup_inputs(seed: int = 0) -> dict:
    key = jax.random.key(seed)
    ks = jax.random.split(key, 12)
    x = jax.random.normal(ks[0], (N_NODES, D_IN), dtype=jnp.float32)
    edge_index = jax.random.randint(ks[1], (2, N_EDGES), 0, N_NODES, dtype=jnp.int64)
    # SAGEConv params per layer: neighbor linear, self linear, bias.
    # input_dim == hidden_dim == 128 so we can stack all layers.
    scale_in = 1.0 / np.sqrt(D_IN)
    W_neigh = jax.random.normal(ks[2], (N_LAYERS, D_HID, D_HID), dtype=jnp.float32) * scale_in
    W_self = jax.random.normal(ks[3], (N_LAYERS, D_HID, D_HID), dtype=jnp.float32) * scale_in
    b = jnp.zeros((N_LAYERS, D_HID), dtype=jnp.float32)
    # classifier: Linear(hidden, hidden//2) -> ReLU -> Dropout(eval: identity) -> Linear(hidden//2, out)
    Wc1 = jax.random.normal(ks[4], (D_HID, D_HID // 2), dtype=jnp.float32) * (1.0 / np.sqrt(D_HID))
    bc1 = jnp.zeros((D_HID // 2,), dtype=jnp.float32)
    Wc2 = jax.random.normal(ks[5], (D_HID // 2, D_OUT), dtype=jnp.float32) * (1.0 / np.sqrt(D_HID // 2))
    bc2 = jnp.zeros((D_OUT,), dtype=jnp.float32)
    return {"x": x, "edge_index": edge_index, "W_neigh": W_neigh, "W_self": W_self,
            "b": b, "Wc1": Wc1, "bc1": bc1, "Wc2": Wc2, "bc2": bc2}


def _sage_conv(h, src, dst, w_neigh, w_self, bias, n_nodes):
    # mean aggregation of incoming neighbor messages (PyG SAGEConv, aggr='mean')
    msg = h[src]  # gather [E, d]
    agg = jax.ops.segment_sum(msg, dst, num_segments=n_nodes)  # scatter-add
    deg = jax.ops.segment_sum(jnp.ones((src.shape[0], 1), dtype=h.dtype), dst, num_segments=n_nodes)
    mean_agg = agg / jnp.maximum(deg, 1.0)
    return mean_agg @ w_neigh + h @ w_self + bias


def reference(x, edge_index, W_neigh, W_self, b, Wc1, bc1, Wc2, bc2):
    n_nodes = x.shape[0]
    src = edge_index[0]
    dst = edge_index[1]
    h = x
    for l in range(N_LAYERS):
        h = _sage_conv(h, src, dst, W_neigh[l], W_self[l], b[l], n_nodes)
        h = jax.nn.relu(h)
        # F.normalize(h, p=2, dim=-1): x / max(||x||_2, eps)
        nrm = jnp.linalg.norm(h, axis=-1, keepdims=True)
        h = h / jnp.maximum(nrm, 1e-12)
        # dropout: identity in eval mode
    # batch is None -> all nodes in graph 0 -> global_mean_pool == mean over nodes
    g = jnp.mean(h, axis=0, keepdims=True)  # [1, d]
    g = jax.nn.relu(g @ Wc1 + bc1)
    logits = g @ Wc2 + bc2  # [1, 2]
    return logits

if __name__ == "__main__":
    import jax
    _d = setup_inputs()
    print(jax.jit(kernel)(*tuple(_d.values())))

</pallas_src>

<mosaic_0001>
#map = affine_map<(d0, d1) -> (0, 0)>
#map1 = affine_map<(d0, d1) -> (0, 0, 0, 0)>
#map2 = affine_map<(d0, d1) -> (0, 0, 0)>
module attributes {stable_mosaic.version = 14 : i64} {
  func.func @body(%arg0: i32, %arg1: i32, %arg2: memref<10000x128xf32, #tpu.memory_space<hbm>>, %arg3: memref<32x2x40x125xi32, #tpu.memory_space<hbm>>, %arg4: memref<32x2x40x125xi32, #tpu.memory_space<hbm>>, %arg5: memref<10112x128xf32, #tpu.memory_space<hbm>>, %arg6: memref<2x10112x128xf32, #tpu.memory_space<hbm>>, %arg7: memref<40x125xi32, #tpu.memory_space<vmem>>, %arg8: memref<40x125xi32, #tpu.memory_space<vmem>>, %arg9: memref<125x128xf32, #tpu.memory_space<vmem>>, %arg10: memref<125x128xf32, #tpu.memory_space<vmem>>, %arg11: memref<10112x128xf32, #tpu.memory_space<vmem_shared>>, %arg12: memref<!tpu.dma_semaphore, #tpu.memory_space<semaphore_mem>>, %arg13: memref<!tpu.dma_semaphore, #tpu.memory_space<semaphore_mem>>) attributes {dimension_semantics = [#tpu.dimension_semantics<core_parallel>, #tpu.dimension_semantics<subcore_parallel>], iteration_bounds = array<i64: 2, 16>, scalar_prefetch = 0 : i64, scratch_operands = 7 : i64, tpu.core_type = #tpu.core_type<sc_vector_subcore>, window_params = [{transform_indices = #map}, {transform_indices = #map1}, {transform_indices = #map1}, {transform_indices = #map}, {transform_indices = #map2}]} {
    %mul3A = arith.constant 16 : i32
    %mul3A_0 = arith.muli %arg0, %mul3A : i32
    %add3A = arith.addi %mul3A_0, %arg1 : i32
    %mul3A_1 = arith.constant 632 : i32
    %mul3A_2 = arith.muli %arg1, %mul3A_1 : i32
    "tpu.region"() ({
      %run_scoped3A_29 = tpu.sem_alloc : memref<!tpu.dma_semaphore, #tpu.memory_space<semaphore_mem>>
      %dma_start3A_30 = arith.constant 0 : i32
      %dma_start3A_31 = tpu.memref_slice %arg11[%mul3A_2, %dma_start3A_30] : memref<10112x128xf32, #tpu.memory_space<vmem_shared>> -> memref<632x128xf32, #tpu.memory_space<vmem_shared>>
      %dma_start3A_32 = arith.constant 0 : i32
      %dma_start3A_33 = tpu.memref_slice %arg5[%mul3A_2, %dma_start3A_32] : memref<10112x128xf32, #tpu.memory_space<hbm>> -> memref<632x128xf32, #tpu.memory_space<hbm>>
      tpu.enqueue_dma source(%dma_start3A_33 : memref<632x128xf32, #tpu.memory_space<hbm>>) target(%dma_start3A_31 : memref<632x128xf32, #tpu.memory_space<vmem_shared>>) target_semaphore(%run_scoped3A_29 : memref<!tpu.dma_semaphore, #tpu.memory_space<semaphore_mem>>)
      %dma_wait3A = arith.constant 0 : i32
      %dma_wait3A_34 = tpu.memref_slice %arg11[%mul3A_2, %dma_wait3A] : memref<10112x128xf32, #tpu.memory_space<vmem_shared>> -> memref<632x128xf32, #tpu.memory_space<vmem_shared>>
      %dma_wait3A_35 = arith.constant 0 : i32
      %dma_wait3A_36 = tpu.memref_slice %arg5[%mul3A_2, %dma_wait3A_35] : memref<10112x128xf32, #tpu.memory_space<hbm>> -> memref<632x128xf32, #tpu.memory_space<hbm>>
      tpu.wait_dma2 semaphore(%run_scoped3A_29 : memref<!tpu.dma_semaphore, #tpu.memory_space<semaphore_mem>>) src(%dma_wait3A_36 : memref<632x128xf32, #tpu.memory_space<hbm>>) dst(%dma_wait3A_34 : memref<632x128xf32, #tpu.memory_space<vmem_shared>>)
      tpu.yield
    }) : () -> ()
    %barrier3A = arith.constant 0 : index
    tpu.barrier barrier_id(%barrier3A)
    %run_scoped3A = arith.constant 0 : i32
    "tpu.region"() ({
      %run_scoped3A_29 = tpu.sem_alloc : memref<!tpu.dma_semaphore, #tpu.memory_space<semaphore_mem>>
      %dma_start3A_30 = arith.constant 0 : i32
      %dma_start3A_31 = arith.constant 0 : i32
      %dma_start3A_32 = tpu.memref_slice %arg3[%add3A, %run_scoped3A, %dma_start3A_30, %dma_start3A_31] : memref<32x2x40x125xi32, #tpu.memory_space<hbm>> -> memref<1x1x40x125xi32, #tpu.memory_space<hbm>>
      %dma_start3A_33 = tpu.memref_squeeze %dma_start3A_32 : memref<1x1x40x125xi32, #tpu.memory_space<hbm>> -> memref<40x125xi32, #tpu.memory_space<hbm>>
      %dma_start3A_34 = arith.constant 0 : i32
      %dma_start3A_35 = arith.constant 0 : i32
      %dma_start3A_36 = tpu.memref_slice %arg3[%add3A, %run_scoped3A, %dma_start3A_34, %dma_start3A_35] : memref<32x2x40x125xi32, #tpu.memory_space<hbm>> -> memref<1x1x40x125xi32, #tpu.memory_space<hbm>>
      %dma_start3A_37 = tpu.memref_squeeze %dma_start3A_36 : memref<1x1x40x125xi32, #tpu.memory_space<hbm>> -> memref<40x125xi32, #tpu.memory_space<hbm>>
      tpu.enqueue_dma source(%dma_start3A_37 : memref<40x125xi32, #tpu.memory_space<hbm>>) target(%arg7 : memref<40x125xi32, #tpu.memory_space<vmem>>) target_semaphore(%run_scoped3A_29 : memref<!tpu.dma_semaphore, #tpu.memory_space<semaphore_mem>>)
      %dma_wait3A = arith.constant 0 : i32
      %dma_wait3A_38 = arith.constant 0 : i32
      %dma_wait3A_39 = tpu.memref_slice %arg3[%add3A, %run_scoped3A, %dma_wait3A, %dma_wait3A_38] : memref<32x2x40x125xi32, #tpu.memory_space<hbm>> -> memref<1x1x40x125xi32, #tpu.memory_space<hbm>>
      %dma_wait3A_40 = tpu.memref_squeeze %dma_wait3A_39 : memref<1x1x40x125xi32, #tpu.memory_space<hbm>> -> memref<40x125xi32, #tpu.memory_space<hbm>>
      %dma_wait3A_41 = arith.constant 0 : i32
      %dma_wait3A_42 = arith.constant 0 : i32
      %dma_wait3A_43 = tpu.memref_slice %arg3[%add3A, %run_scoped3A, %dma_wait3A_41, %dma_wait3A_42] : memref<32x2x40x125xi32, #tpu.memory_space<hbm>> -> memref<1x1x40x125xi32, #tpu.memory_space<hbm>>
      %dma_wait3A_44 = tpu.memref_squeeze %dma_wait3A_43 : memref<1x1x40x125xi32, #tpu.memory_space<hbm>> -> memref<40x125xi32, #tpu.memory_space<hbm>>
      tpu.wait_dma2 semaphore(%run_scoped3A_29 : memref<!tpu.dma_semaphore, #tpu.memory_space<semaphore_mem>>) src(%dma_wait3A_44 : memref<40x125xi32, #tpu.memory_space<hbm>>) dst(%arg7 : memref<40x125xi32, #tpu.memory_space<vmem>>)
      tpu.yield
    }) : () -> ()
    %run_scoped3A_3 = arith.constant 0 : i32
    "tpu.region"() ({
      %run_scoped3A_29 = tpu.sem_alloc : memref<!tpu.dma_semaphore, #tpu.memory_space<semaphore_mem>>
      %dma_start3A_30 = arith.constant 0 : i32
      %dma_start3A_31 = arith.constant 0 : i32
      %dma_start3A_32 = tpu.memref_slice %arg4[%add3A, %run_scoped3A_3, %dma_start3A_30, %dma_start3A_31] : memref<32x2x40x125xi32, #tpu.memory_space<hbm>> -> memref<1x1x40x125xi32, #tpu.memory_space<hbm>>
      %dma_start3A_33 = tpu.memref_squeeze %dma_start3A_32 : memref<1x1x40x125xi32, #tpu.memory_space<hbm>> -> memref<40x125xi32, #tpu.memory_space<hbm>>
      %dma_start3A_34 = arith.constant 0 : i32
      %dma_start3A_35 = arith.constant 0 : i32
      %dma_start3A_36 = tpu.memref_slice %arg4[%add3A, %run_scoped3A_3, %dma_start3A_34, %dma_start3A_35] : memref<32x2x40x125xi32, #tpu.memory_space<hbm>> -> memref<1x1x40x125xi32, #tpu.memory_space<hbm>>
      %dma_start3A_37 = tpu.memref_squeeze %dma_start3A_36 : memref<1x1x40x125xi32, #tpu.memory_space<hbm>> -> memref<40x125xi32, #tpu.memory_space<hbm>>
      tpu.enqueue_dma source(%dma_start3A_37 : memref<40x125xi32, #tpu.memory_space<hbm>>) target(%arg8 : memref<40x125xi32, #tpu.memory_space<vmem>>) target_semaphore(%run_scoped3A_29 : memref<!tpu.dma_semaphore, #tpu.memory_space<semaphore_mem>>)
      %dma_wait3A = arith.constant 0 : i32
      %dma_wait3A_38 = arith.constant 0 : i32
      %dma_wait3A_39 = tpu.memref_slice %arg4[%add3A, %run_scoped3A_3, %dma_wait3A, %dma_wait3A_38] : memref<32x2x40x125xi32, #tpu.memory_space<hbm>> -> memref<1x1x40x125xi32, #tpu.memory_space<hbm>>
      %dma_wait3A_40 = tpu.memref_squeeze %dma_wait3A_39 : memref<1x1x40x125xi32, #tpu.memory_space<hbm>> -> memref<40x125xi32, #tpu.memory_space<hbm>>
      %dma_wait3A_41 = arith.constant 0 : i32
      %dma_wait3A_42 = arith.constant 0 : i32
      %dma_wait3A_43 = tpu.memref_slice %arg4[%add3A, %run_scoped3A_3, %dma_wait3A_41, %dma_wait3A_42] : memref<32x2x40x125xi32, #tpu.memory_space<hbm>> -> memref<1x1x40x125xi32, #tpu.memory_space<hbm>>
      %dma_wait3A_44 = tpu.memref_squeeze %dma_wait3A_43 : memref<1x1x40x125xi32, #tpu.memory_space<hbm>> -> memref<40x125xi32, #tpu.memory_space<hbm>>
      tpu.wait_dma2 semaphore(%run_scoped3A_29 : memref<!tpu.dma_semaphore, #tpu.memory_space<semaphore_mem>>) src(%dma_wait3A_44 : memref<40x125xi32, #tpu.memory_space<hbm>>) dst(%arg8 : memref<40x125xi32, #tpu.memory_space<vmem>>)
      tpu.yield
    }) : () -> ()
    %dma_start3A = arith.constant 0 : i32
    %dma_start3A_4 = arith.constant 0 : i32
    %dma_start3A_5 = tpu.memref_slice %arg7[%dma_start3A, %dma_start3A_4] : memref<40x125xi32, #tpu.memory_space<vmem>> -> memref<1x125xi32, #tpu.memory_space<vmem>>
    %dma_start3A_6 = tpu.memref_squeeze %dma_start3A_5 : memref<1x125xi32, #tpu.memory_space<vmem>> -> memref<125xi32, #tpu.memory_space<vmem>>
    %dma_start3A_7 = arith.constant 0 : i32
    %dma_start3A_8 = arith.constant 0 : i32
    %dma_start3A_9 = tpu.memref_slice %arg2[%dma_start3A_7, %dma_start3A_8] : memref<10000x128xf32, #tpu.memory_space<hbm>> -> memref<10000x128xf32, #tpu.memory_space<hbm>>
    tpu.enqueue_indirect_dma source(%dma_start3A_9 : memref<10000x128xf32, #tpu.memory_space<hbm>>) target(%arg9 : memref<125x128xf32, #tpu.memory_space<vmem>>) offsets(%dma_start3A_6 : memref<125xi32, #tpu.memory_space<vmem>>) semaphore(%arg12 : memref<!tpu.dma_semaphore, #tpu.memory_space<semaphore_mem>>)
    %scan3A = arith.constant 0 : i32
    %scan3A_10 = arith.constant 20 : i32
    %scan3A_11 = arith.addi %scan3A, %scan3A_10 : i32
    %scan3A_12 = arith.constant 1 : i32
    scf.for %scan3A_29 = %scan3A to %scan3A_11 step %scan3A_12  : i32 {
      %mul3A_30 = arith.constant 2 : i32
      %mul3A_31 = arith.muli %scan3A_29, %mul3A_30 : i32
      %add3A_32 = arith.constant 0 : i32
      %add3A_33 = arith.addi %add3A_32, %mul3A_31 : i32
      %add3A_34 = arith.constant 1 : i32
      %add3A_35 = arith.addi %add3A_33, %add3A_34 : i32
      %dma_start3A_36 = arith.constant 0 : i32
      %dma_start3A_37 = tpu.memref_slice %arg7[%add3A_35, %dma_start3A_36] : memref<40x125xi32, #tpu.memory_space<vmem>> -> memref<1x125xi32, #tpu.memory_space<vmem>>
      %dma_start3A_38 = tpu.memref_squeeze %dma_start3A_37 : memref<1x125xi32, #tpu.memory_space<vmem>> -> memref<125xi32, #tpu.memory_space<vmem>>
      %dma_start3A_39 = arith.constant 0 : i32
      %dma_start3A_40 = arith.constant 0 : i32
      %dma_start3A_41 = tpu.memref_slice %arg2[%dma_start3A_39, %dma_start3A_40] : memref<10000x128xf32, #tpu.memory_space<hbm>> -> memref<10000x128xf32, #tpu.memory_space<hbm>>
      tpu.enqueue_indirect_dma source(%dma_start3A_41 : memref<10000x128xf32, #tpu.memory_space<hbm>>) target(%arg10 : memref<125x128xf32, #tpu.memory_space<vmem>>) offsets(%dma_start3A_38 : memref<125xi32, #tpu.memory_space<vmem>>) semaphore(%arg13 : memref<!tpu.dma_semaphore, #tpu.memory_space<semaphore_mem>>)
      %dma_wait3A = arith.constant 0 : i32
      %dma_wait3A_42 = tpu.memref_slice %arg7[%add3A_33, %dma_wait3A] : memref<40x125xi32, #tpu.memory_space<vmem>> -> memref<1x125xi32, #tpu.memory_space<vmem>>
      %dma_wait3A_43 = tpu.memref_squeeze %dma_wait3A_42 : memref<1x125xi32, #tpu.memory_space<vmem>> -> memref<125xi32, #tpu.memory_space<vmem>>
      %dma_wait3A_44 = arith.constant 0 : i32
      %dma_wait3A_45 = arith.constant 0 : i32
      %dma_wait3A_46 = tpu.memref_slice %arg2[%dma_wait3A_44, %dma_wait3A_45] : memref<10000x128xf32, #tpu.memory_space<hbm>> -> memref<10000x128xf32, #tpu.memory_space<hbm>>
      tpu.wait_indirect_dma semaphore(%arg12 : memref<!tpu.dma_semaphore, #tpu.memory_space<semaphore_mem>>) src(%dma_wait3A_46 : memref<10000x128xf32, #tpu.memory_space<hbm>>) dst(%arg9 : memref<125x128xf32, #tpu.memory_space<vmem>>)
      "tpu.region"() ({
        %run_scoped3A_59 = tpu.sem_alloc : memref<!tpu.dma_semaphore, #tpu.memory_space<semaphore_mem>>
        %dma_start3A_60 = arith.constant 0 : i32
        %dma_start3A_61 = tpu.memref_slice %arg8[%add3A_33, %dma_start3A_60] : memref<40x125xi32, #tpu.memory_space<vmem>> -> memref<1x125xi32, #tpu.memory_space<vmem>>
        %dma_start3A_62 = tpu.memref_squeeze %dma_start3A_61 : memref<1x125xi32, #tpu.memory_space<vmem>> -> memref<125xi32, #tpu.memory_space<vmem>>
        %dma_start3A_63 = arith.constant 0 : i32
        %dma_start3A_64 = arith.constant 0 : i32
        %dma_start3A_65 = tpu.memref_slice %arg11[%dma_start3A_63, %dma_start3A_64] : memref<10112x128xf32, #tpu.memory_space<vmem_shared>> -> memref<10112x128xf32, #tpu.memory_space<vmem_shared>>
        tpu.enqueue_indirect_dma source(%arg9 : memref<125x128xf32, #tpu.memory_space<vmem>>) target(%dma_start3A_65 : memref<10112x128xf32, #tpu.memory_space<vmem_shared>>) offsets(%dma_start3A_62 : memref<125xi32, #tpu.memory_space<vmem>>) semaphore(%run_scoped3A_59 : memref<!tpu.dma_semaphore, #tpu.memory_space<semaphore_mem>>) {add = true}
        %dma_wait3A_66 = arith.constant 0 : i32
        %dma_wait3A_67 = tpu.memref_slice %arg8[%add3A_33, %dma_wait3A_66] : memref<40x125xi32, #tpu.memory_space<vmem>> -> memref<1x125xi32, #tpu.memory_space<vmem>>
        %dma_wait3A_68 = tpu.memref_squeeze %dma_wait3A_67 : memref<1x125xi32, #tpu.memory_space<vmem>> -> memref<125xi32, #tpu.memory_space<vmem>>
        %dma_wait3A_69 = arith.constant 0 : i32
        %dma_wait3A_70 = arith.constant 0 : i32
        %dma_wait3A_71 = tpu.memref_slice %arg11[%dma_wait3A_69, %dma_wait3A_70] : memref<10112x128xf32, #tpu.memory_space<vmem_shared>> -> memref<10112x128xf32, #tpu.memory_space<vmem_shared>>
        tpu.wait_indirect_dma semaphore(%run_scoped3A_59 : memref<!tpu.dma_semaphore, #tpu.memory_space<semaphore_mem>>) src(%arg9 : memref<125x128xf32, #tpu.memory_space<vmem>>) dst(%dma_wait3A_71 : memref<10112x128xf32, #tpu.memory_space<vmem_shared>>)
        tpu.yield
      }) : () -> ()
      %lt3A = arith.constant 38 : i32
      %lt3A_47 = arith.cmpi slt, %add3A_33, %lt3A : i32
      %convert_element_type3A = arith.extui %lt3A_47 : i1 to i32
      %cond3A = arith.constant 0 : i32
      %cond3A_48 = arith.cmpi ne, %convert_element_type3A, %cond3A : i32
      scf.if %cond3A_48 {
        %add3A_59 = arith.constant 2 : i32
        %add3A_60 = arith.addi %add3A_33, %add3A_59 : i32
        %dma_start3A_61 = arith.constant 0 : i32
        %dma_start3A_62 = tpu.memref_slice %arg7[%add3A_60, %dma_start3A_61] : memref<40x125xi32, #tpu.memory_space<vmem>> -> memref<1x125xi32, #tpu.memory_space<vmem>>
        %dma_start3A_63 = tpu.memref_squeeze %dma_start3A_62 : memref<1x125xi32, #tpu.memory_space<vmem>> -> memref<125xi32, #tpu.memory_space<vmem>>
        %dma_start3A_64 = arith.constant 0 : i32
        %dma_start3A_65 = arith.constant 0 : i32
        %dma_start3A_66 = tpu.memref_slice %arg2[%dma_start3A_64, %dma_start3A_65] : memref<10000x128xf32, #tpu.memory_space<hbm>> -> memref<10000x128xf32, #tpu.memory_space<hbm>>
        tpu.enqueue_indirect_dma source(%dma_start3A_66 : memref<10000x128xf32, #tpu.memory_space<hbm>>) target(%arg9 : memref<125x128xf32, #tpu.memory_space<vmem>>) offsets(%dma_start3A_63 : memref<125xi32, #tpu.memory_space<vmem>>) semaphore(%arg12 : memref<!tpu.dma_semaphore, #tpu.memory_space<semaphore_mem>>)
      } else {
      }
      %add3A_49 = arith.constant 1 : i32
      %add3A_50 = arith.addi %add3A_33, %add3A_49 : i32
      %dma_wait3A_51 = arith.constant 0 : i32
      %dma_wait3A_52 = tpu.memref_slice %arg7[%add3A_50, %dma_wait3A_51] : memref<40x125xi32, #tpu.memory_space<vmem>> -> memref<1x125xi32, #tpu.memory_space<vmem>>
      %dma_wait3A_53 = tpu.memref_squeeze %dma_wait3A_52 : memref<1x125xi32, #tpu.memory_space<vmem>> -> memref<125xi32, #tpu.memory_space<vmem>>
      %dma_wait3A_54 = arith.constant 0 : i32
      %dma_wait3A_55 = arith.constant 0 : i32
      %dma_wait3A_56 = tpu.memref_slice %arg2[%dma_wait3A_54, %dma_wait3A_55] : memref<10000x128xf32, #tpu.memory_space<hbm>> -> memref<10000x128xf32, #tpu.memory_space<hbm>>
      tpu.wait_indirect_dma semaphore(%arg13 : memref<!tpu.dma_semaphore, #tpu.memory_space<semaphore_mem>>) src(%dma_wait3A_56 : memref<10000x128xf32, #tpu.memory_space<hbm>>) dst(%arg10 : memref<125x128xf32, #tpu.memory_space<vmem>>)
      %add3A_57 = arith.constant 1 : i32
      %add3A_58 = arith.addi %add3A_33, %add3A_57 : i32
      "tpu.region"() ({
        %run_scoped3A_59 = tpu.sem_alloc : memref<!tpu.dma_semaphore, #tpu.memory_space<semaphore_mem>>
        %dma_start3A_60 = arith.constant 0 : i32
        %dma_start3A_61 = tpu.memref_slice %arg8[%add3A_58, %dma_start3A_60] : memref<40x125xi32, #tpu.memory_space<vmem>> -> memref<1x125xi32, #tpu.memory_space<vmem>>
        %dma_start3A_62 = tpu.memref_squeeze %dma_start3A_61 : memref<1x125xi32, #tpu.memory_space<vmem>> -> memref<125xi32, #tpu.memory_space<vmem>>
        %dma_start3A_63 = arith.constant 0 : i32
        %dma_start3A_64 = arith.constant 0 : i32
        %dma_start3A_65 = tpu.memref_slice %arg11[%dma_start3A_63, %dma_start3A_64] : memref<10112x128xf32, #tpu.memory_space<vmem_shared>> -> memref<10112x128xf32, #tpu.memory_space<vmem_shared>>
        tpu.enqueue_indirect_dma source(%arg10 : memref<125x128xf32, #tpu.memory_space<vmem>>) target(%dma_start3A_65 : memref<10112x128xf32, #tpu.memory_space<vmem_shared>>) offsets(%dma_start3A_62 : memref<125xi32, #tpu.memory_space<vmem>>) semaphore(%run_scoped3A_59 : memref<!tpu.dma_semaphore, #tpu.memory_space<semaphore_mem>>) {add = true}
        %dma_wait3A_66 = arith.constant 0 : i32
        %dma_wait3A_67 = tpu.memref_slice %arg8[%add3A_58, %dma_wait3A_66] : memref<40x125xi32, #tpu.memory_space<vmem>> -> memref<1x125xi32, #tpu.memory_space<vmem>>
        %dma_wait3A_68 = tpu.memref_squeeze %dma_wait3A_67 : memref<1x125xi32, #tpu.memory_space<vmem>> -> memref<125xi32, #tpu.memory_space<vmem>>
        %dma_wait3A_69 = arith.constant 0 : i32
        %dma_wait3A_70 = arith.constant 0 : i32
        %dma_wait3A_71 = tpu.memref_slice %arg11[%dma_wait3A_69, %dma_wait3A_70] : memref<10112x128xf32, #tpu.memory_space<vmem_shared>> -> memref<10112x128xf32, #tpu.memory_space<vmem_shared>>
        tpu.wait_indirect_dma semaphore(%run_scoped3A_59 : memref<!tpu.dma_semaphore, #tpu.memory_space<semaphore_mem>>) src(%arg10 : memref<125x128xf32, #tpu.memory_space<vmem>>) dst(%dma_wait3A_71 : memref<10112x128xf32, #tpu.memory_space<vmem_shared>>)
        tpu.yield
      }) : () -> ()
    }
    %scan3A_13 = arith.constant 20 : i32
    %run_scoped3A_14 = arith.constant 1 : i32
    "tpu.region"() ({
      %run_scoped3A_29 = tpu.sem_alloc : memref<!tpu.dma_semaphore, #tpu.memory_space<semaphore_mem>>
      %dma_start3A_30 = arith.constant 0 : i32
      %dma_start3A_31 = arith.constant 0 : i32
      %dma_start3A_32 = tpu.memref_slice %arg3[%add3A, %run_scoped3A_14, %dma_start3A_30, %dma_start3A_31] : memref<32x2x40x125xi32, #tpu.memory_space<hbm>> -> memref<1x1x40x125xi32, #tpu.memory_space<hbm>>
      %dma_start3A_33 = tpu.memref_squeeze %dma_start3A_32 : memref<1x1x40x125xi32, #tpu.memory_space<hbm>> -> memref<40x125xi32, #tpu.memory_space<hbm>>
      %dma_start3A_34 = arith.constant 0 : i32
      %dma_start3A_35 = arith.constant 0 : i32
      %dma_start3A_36 = tpu.memref_slice %arg3[%add3A, %run_scoped3A_14, %dma_start3A_34, %dma_start3A_35] : memref<32x2x40x125xi32, #tpu.memory_space<hbm>> -> memref<1x1x40x125xi32, #tpu.memory_space<hbm>>
      %dma_start3A_37 = tpu.memref_squeeze %dma_start3A_36 : memref<1x1x40x125xi32, #tpu.memory_space<hbm>> -> memref<40x125xi32, #tpu.memory_space<hbm>>
      tpu.enqueue_dma source(%dma_start3A_37 : memref<40x125xi32, #tpu.memory_space<hbm>>) target(%arg7 : memref<40x125xi32, #tpu.memory_space<vmem>>) target_semaphore(%run_scoped3A_29 : memref<!tpu.dma_semaphore, #tpu.memory_space<semaphore_mem>>)
      %dma_wait3A = arith.constant 0 : i32
      %dma_wait3A_38 = arith.constant 0 : i32
      %dma_wait3A_39 = tpu.memref_slice %arg3[%add3A, %run_scoped3A_14, %dma_wait3A, %dma_wait3A_38] : memref<32x2x40x125xi32, #tpu.memory_space<hbm>> -> memref<1x1x40x125xi32, #tpu.memory_space<hbm>>
      %dma_wait3A_40 = tpu.memref_squeeze %dma_wait3A_39 : memref<1x1x40x125xi32, #tpu.memory_space<hbm>> -> memref<40x125xi32, #tpu.memory_space<hbm>>
      %dma_wait3A_41 = arith.constant 0 : i32
      %dma_wait3A_42 = arith.constant 0 : i32
      %dma_wait3A_43 = tpu.memref_slice %arg3[%add3A, %run_scoped3A_14, %dma_wait3A_41, %dma_wait3A_42] : memref<32x2x40x125xi32, #tpu.memory_space<hbm>> -> memref<1x1x40x125xi32, #tpu.memory_space<hbm>>
      %dma_wait3A_44 = tpu.memref_squeeze %dma_wait3A_43 : memref<1x1x40x125xi32, #tpu.memory_space<hbm>> -> memref<40x125xi32, #tpu.memory_space<hbm>>
      tpu.wait_dma2 semaphore(%run_scoped3A_29 : memref<!tpu.dma_semaphore, #tpu.memory_space<semaphore_mem>>) src(%dma_wait3A_44 : memref<40x125xi32, #tpu.memory_space<hbm>>) dst(%arg7 : memref<40x125xi32, #tpu.memory_space<vmem>>)
      tpu.yield
    }) : () -> ()
    %run_scoped3A_15 = arith.constant 1 : i32
    "tpu.region"() ({
      %run_scoped3A_29 = tpu.sem_alloc : memref<!tpu.dma_semaphore, #tpu.memory_space<semaphore_mem>>
      %dma_start3A_30 = arith.constant 0 : i32
      %dma_start3A_31 = arith.constant 0 : i32
      %dma_start3A_32 = tpu.memref_slice %arg4[%add3A, %run_scoped3A_15, %dma_start3A_30, %dma_start3A_31] : memref<32x2x40x125xi32, #tpu.memory_space<hbm>> -> memref<1x1x40x125xi32, #tpu.memory_space<hbm>>
      %dma_start3A_33 = tpu.memref_squeeze %dma_start3A_32 : memref<1x1x40x125xi32, #tpu.memory_space<hbm>> -> memref<40x125xi32, #tpu.memory_space<hbm>>
      %dma_start3A_34 = arith.constant 0 : i32
      %dma_start3A_35 = arith.constant 0 : i32
      %dma_start3A_36 = tpu.memref_slice %arg4[%add3A, %run_scoped3A_15, %dma_start3A_34, %dma_start3A_35] : memref<32x2x40x125xi32, #tpu.memory_space<hbm>> -> memref<1x1x40x125xi32, #tpu.memory_space<hbm>>
      %dma_start3A_37 = tpu.memref_squeeze %dma_start3A_36 : memref<1x1x40x125xi32, #tpu.memory_space<hbm>> -> memref<40x125xi32, #tpu.memory_space<hbm>>
      tpu.enqueue_dma source(%dma_start3A_37 : memref<40x125xi32, #tpu.memory_space<hbm>>) target(%arg8 : memref<40x125xi32, #tpu.memory_space<vmem>>) target_semaphore(%run_scoped3A_29 : memref<!tpu.dma_semaphore, #tpu.memory_space<semaphore_mem>>)
      %dma_wait3A = arith.constant 0 : i32
      %dma_wait3A_38 = arith.constant 0 : i32
      %dma_wait3A_39 = tpu.memref_slice %arg4[%add3A, %run_scoped3A_15, %dma_wait3A, %dma_wait3A_38] : memref<32x2x40x125xi32, #tpu.memory_space<hbm>> -> memref<1x1x40x125xi32, #tpu.memory_space<hbm>>
      %dma_wait3A_40 = tpu.memref_squeeze %dma_wait3A_39 : memref<1x1x40x125xi32, #tpu.memory_space<hbm>> -> memref<40x125xi32, #tpu.memory_space<hbm>>
      %dma_wait3A_41 = arith.constant 0 : i32
      %dma_wait3A_42 = arith.constant 0 : i32
      %dma_wait3A_43 = tpu.memref_slice %arg4[%add3A, %run_scoped3A_15, %dma_wait3A_41, %dma_wait3A_42] : memref<32x2x40x125xi32, #tpu.memory_space<hbm>> -> memref<1x1x40x125xi32, #tpu.memory_space<hbm>>
      %dma_wait3A_44 = tpu.memref_squeeze %dma_wait3A_43 : memref<1x1x40x125xi32, #tpu.memory_space<hbm>> -> memref<40x125xi32, #tpu.memory_space<hbm>>
      tpu.wait_dma2 semaphore(%run_scoped3A_29 : memref<!tpu.dma_semaphore, #tpu.memory_space<semaphore_mem>>) src(%dma_wait3A_44 : memref<40x125xi32, #tpu.memory_space<hbm>>) dst(%arg8 : memref<40x125xi32, #tpu.memory_space<vmem>>)
      tpu.yield
    }) : () -> ()
    %dma_start3A_16 = arith.constant 0 : i32
    %dma_start3A_17 = arith.constant 0 : i32
    %dma_start3A_18 = tpu.memref_slice %arg7[%dma_start3A_16, %dma_start3A_17] : memref<40x125xi32, #tpu.memory_space<vmem>> -> memref<1x125xi32, #tpu.memory_space<vmem>>
    %dma_start3A_19 = tpu.memref_squeeze %dma_start3A_18 : memref<1x125xi32, #tpu.memory_space<vmem>> -> memref<125xi32, #tpu.memory_space<vmem>>
    %dma_start3A_20 = arith.constant 0 : i32
    %dma_start3A_21 = arith.constant 0 : i32
    %dma_start3A_22 = tpu.memref_slice %arg2[%dma_start3A_20, %dma_start3A_21] : memref<10000x128xf32, #tpu.memory_space<hbm>> -> memref<10000x128xf32, #tpu.memory_space<hbm>>
    tpu.enqueue_indirect_dma source(%dma_start3A_22 : memref<10000x128xf32, #tpu.memory_space<hbm>>) target(%arg9 : memref<125x128xf32, #tpu.memory_space<vmem>>) offsets(%dma_start3A_19 : memref<125xi32, #tpu.memory_space<vmem>>) semaphore(%arg12 : memref<!tpu.dma_semaphore, #tpu.memory_space<semaphore_mem>>)
    %scan3A_23 = arith.constant 0 : i32
    %scan3A_24 = arith.constant 20 : i32
    %scan3A_25 = arith.addi %scan3A_23, %scan3A_24 : i32
    %scan3A_26 = arith.constant 1 : i32
    scf.for %scan3A_29 = %scan3A_23 to %scan3A_25 step %scan3A_26  : i32 {
      %mul3A_30 = arith.constant 2 : i32
      %mul3A_31 = arith.muli %scan3A_29, %mul3A_30 : i32
      %add3A_32 = arith.constant 0 : i32
      %add3A_33 = arith.addi %add3A_32, %mul3A_31 : i32
      %add3A_34 = arith.constant 1 : i32
      %add3A_35 = arith.addi %add3A_33, %add3A_34 : i32
      %dma_start3A_36 = arith.constant 0 : i32
      %dma_start3A_37 = tpu.memref_slice %arg7[%add3A_35, %dma_start3A_36] : memref<40x125xi32, #tpu.memory_space<vmem>> -> memref<1x125xi32, #tpu.memory_space<vmem>>
      %dma_start3A_38 = tpu.memref_squeeze %dma_start3A_37 : memref<1x125xi32, #tpu.memory_space<vmem>> -> memref<125xi32, #tpu.memory_space<vmem>>
      %dma_start3A_39 = arith.constant 0 : i32
      %dma_start3A_40 = arith.constant 0 : i32
      %dma_start3A_41 = tpu.memref_slice %arg2[%dma_start3A_39, %dma_start3A_40] : memref<10000x128xf32, #tpu.memory_space<hbm>> -> memref<10000x128xf32, #tpu.memory_space<hbm>>
      tpu.enqueue_indirect_dma source(%dma_start3A_41 : memref<10000x128xf32, #tpu.memory_space<hbm>>) target(%arg10 : memref<125x128xf32, #tpu.memory_space<vmem>>) offsets(%dma_start3A_38 : memref<125xi32, #tpu.memory_space<vmem>>) semaphore(%arg13 : memref<!tpu.dma_semaphore, #tpu.memory_space<semaphore_mem>>)
      %dma_wait3A = arith.constant 0 : i32
      %dma_wait3A_42 = tpu.memref_slice %arg7[%add3A_33, %dma_wait3A] : memref<40x125xi32, #tpu.memory_space<vmem>> -> memref<1x125xi32, #tpu.memory_space<vmem>>
      %dma_wait3A_43 = tpu.memref_squeeze %dma_wait3A_42 : memref<1x125xi32, #tpu.memory_space<vmem>> -> memref<125xi32, #tpu.memory_space<vmem>>
      %dma_wait3A_44 = arith.constant 0 : i32
      %dma_wait3A_45 = arith.constant 0 : i32
      %dma_wait3A_46 = tpu.memref_slice %arg2[%dma_wait3A_44, %dma_wait3A_45] : memref<10000x128xf32, #tpu.memory_space<hbm>> -> memref<10000x128xf32, #tpu.memory_space<hbm>>
      tpu.wait_indirect_dma semaphore(%arg12 : memref<!tpu.dma_semaphore, #tpu.memory_space<semaphore_mem>>) src(%dma_wait3A_46 : memref<10000x128xf32, #tpu.memory_space<hbm>>) dst(%arg9 : memref<125x128xf32, #tpu.memory_space<vmem>>)
      "tpu.region"() ({
        %run_scoped3A_59 = tpu.sem_alloc : memref<!tpu.dma_semaphore, #tpu.memory_space<semaphore_mem>>
        %dma_start3A_60 = arith.constant 0 : i32
        %dma_start3A_61 = tpu.memref_slice %arg8[%add3A_33, %dma_start3A_60] : memref<40x125xi32, #tpu.memory_space<vmem>> -> memref<1x125xi32, #tpu.memory_space<vmem>>
        %dma_start3A_62 = tpu.memref_squeeze %dma_start3A_61 : memref<1x125xi32, #tpu.memory_space<vmem>> -> memref<125xi32, #tpu.memory_space<vmem>>
        %dma_start3A_63 = arith.constant 0 : i32
        %dma_start3A_64 = arith.constant 0 : i32
        %dma_start3A_65 = tpu.memref_slice %arg11[%dma_start3A_63, %dma_start3A_64] : memref<10112x128xf32, #tpu.memory_space<vmem_shared>> -> memref<10112x128xf32, #tpu.memory_space<vmem_shared>>
        tpu.enqueue_indirect_dma source(%arg9 : memref<125x128xf32, #tpu.memory_space<vmem>>) target(%dma_start3A_65 : memref<10112x128xf32, #tpu.memory_space<vmem_shared>>) offsets(%dma_start3A_62 : memref<125xi32, #tpu.memory_space<vmem>>) semaphore(%run_scoped3A_59 : memref<!tpu.dma_semaphore, #tpu.memory_space<semaphore_mem>>) {add = true}
        %dma_wait3A_66 = arith.constant 0 : i32
        %dma_wait3A_67 = tpu.memref_slice %arg8[%add3A_33, %dma_wait3A_66] : memref<40x125xi32, #tpu.memory_space<vmem>> -> memref<1x125xi32, #tpu.memory_space<vmem>>
        %dma_wait3A_68 = tpu.memref_squeeze %dma_wait3A_67 : memref<1x125xi32, #tpu.memory_space<vmem>> -> memref<125xi32, #tpu.memory_space<vmem>>
        %dma_wait3A_69 = arith.constant 0 : i32
        %dma_wait3A_70 = arith.constant 0 : i32
        %dma_wait3A_71 = tpu.memref_slice %arg11[%dma_wait3A_69, %dma_wait3A_70] : memref<10112x128xf32, #tpu.memory_space<vmem_shared>> -> memref<10112x128xf32, #tpu.memory_space<vmem_shared>>
        tpu.wait_indirect_dma semaphore(%run_scoped3A_59 : memref<!tpu.dma_semaphore, #tpu.memory_space<semaphore_mem>>) src(%arg9 : memref<125x128xf32, #tpu.memory_space<vmem>>) dst(%dma_wait3A_71 : memref<10112x128xf32, #tpu.memory_space<vmem_shared>>)
        tpu.yield
      }) : () -> ()
      %lt3A = arith.constant 38 : i32
      %lt3A_47 = arith.cmpi slt, %add3A_33, %lt3A : i32
      %convert_element_type3A = arith.extui %lt3A_47 : i1 to i32
      %cond3A = arith.constant 0 : i32
      %cond3A_48 = arith.cmpi ne, %convert_element_type3A, %cond3A : i32
      scf.if %cond3A_48 {
        %add3A_59 = arith.constant 2 : i32
        %add3A_60 = arith.addi %add3A_33, %add3A_59 : i32
        %dma_start3A_61 = arith.constant 0 : i32
        %dma_start3A_62 = tpu.memref_slice %arg7[%add3A_60, %dma_start3A_61] : memref<40x125xi32, #tpu.memory_space<vmem>> -> memref<1x125xi32, #tpu.memory_space<vmem>>
        %dma_start3A_63 = tpu.memref_squeeze %dma_start3A_62 : memref<1x125xi32, #tpu.memory_space<vmem>> -> memref<125xi32, #tpu.memory_space<vmem>>
        %dma_start3A_64 = arith.constant 0 : i32
        %dma_start3A_65 = arith.constant 0 : i32
        %dma_start3A_66 = tpu.memref_slice %arg2[%dma_start3A_64, %dma_start3A_65] : memref<10000x128xf32, #tpu.memory_space<hbm>> -> memref<10000x128xf32, #tpu.memory_space<hbm>>
        tpu.enqueue_indirect_dma source(%dma_start3A_66 : memref<10000x128xf32, #tpu.memory_space<hbm>>) target(%arg9 : memref<125x128xf32, #tpu.memory_space<vmem>>) offsets(%dma_start3A_63 : memref<125xi32, #tpu.memory_space<vmem>>) semaphore(%arg12 : memref<!tpu.dma_semaphore, #tpu.memory_space<semaphore_mem>>)
      } else {
      }
      %add3A_49 = arith.constant 1 : i32
      %add3A_50 = arith.addi %add3A_33, %add3A_49 : i32
      %dma_wait3A_51 = arith.constant 0 : i32
      %dma_wait3A_52 = tpu.memref_slice %arg7[%add3A_50, %dma_wait3A_51] : memref<40x125xi32, #tpu.memory_space<vmem>> -> memref<1x125xi32, #tpu.memory_space<vmem>>
      %dma_wait3A_53 = tpu.memref_squeeze %dma_wait3A_52 : memref<1x125xi32, #tpu.memory_space<vmem>> -> memref<125xi32, #tpu.memory_space<vmem>>
      %dma_wait3A_54 = arith.constant 0 : i32
      %dma_wait3A_55 = arith.constant 0 : i32
      %dma_wait3A_56 = tpu.memref_slice %arg2[%dma_wait3A_54, %dma_wait3A_55] : memref<10000x128xf32, #tpu.memory_space<hbm>> -> memref<10000x128xf32, #tpu.memory_space<hbm>>
      tpu.wait_indirect_dma semaphore(%arg13 : memref<!tpu.dma_semaphore, #tpu.memory_space<semaphore_mem>>) src(%dma_wait3A_56 : memref<10000x128xf32, #tpu.memory_space<hbm>>) dst(%arg10 : memref<125x128xf32, #tpu.memory_space<vmem>>)
      %add3A_57 = arith.constant 1 : i32
      %add3A_58 = arith.addi %add3A_33, %add3A_57 : i32
      "tpu.region"() ({
        %run_scoped3A_59 = tpu.sem_alloc : memref<!tpu.dma_semaphore, #tpu.memory_space<semaphore_mem>>
        %dma_start3A_60 = arith.constant 0 : i32
        %dma_start3A_61 = tpu.memref_slice %arg8[%add3A_58, %dma_start3A_60] : memref<40x125xi32, #tpu.memory_space<vmem>> -> memref<1x125xi32, #tpu.memory_space<vmem>>
        %dma_start3A_62 = tpu.memref_squeeze %dma_start3A_61 : memref<1x125xi32, #tpu.memory_space<vmem>> -> memref<125xi32, #tpu.memory_space<vmem>>
        %dma_start3A_63 = arith.constant 0 : i32
        %dma_start3A_64 = arith.constant 0 : i32
        %dma_start3A_65 = tpu.memref_slice %arg11[%dma_start3A_63, %dma_start3A_64] : memref<10112x128xf32, #tpu.memory_space<vmem_shared>> -> memref<10112x128xf32, #tpu.memory_space<vmem_shared>>
        tpu.enqueue_indirect_dma source(%arg10 : memref<125x128xf32, #tpu.memory_space<vmem>>) target(%dma_start3A_65 : memref<10112x128xf32, #tpu.memory_space<vmem_shared>>) offsets(%dma_start3A_62 : memref<125xi32, #tpu.memory_space<vmem>>) semaphore(%run_scoped3A_59 : memref<!tpu.dma_semaphore, #tpu.memory_space<semaphore_mem>>) {add = true}
        %dma_wait3A_66 = arith.constant 0 : i32
        %dma_wait3A_67 = tpu.memref_slice %arg8[%add3A_58, %dma_wait3A_66] : memref<40x125xi32, #tpu.memory_space<vmem>> -> memref<1x125xi32, #tpu.memory_space<vmem>>
        %dma_wait3A_68 = tpu.memref_squeeze %dma_wait3A_67 : memref<1x125xi32, #tpu.memory_space<vmem>> -> memref<125xi32, #tpu.memory_space<vmem>>
        %dma_wait3A_69 = arith.constant 0 : i32
        %dma_wait3A_70 = arith.constant 0 : i32
        %dma_wait3A_71 = tpu.memref_slice %arg11[%dma_wait3A_69, %dma_wait3A_70] : memref<10112x128xf32, #tpu.memory_space<vmem_shared>> -> memref<10112x128xf32, #tpu.memory_space<vmem_shared>>
        tpu.wait_indirect_dma semaphore(%run_scoped3A_59 : memref<!tpu.dma_semaphore, #tpu.memory_space<semaphore_mem>>) src(%arg10 : memref<125x128xf32, #tpu.memory_space<vmem>>) dst(%dma_wait3A_71 : memref<10112x128xf32, #tpu.memory_space<vmem_shared>>)
        tpu.yield
      }) : () -> ()
    }
    %scan3A_27 = arith.constant 20 : i32
    %barrier3A_28 = arith.constant 0 : index
    tpu.barrier barrier_id(%barrier3A_28)
    "tpu.region"() ({
      %run_scoped3A_29 = tpu.sem_alloc : memref<!tpu.dma_semaphore, #tpu.memory_space<semaphore_mem>>
      %dma_start3A_30 = arith.constant 0 : i32
      %dma_start3A_31 = tpu.memref_slice %arg6[%arg0, %mul3A_2, %dma_start3A_30] : memref<2x10112x128xf32, #tpu.memory_space<hbm>> -> memref<1x632x128xf32, #tpu.memory_space<hbm>>
      %dma_start3A_32 = tpu.memref_squeeze %dma_start3A_31 : memref<1x632x128xf32, #tpu.memory_space<hbm>> -> memref<632x128xf32, #tpu.memory_space<hbm>>
      %dma_start3A_33 = arith.constant 0 : i32
      %dma_start3A_34 = tpu.memref_slice %arg11[%mul3A_2, %dma_start3A_33] : memref<10112x128xf32, #tpu.memory_space<vmem_shared>> -> memref<632x128xf32, #tpu.memory_space<vmem_shared>>
      tpu.enqueue_dma source(%dma_start3A_34 : memref<632x128xf32, #tpu.memory_space<vmem_shared>>) target(%dma_start3A_32 : memref<632x128xf32, #tpu.memory_space<hbm>>) target_semaphore(%run_scoped3A_29 : memref<!tpu.dma_semaphore, #tpu.memory_space<semaphore_mem>>)
      %dma_wait3A = arith.constant 0 : i32
      %dma_wait3A_35 = tpu.memref_slice %arg6[%arg0, %mul3A_2, %dma_wait3A] : memref<2x10112x128xf32, #tpu.memory_space<hbm>> -> memref<1x632x128xf32, #tpu.memory_space<hbm>>
      %dma_wait3A_36 = tpu.memref_squeeze %dma_wait3A_35 : memref<1x632x128xf32, #tpu.memory_space<hbm>> -> memref<632x128xf32, #tpu.memory_space<hbm>>
      %dma_wait3A_37 = arith.constant 0 : i32
      %dma_wait3A_38 = tpu.memref_slice %arg11[%mul3A_2, %dma_wait3A_37] : memref<10112x128xf32, #tpu.memory_space<vmem_shared>> -> memref<632x128xf32, #tpu.memory_space<vmem_shared>>
      tpu.wait_dma2 semaphore(%run_scoped3A_29 : memref<!tpu.dma_semaphore, #tpu.memory_space<semaphore_mem>>) src(%dma_wait3A_38 : memref<632x128xf32, #tpu.memory_space<vmem_shared>>) dst(%dma_wait3A_36 : memref<632x128xf32, #tpu.memory_space<hbm>>)
      tpu.yield
    }) : () -> ()
    return
  }
}

#map = affine_map<(d0, d1) -> (0, 0, 0)>
#map1 = affine_map<(d0, d1) -> (0, 0)>
module attributes {stable_mosaic.version = 14 : i64} {
  func.func @body(%arg0: i32, %arg1: i32, %arg2: memref<32x80x125xi32, #tpu.memory_space<hbm>>, %arg3: memref<10112x16xf32, #tpu.memory_space<hbm>>, %arg4: memref<125x16xf32, #tpu.memory_space<hbm>>, %arg5: memref<2x10112x16xf32, #tpu.memory_space<hbm>>, %arg6: memref<80x125xi32, #tpu.memory_space<vmem>>, %arg7: memref<125x16xf32, #tpu.memory_space<vmem>>, %arg8: memref<10112x16xf32, #tpu.memory_space<vmem_shared>>) attributes {dimension_semantics = [#tpu.dimension_semantics<core_parallel>, #tpu.dimension_semantics<subcore_parallel>], iteration_bounds = array<i64: 2, 16>, scalar_prefetch = 0 : i64, scratch_operands = 3 : i64, tpu.core_type = #tpu.core_type<sc_vector_subcore>, window_params = [{transform_indices = #map}, {transform_indices = #map1}, {transform_indices = #map1}, {transform_indices = #map}]} {
    %mul3A = arith.constant 16 : i32
    %mul3A_0 = arith.muli %arg0, %mul3A : i32
    %add3A = arith.addi %mul3A_0, %arg1 : i32
    %mul3A_1 = arith.constant 632 : i32
    %mul3A_2 = arith.muli %arg1, %mul3A_1 : i32
    "tpu.region"() ({
      %run_scoped3A = tpu.sem_alloc : memref<!tpu.dma_semaphore, #tpu.memory_space<semaphore_mem>>
      %dma_start3A = arith.constant 0 : i32
      %dma_start3A_8 = tpu.memref_slice %arg8[%mul3A_2, %dma_start3A] : memref<10112x16xf32, #tpu.memory_space<vmem_shared>> -> memref<632x16xf32, #tpu.memory_space<vmem_shared>>
      %dma_start3A_9 = arith.constant 0 : i32
      %dma_start3A_10 = tpu.memref_slice %arg3[%mul3A_2, %dma_start3A_9] : memref<10112x16xf32, #tpu.memory_space<hbm>> -> memref<632x16xf32, #tpu.memory_space<hbm>>
      tpu.enqueue_dma source(%dma_start3A_10 : memref<632x16xf32, #tpu.memory_space<hbm>>) target(%dma_start3A_8 : memref<632x16xf32, #tpu.memory_space<vmem_shared>>) target_semaphore(%run_scoped3A : memref<!tpu.dma_semaphore, #tpu.memory_space<semaphore_mem>>)
      %dma_wait3A = arith.constant 0 : i32
      %dma_wait3A_11 = tpu.memref_slice %arg8[%mul3A_2, %dma_wait3A] : memref<10112x16xf32, #tpu.memory_space<vmem_shared>> -> memref<632x16xf32, #tpu.memory_space<vmem_shared>>
      %dma_wait3A_12 = arith.constant 0 : i32
      %dma_wait3A_13 = tpu.memref_slice %arg3[%mul3A_2, %dma_wait3A_12] : memref<10112x16xf32, #tpu.memory_space<hbm>> -> memref<632x16xf32, #tpu.memory_space<hbm>>
      tpu.wait_dma2 semaphore(%run_scoped3A : memref<!tpu.dma_semaphore, #tpu.memory_space<semaphore_mem>>) src(%dma_wait3A_13 : memref<632x16xf32, #tpu.memory_space<hbm>>) dst(%dma_wait3A_11 : memref<632x16xf32, #tpu.memory_space<vmem_shared>>)
      tpu.yield
    }) : () -> ()
    "tpu.region"() ({
      %run_scoped3A = tpu.sem_alloc : memref<!tpu.dma_semaphore, #tpu.memory_space<semaphore_mem>>
      %dma_start3A = arith.constant 0 : i32
      %dma_start3A_8 = arith.constant 0 : i32
      %dma_start3A_9 = tpu.memref_slice %arg2[%add3A, %dma_start3A, %dma_start3A_8] : memref<32x80x125xi32, #tpu.memory_space<hbm>> -> memref<1x80x125xi32, #tpu.memory_space<hbm>>
      %dma_start3A_10 = tpu.memref_squeeze %dma_start3A_9 : memref<1x80x125xi32, #tpu.memory_space<hbm>> -> memref<80x125xi32, #tpu.memory_space<hbm>>
      %dma_start3A_11 = arith.constant 0 : i32
      %dma_start3A_12 = arith.constant 0 : i32
      %dma_start3A_13 = tpu.memref_slice %arg2[%add3A, %dma_start3A_11, %dma_start3A_12] : memref<32x80x125xi32, #tpu.memory_space<hbm>> -> memref<1x80x125xi32, #tpu.memory_space<hbm>>
      %dma_start3A_14 = tpu.memref_squeeze %dma_start3A_13 : memref<1x80x125xi32, #tpu.memory_space<hbm>> -> memref<80x125xi32, #tpu.memory_space<hbm>>
      tpu.enqueue_dma source(%dma_start3A_14 : memref<80x125xi32, #tpu.memory_space<hbm>>) target(%arg6 : memref<80x125xi32, #tpu.memory_space<vmem>>) target_semaphore(%run_scoped3A : memref<!tpu.dma_semaphore, #tpu.memory_space<semaphore_mem>>)
      %dma_wait3A = arith.constant 0 : i32
      %dma_wait3A_15 = arith.constant 0 : i32
      %dma_wait3A_16 = tpu.memref_slice %arg2[%add3A, %dma_wait3A, %dma_wait3A_15] : memref<32x80x125xi32, #tpu.memory_space<hbm>> -> memref<1x80x125xi32, #tpu.memory_space<hbm>>
      %dma_wait3A_17 = tpu.memref_squeeze %dma_wait3A_16 : memref<1x80x125xi32, #tpu.memory_space<hbm>> -> memref<80x125xi32, #tpu.memory_space<hbm>>
      %dma_wait3A_18 = arith.constant 0 : i32
      %dma_wait3A_19 = arith.constant 0 : i32
      %dma_wait3A_20 = tpu.memref_slice %arg2[%add3A, %dma_wait3A_18, %dma_wait3A_19] : memref<32x80x125xi32, #tpu.memory_space<hbm>> -> memref<1x80x125xi32, #tpu.memory_space<hbm>>
      %dma_wait3A_21 = tpu.memref_squeeze %dma_wait3A_20 : memref<1x80x125xi32, #tpu.memory_space<hbm>> -> memref<80x125xi32, #tpu.memory_space<hbm>>
      tpu.wait_dma2 semaphore(%run_scoped3A : memref<!tpu.dma_semaphore, #tpu.memory_space<semaphore_mem>>) src(%dma_wait3A_21 : memref<80x125xi32, #tpu.memory_space<hbm>>) dst(%arg6 : memref<80x125xi32, #tpu.memory_space<vmem>>)
      tpu.yield
    }) : () -> ()
    "tpu.region"() ({
      %run_scoped3A = tpu.sem_alloc : memref<!tpu.dma_semaphore, #tpu.memory_space<semaphore_mem>>
      tpu.enqueue_dma source(%arg4 : memref<125x16xf32, #tpu.memory_space<hbm>>) target(%arg7 : memref<125x16xf32, #tpu.memory_space<vmem>>) target_semaphore(%run_scoped3A : memref<!tpu.dma_semaphore, #tpu.memory_space<semaphore_mem>>)
      tpu.wait_dma2 semaphore(%run_scoped3A : memref<!tpu.dma_semaphore, #tpu.memory_space<semaphore_mem>>) src(%arg4 : memref<125x16xf32, #tpu.memory_space<hbm>>) dst(%arg7 : memref<125x16xf32, #tpu.memory_space<vmem>>)
      tpu.yield
    }) : () -> ()
    %barrier3A = arith.constant 0 : index
    tpu.barrier barrier_id(%barrier3A)
    %scan3A = arith.constant 0 : i32
    %scan3A_3 = arith.constant 80 : i32
    %scan3A_4 = arith.addi %scan3A, %scan3A_3 : i32
    %scan3A_5 = arith.constant 1 : i32
    scf.for %scan3A_8 = %scan3A to %scan3A_4 step %scan3A_5  : i32 {
      %mul3A_9 = arith.constant 1 : i32
      %mul3A_10 = arith.muli %scan3A_8, %mul3A_9 : i32
      %add3A_11 = arith.constant 0 : i32
      %add3A_12 = arith.addi %add3A_11, %mul3A_10 : i32
      "tpu.region"() ({
        %run_scoped3A = tpu.sem_alloc : memref<!tpu.dma_semaphore, #tpu.memory_space<semaphore_mem>>
        %dma_start3A = arith.constant 0 : i32
        %dma_start3A_13 = tpu.memref_slice %arg6[%add3A_12, %dma_start3A] : memref<80x125xi32, #tpu.memory_space<vmem>> -> memref<1x125xi32, #tpu.memory_space<vmem>>
        %dma_start3A_14 = tpu.memref_squeeze %dma_start3A_13 : memref<1x125xi32, #tpu.memory_space<vmem>> -> memref<125xi32, #tpu.memory_space<vmem>>
        %dma_start3A_15 = arith.constant 0 : i32
        %dma_start3A_16 = arith.constant 0 : i32
        %dma_start3A_17 = tpu.memref_slice %arg8[%dma_start3A_15, %dma_start3A_16] : memref<10112x16xf32, #tpu.memory_space<vmem_shared>> -> memref<10112x16xf32, #tpu.memory_space<vmem_shared>>
        tpu.enqueue_indirect_dma source(%arg7 : memref<125x16xf32, #tpu.memory_space<vmem>>) target(%dma_start3A_17 : memref<10112x16xf32, #tpu.memory_space<vmem_shared>>) offsets(%dma_start3A_14 : memref<125xi32, #tpu.memory_space<vmem>>) semaphore(%run_scoped3A : memref<!tpu.dma_semaphore, #tpu.memory_space<semaphore_mem>>) {add = true}
        %dma_wait3A = arith.constant 0 : i32
        %dma_wait3A_18 = tpu.memref_slice %arg6[%add3A_12, %dma_wait3A] : memref<80x125xi32, #tpu.memory_space<vmem>> -> memref<1x125xi32, #tpu.memory_space<vmem>>
        %dma_wait3A_19 = tpu.memref_squeeze %dma_wait3A_18 : memref<1x125xi32, #tpu.memory_space<vmem>> -> memref<125xi32, #tpu.memory_space<vmem>>
        %dma_wait3A_20 = arith.constant 0 : i32
        %dma_wait3A_21 = arith.constant 0 : i32
        %dma_wait3A_22 = tpu.memref_slice %arg8[%dma_wait3A_20, %dma_wait3A_21] : memref<10112x16xf32, #tpu.memory_space<vmem_shared>> -> memref<10112x16xf32, #tpu.memory_space<vmem_shared>>
        tpu.wait_indirect_dma semaphore(%run_scoped3A : memref<!tpu.dma_semaphore, #tpu.memory_space<semaphore_mem>>) src(%arg7 : memref<125x16xf32, #tpu.memory_space<vmem>>) dst(%dma_wait3A_22 : memref<10112x16xf32, #tpu.memory_space<vmem_shared>>)
        tpu.yield
      }) : () -> ()
    }
    %scan3A_6 = arith.constant 80 : i32
    %barrier3A_7 = arith.constant 0 : index
    tpu.barrier barrier_id(%barrier3A_7)
    "tpu.region"() ({
      %run_scoped3A = tpu.sem_alloc : memref<!tpu.dma_semaphore, #tpu.memory_space<semaphore_mem>>
      %dma_start3A = arith.constant 0 : i32
      %dma_start3A_8 = tpu.memref_slice %arg5[%arg0, %mul3A_2, %dma_start3A] : memref<2x10112x16xf32, #tpu.memory_space<hbm>> -> memref<1x632x16xf32, #tpu.memory_space<hbm>>
      %dma_start3A_9 = tpu.memref_squeeze %dma_start3A_8 : memref<1x632x16xf32, #tpu.memory_space<hbm>> -> memref<632x16xf32, #tpu.memory_space<hbm>>
      %dma_start3A_10 = arith.constant 0 : i32
      %dma_start3A_11 = tpu.memref_slice %arg8[%mul3A_2, %dma_start3A_10] : memref<10112x16xf32, #tpu.memory_space<vmem_shared>> -> memref<632x16xf32, #tpu.memory_space<vmem_shared>>
      tpu.enqueue_dma source(%dma_start3A_11 : memref<632x16xf32, #tpu.memory_space<vmem_shared>>) target(%dma_start3A_9 : memref<632x16xf32, #tpu.memory_space<hbm>>) target_semaphore(%run_scoped3A : memref<!tpu.dma_semaphore, #tpu.memory_space<semaphore_mem>>)
      %dma_wait3A = arith.constant 0 : i32
      %dma_wait3A_12 = tpu.memref_slice %arg5[%arg0, %mul3A_2, %dma_wait3A] : memref<2x10112x16xf32, #tpu.memory_space<hbm>> -> memref<1x632x16xf32, #tpu.memory_space<hbm>>
      %dma_wait3A_13 = tpu.memref_squeeze %dma_wait3A_12 : memref<1x632x16xf32, #tpu.memory_space<hbm>> -> memref<632x16xf32, #tpu.memory_space<hbm>>
      %dma_wait3A_14 = arith.constant 0 : i32
      %dma_wait3A_15 = tpu.memref_slice %arg8[%mul3A_2, %dma_wait3A_14] : memref<10112x16xf32, #tpu.memory_space<vmem_shared>> -> memref<632x16xf32, #tpu.memory_space<vmem_shared>>
      tpu.wait_dma2 semaphore(%run_scoped3A : memref<!tpu.dma_semaphore, #tpu.memory_space<semaphore_mem>>) src(%dma_wait3A_15 : memref<632x16xf32, #tpu.memory_space<vmem_shared>>) dst(%dma_wait3A_13 : memref<632x16xf32, #tpu.memory_space<hbm>>)
      tpu.yield
    }) : () -> ()
    return
  }
}

#map = affine_map<(d0, d1) -> (0, 0)>
#map1 = affine_map<(d0, d1) -> (0, 0, 0, 0)>
#map2 = affine_map<(d0, d1) -> (0, 0, 0)>
module attributes {stable_mosaic.version = 14 : i64} {
  func.func @body(%arg0: i32, %arg1: i32, %arg2: memref<10000x128xf32, #tpu.memory_space<hbm>>, %arg3: memref<32x2x40x125xi32, #tpu.memory_space<hbm>>, %arg4: memref<32x2x40x125xi32, #tpu.memory_space<hbm>>, %arg5: memref<10112x128xf32, #tpu.memory_space<hbm>>, %arg6: memref<2x10112x128xf32, #tpu.memory_space<hbm>>, %arg7: memref<40x125xi32, #tpu.memory_space<vmem>>, %arg8: memref<40x125xi32, #tpu.memory_space<vmem>>, %arg9: memref<125x128xf32, #tpu.memory_space<vmem>>, %arg10: memref<125x128xf32, #tpu.memory_space<vmem>>, %arg11: memref<10112x128xf32, #tpu.memory_space<vmem_shared>>, %arg12: memref<!tpu.dma_semaphore, #tpu.memory_space<semaphore_mem>>, %arg13: memref<!tpu.dma_semaphore, #tpu.memory_space<semaphore_mem>>) attributes {dimension_semantics = [#tpu.dimension_semantics<core_parallel>, #tpu.dimension_semantics<subcore_parallel>], iteration_bounds = array<i64: 2, 16>, scalar_prefetch = 0 : i64, scratch_operands = 7 : i64, tpu.core_type = #tpu.core_type<sc_vector_subcore>, window_params = [{transform_indices = #map}, {transform_indices = #map1}, {transform_indices = #map1}, {transform_indices = #map}, {transform_indices = #map2}]} {
    %mul3A = arith.constant 16 : i32
    %mul3A_0 = arith.muli %arg0, %mul3A : i32
    %add3A = arith.addi %mul3A_0, %arg1 : i32
    %mul3A_1 = arith.constant 632 : i32
    %mul3A_2 = arith.muli %arg1, %mul3A_1 : i32
    "tpu.region"() ({
      %run_scoped3A_29 = tpu.sem_alloc : memref<!tpu.dma_semaphore, #tpu.memory_space<semaphore_mem>>
      %dma_start3A_30 = arith.constant 0 : i32
      %dma_start3A_31 = tpu.memref_slice %arg11[%mul3A_2, %dma_start3A_30] : memref<10112x128xf32, #tpu.memory_space<vmem_shared>> -> memref<632x128xf32, #tpu.memory_space<vmem_shared>>
      %dma_start3A_32 = arith.constant 0 : i32
      %dma_start3A_33 = tpu.memref_slice %arg5[%mul3A_2, %dma_start3A_32] : memref<10112x128xf32, #tpu.memory_space<hbm>> -> memref<632x128xf32, #tpu.memory_space<hbm>>
      tpu.enqueue_dma source(%dma_start3A_33 : memref<632x128xf32, #tpu.memory_space<hbm>>) target(%dma_start3A_31 : memref<632x128xf32, #tpu.memory_space<vmem_shared>>) target_semaphore(%run_scoped3A_29 : memref<!tpu.dma_semaphore, #tpu.memory_space<semaphore_mem>>)
      %dma_wait3A = arith.constant 0 : i32
      %dma_wait3A_34 = tpu.memref_slice %arg11[%mul3A_2, %dma_wait3A] : memref<10112x128xf32, #tpu.memory_space<vmem_shared>> -> memref<632x128xf32, #tpu.memory_space<vmem_shared>>
      %dma_wait3A_35 = arith.constant 0 : i32
      %dma_wait3A_36 = tpu.memref_slice %arg5[%mul3A_2, %dma_wait3A_35] : memref<10112x128xf32, #tpu.memory_space<hbm>> -> memref<632x128xf32, #tpu.memory_space<hbm>>
      tpu.wait_dma2 semaphore(%run_scoped3A_29 : memref<!tpu.dma_semaphore, #tpu.memory_space<semaphore_mem>>) src(%dma_wait3A_36 : memref<632x128xf32, #tpu.memory_space<hbm>>) dst(%dma_wait3A_34 : memref<632x128xf32, #tpu.memory_space<vmem_shared>>)
      tpu.yield
    }) : () -> ()
    %barrier3A = arith.constant 0 : index
    tpu.barrier barrier_id(%barrier3A)
    %run_scoped3A = arith.constant 0 : i32
    "tpu.region"() ({
      %run_scoped3A_29 = tpu.sem_alloc : memref<!tpu.dma_semaphore, #tpu.memory_space<semaphore_mem>>
      %dma_start3A_30 = arith.constant 0 : i32
      %dma_start3A_31 = arith.constant 0 : i32
      %dma_start3A_32 = tpu.memref_slice %arg3[%add3A, %run_scoped3A, %dma_start3A_30, %dma_start3A_31] : memref<32x2x40x125xi32, #tpu.memory_space<hbm>> -> memref<1x1x40x125xi32, #tpu.memory_space<hbm>>
      %dma_start3A_33 = tpu.memref_squeeze %dma_start3A_32 : memref<1x1x40x125xi32, #tpu.memory_space<hbm>> -> memref<40x125xi32, #tpu.memory_space<hbm>>
      %dma_start3A_34 = arith.constant 0 : i32
      %dma_start3A_35 = arith.constant 0 : i32
      %dma_start3A_36 = tpu.memref_slice %arg3[%add3A, %run_scoped3A, %dma_start3A_34, %dma_start3A_35] : memref<32x2x40x125xi32, #tpu.memory_space<hbm>> -> memref<1x1x40x125xi32, #tpu.memory_space<hbm>>
      %dma_start3A_37 = tpu.memref_squeeze %dma_start3A_36 : memref<1x1x40x125xi32, #tpu.memory_space<hbm>> -> memref<40x125xi32, #tpu.memory_space<hbm>>
      tpu.enqueue_dma source(%dma_start3A_37 : memref<40x125xi32, #tpu.memory_space<hbm>>) target(%arg7 : memref<40x125xi32, #tpu.memory_space<vmem>>) target_semaphore(%run_scoped3A_29 : memref<!tpu.dma_semaphore, #tpu.memory_space<semaphore_mem>>)
      %dma_wait3A = arith.constant 0 : i32
      %dma_wait3A_38 = arith.constant 0 : i32
      %dma_wait3A_39 = tpu.memref_slice %arg3[%add3A, %run_scoped3A, %dma_wait3A, %dma_wait3A_38] : memref<32x2x40x125xi32, #tpu.memory_space<hbm>> -> memref<1x1x40x125xi32, #tpu.memory_space<hbm>>
      %dma_wait3A_40 = tpu.memref_squeeze %dma_wait3A_39 : memref<1x1x40x125xi32, #tpu.memory_space<hbm>> -> memref<40x125xi32, #tpu.memory_space<hbm>>
      %dma_wait3A_41 = arith.constant 0 : i32
      %dma_wait3A_42 = arith.constant 0 : i32
      %dma_wait3A_43 = tpu.memref_slice %arg3[%add3A, %run_scoped3A, %dma_wait3A_41, %dma_wait3A_42] : memref<32x2x40x125xi32, #tpu.memory_space<hbm>> -> memref<1x1x40x125xi32, #tpu.memory_space<hbm>>
      %dma_wait3A_44 = tpu.memref_squeeze %dma_wait3A_43 : memref<1x1x40x125xi32, #tpu.memory_space<hbm>> -> memref<40x125xi32, #tpu.memory_space<hbm>>
      tpu.wait_dma2 semaphore(%run_scoped3A_29 : memref<!tpu.dma_semaphore, #tpu.memory_space<semaphore_mem>>) src(%dma_wait3A_44 : memref<40x125xi32, #tpu.memory_space<hbm>>) dst(%arg7 : memref<40x125xi32, #tpu.memory_space<vmem>>)
      tpu.yield
    }) : () -> ()
    %run_scoped3A_3 = arith.constant 0 : i32
    "tpu.region"() ({
      %run_scoped3A_29 = tpu.sem_alloc : memref<!tpu.dma_semaphore, #tpu.memory_space<semaphore_mem>>
      %dma_start3A_30 = arith.constant 0 : i32
      %dma_start3A_31 = arith.constant 0 : i32
      %dma_start3A_32 = tpu.memref_slice %arg4[%add3A, %run_scoped3A_3, %dma_start3A_30, %dma_start3A_31] : memref<32x2x40x125xi32, #tpu.memory_space<hbm>> -> memref<1x1x40x125xi32, #tpu.memory_space<hbm>>
      %dma_start3A_33 = tpu.memref_squeeze %dma_start3A_32 : memref<1x1x40x125xi32, #tpu.memory_space<hbm>> -> memref<40x125xi32, #tpu.memory_space<hbm>>
      %dma_start3A_34 = arith.constant 0 : i32
      %dma_start3A_35 = arith.constant 0 : i32
      %dma_start3A_36 = tpu.memref_slice %arg4[%add3A, %run_scoped3A_3, %dma_start3A_34, %dma_start3A_35] : memref<32x2x40x125xi32, #tpu.memory_space<hbm>> -> memref<1x1x40x125xi32, #tpu.memory_space<hbm>>
      %dma_start3A_37 = tpu.memref_squeeze %dma_start3A_36 : memref<1x1x40x125xi32, #tpu.memory_space<hbm>> -> memref<40x125xi32, #tpu.memory_space<hbm>>
      tpu.enqueue_dma source(%dma_start3A_37 : memref<40x125xi32, #tpu.memory_space<hbm>>) target(%arg8 : memref<40x125xi32, #tpu.memory_space<vmem>>) target_semaphore(%run_scoped3A_29 : memref<!tpu.dma_semaphore, #tpu.memory_space<semaphore_mem>>)
      %dma_wait3A = arith.constant 0 : i32
      %dma_wait3A_38 = arith.constant 0 : i32
      %dma_wait3A_39 = tpu.memref_slice %arg4[%add3A, %run_scoped3A_3, %dma_wait3A, %dma_wait3A_38] : memref<32x2x40x125xi32, #tpu.memory_space<hbm>> -> memref<1x1x40x125xi32, #tpu.memory_space<hbm>>
      %dma_wait3A_40 = tpu.memref_squeeze %dma_wait3A_39 : memref<1x1x40x125xi32, #tpu.memory_space<hbm>> -> memref<40x125xi32, #tpu.memory_space<hbm>>
      %dma_wait3A_41 = arith.constant 0 : i32
      %dma_wait3A_42 = arith.constant 0 : i32
      %dma_wait3A_43 = tpu.memref_slice %arg4[%add3A, %run_scoped3A_3, %dma_wait3A_41, %dma_wait3A_42] : memref<32x2x40x125xi32, #tpu.memory_space<hbm>> -> memref<1x1x40x125xi32, #tpu.memory_space<hbm>>
      %dma_wait3A_44 = tpu.memref_squeeze %dma_wait3A_43 : memref<1x1x40x125xi32, #tpu.memory_space<hbm>> -> memref<40x125xi32, #tpu.memory_space<hbm>>
      tpu.wait_dma2 semaphore(%run_scoped3A_29 : memref<!tpu.dma_semaphore, #tpu.memory_space<semaphore_mem>>) src(%dma_wait3A_44 : memref<40x125xi32, #tpu.memory_space<hbm>>) dst(%arg8 : memref<40x125xi32, #tpu.memory_space<vmem>>)
      tpu.yield
    }) : () -> ()
    %dma_start3A = arith.constant 0 : i32
    %dma_start3A_4 = arith.constant 0 : i32
    %dma_start3A_5 = tpu.memref_slice %arg7[%dma_start3A, %dma_start3A_4] : memref<40x125xi32, #tpu.memory_space<vmem>> -> memref<1x125xi32, #tpu.memory_space<vmem>>
    %dma_start3A_6 = tpu.memref_squeeze %dma_start3A_5 : memref<1x125xi32, #tpu.memory_space<vmem>> -> memref<125xi32, #tpu.memory_space<vmem>>
    %dma_start3A_7 = arith.constant 0 : i32
    %dma_start3A_8 = arith.constant 0 : i32
    %dma_start3A_9 = tpu.memref_slice %arg2[%dma_start3A_7, %dma_start3A_8] : memref<10000x128xf32, #tpu.memory_space<hbm>> -> memref<10000x128xf32, #tpu.memory_space<hbm>>
    tpu.enqueue_indirect_dma source(%dma_start3A_9 : memref<10000x128xf32, #tpu.memory_space<hbm>>) target(%arg9 : memref<125x128xf32, #tpu.memory_space<vmem>>) offsets(%dma_start3A_6 : memref<125xi32, #tpu.memory_space<vmem>>) semaphore(%arg12 : memref<!tpu.dma_semaphore, #tpu.memory_space<semaphore_mem>>)
    %scan3A = arith.constant 0 : i32
    %scan3A_10 = arith.constant 20 : i32
    %scan3A_11 = arith.addi %scan3A, %scan3A_10 : i32
    %scan3A_12 = arith.constant 1 : i32
    scf.for %scan3A_29 = %scan3A to %scan3A_11 step %scan3A_12  : i32 {
      %mul3A_30 = arith.constant 2 : i32
      %mul3A_31 = arith.muli %scan3A_29, %mul3A_30 : i32
      %add3A_32 = arith.constant 0 : i32
      %add3A_33 = arith.addi %add3A_32, %mul3A_31 : i32
      %add3A_34 = arith.constant 1 : i32
      %add3A_35 = arith.addi %add3A_33, %add3A_34 : i32
      %dma_start3A_36 = arith.constant 0 : i32
      %dma_start3A_37 = tpu.memref_slice %arg7[%add3A_35, %dma_start3A_36] : memref<40x125xi32, #tpu.memory_space<vmem>> -> memref<1x125xi32, #tpu.memory_space<vmem>>
      %dma_start3A_38 = tpu.memref_squeeze %dma_start3A_37 : memref<1x125xi32, #tpu.memory_space<vmem>> -> memref<125xi32, #tpu.memory_space<vmem>>
      %dma_start3A_39 = arith.constant 0 : i32
      %dma_start3A_40 = arith.constant 0 : i32
      %dma_start3A_41 = tpu.memref_slice %arg2[%dma_start3A_39, %dma_start3A_40] : memref<10000x128xf32, #tpu.memory_space<hbm>> -> memref<10000x128xf32, #tpu.memory_space<hbm>>
      tpu.enqueue_indirect_dma source(%dma_start3A_41 : memref<10000x128xf32, #tpu.memory_space<hbm>>) target(%arg10 : memref<125x128xf32, #tpu.memory_space<vmem>>) offsets(%dma_start3A_38 : memref<125xi32, #tpu.memory_space<vmem>>) semaphore(%arg13 : memref<!tpu.dma_semaphore, #tpu.memory_space<semaphore_mem>>)
      %dma_wait3A = arith.constant 0 : i32
      %dma_wait3A_42 = tpu.memref_slice %arg7[%add3A_33, %dma_wait3A] : memref<40x125xi32, #tpu.memory_space<vmem>> -> memref<1x125xi32, #tpu.memory_space<vmem>>
      %dma_wait3A_43 = tpu.memref_squeeze %dma_wait3A_42 : memref<1x125xi32, #tpu.memory_space<vmem>> -> memref<125xi32, #tpu.memory_space<vmem>>
      %dma_wait3A_44 = arith.constant 0 : i32
      %dma_wait3A_45 = arith.constant 0 : i32
      %dma_wait3A_46 = tpu.memref_slice %arg2[%dma_wait3A_44, %dma_wait3A_45] : memref<10000x128xf32, #tpu.memory_space<hbm>> -> memref<10000x128xf32, #tpu.memory_space<hbm>>
      tpu.wait_indirect_dma semaphore(%arg12 : memref<!tpu.dma_semaphore, #tpu.memory_space<semaphore_mem>>) src(%dma_wait3A_46 : memref<10000x128xf32, #tpu.memory_space<hbm>>) dst(%arg9 : memref<125x128xf32, #tpu.memory_space<vmem>>)
      "tpu.region"() ({
        %run_scoped3A_59 = tpu.sem_alloc : memref<!tpu.dma_semaphore, #tpu.memory_space<semaphore_mem>>
        %dma_start3A_60 = arith.constant 0 : i32
        %dma_start3A_61 = tpu.memref_slice %arg8[%add3A_33, %dma_start3A_60] : memref<40x125xi32, #tpu.memory_space<vmem>> -> memref<1x125xi32, #tpu.memory_space<vmem>>
        %dma_start3A_62 = tpu.memref_squeeze %dma_start3A_61 : memref<1x125xi32, #tpu.memory_space<vmem>> -> memref<125xi32, #tpu.memory_space<vmem>>
        %dma_start3A_63 = arith.constant 0 : i32
        %dma_start3A_64 = arith.constant 0 : i32
        %dma_start3A_65 = tpu.memref_slice %arg11[%dma_start3A_63, %dma_start3A_64] : memref<10112x128xf32, #tpu.memory_space<vmem_shared>> -> memref<10112x128xf32, #tpu.memory_space<vmem_shared>>
        tpu.enqueue_indirect_dma source(%arg9 : memref<125x128xf32, #tpu.memory_space<vmem>>) target(%dma_start3A_65 : memref<10112x128xf32, #tpu.memory_space<vmem_shared>>) offsets(%dma_start3A_62 : memref<125xi32, #tpu.memory_space<vmem>>) semaphore(%run_scoped3A_59 : memref<!tpu.dma_semaphore, #tpu.memory_space<semaphore_mem>>) {add = true}
        %dma_wait3A_66 = arith.constant 0 : i32
        %dma_wait3A_67 = tpu.memref_slice %arg8[%add3A_33, %dma_wait3A_66] : memref<40x125xi32, #tpu.memory_space<vmem>> -> memref<1x125xi32, #tpu.memory_space<vmem>>
        %dma_wait3A_68 = tpu.memref_squeeze %dma_wait3A_67 : memref<1x125xi32, #tpu.memory_space<vmem>> -> memref<125xi32, #tpu.memory_space<vmem>>
        %dma_wait3A_69 = arith.constant 0 : i32
        %dma_wait3A_70 = arith.constant 0 : i32
        %dma_wait3A_71 = tpu.memref_slice %arg11[%dma_wait3A_69, %dma_wait3A_70] : memref<10112x128xf32, #tpu.memory_space<vmem_shared>> -> memref<10112x128xf32, #tpu.memory_space<vmem_shared>>
        tpu.wait_indirect_dma semaphore(%run_scoped3A_59 : memref<!tpu.dma_semaphore, #tpu.memory_space<semaphore_mem>>) src(%arg9 : memref<125x128xf32, #tpu.memory_space<vmem>>) dst(%dma_wait3A_71 : memref<10112x128xf32, #tpu.memory_space<vmem_shared>>)
        tpu.yield
      }) : () -> ()
      %lt3A = arith.constant 38 : i32
      %lt3A_47 = arith.cmpi slt, %add3A_33, %lt3A : i32
      %convert_element_type3A = arith.extui %lt3A_47 : i1 to i32
      %cond3A = arith.constant 0 : i32
      %cond3A_48 = arith.cmpi ne, %convert_element_type3A, %cond3A : i32
      scf.if %cond3A_48 {
        %add3A_59 = arith.constant 2 : i32
        %add3A_60 = arith.addi %add3A_33, %add3A_59 : i32
        %dma_start3A_61 = arith.constant 0 : i32
        %dma_start3A_62 = tpu.memref_slice %arg7[%add3A_60, %dma_start3A_61] : memref<40x125xi32, #tpu.memory_space<vmem>> -> memref<1x125xi32, #tpu.memory_space<vmem>>
        %dma_start3A_63 = tpu.memref_squeeze %dma_start3A_62 : memref<1x125xi32, #tpu.memory_space<vmem>> -> memref<125xi32, #tpu.memory_space<vmem>>
        %dma_start3A_64 = arith.constant 0 : i32
        %dma_start3A_65 = arith.constant 0 : i32
        %dma_start3A_66 = tpu.memref_slice %arg2[%dma_start3A_64, %dma_start3A_65] : memref<10000x128xf32, #tpu.memory_space<hbm>> -> memref<10000x128xf32, #tpu.memory_space<hbm>>
        tpu.enqueue_indirect_dma source(%dma_start3A_66 : memref<10000x128xf32, #tpu.memory_space<hbm>>) target(%arg9 : memref<125x128xf32, #tpu.memory_space<vmem>>) offsets(%dma_start3A_63 : memref<125xi32, #tpu.memory_space<vmem>>) semaphore(%arg12 : memref<!tpu.dma_semaphore, #tpu.memory_space<semaphore_mem>>)
      } else {
      }
      %add3A_49 = arith.constant 1 : i32
      %add3A_50 = arith.addi %add3A_33, %add3A_49 : i32
      %dma_wait3A_51 = arith.constant 0 : i32
      %dma_wait3A_52 = tpu.memref_slice %arg7[%add3A_50, %dma_wait3A_51] : memref<40x125xi32, #tpu.memory_space<vmem>> -> memref<1x125xi32, #tpu.memory_space<vmem>>
      %dma_wait3A_53 = tpu.memref_squeeze %dma_wait3A_52 : memref<1x125xi32, #tpu.memory_space<vmem>> -> memref<125xi32, #tpu.memory_space<vmem>>
      %dma_wait3A_54 = arith.constant 0 : i32
      %dma_wait3A_55 = arith.constant 0 : i32
      %dma_wait3A_56 = tpu.memref_slice %arg2[%dma_wait3A_54, %dma_wait3A_55] : memref<10000x128xf32, #tpu.memory_space<hbm>> -> memref<10000x128xf32, #tpu.memory_space<hbm>>
      tpu.wait_indirect_dma semaphore(%arg13 : memref<!tpu.dma_semaphore, #tpu.memory_space<semaphore_mem>>) src(%dma_wait3A_56 : memref<10000x128xf32, #tpu.memory_space<hbm>>) dst(%arg10 : memref<125x128xf32, #tpu.memory_space<vmem>>)
      %add3A_57 = arith.constant 1 : i32
      %add3A_58 = arith.addi %add3A_33, %add3A_57 : i32
      "tpu.region"() ({
        %run_scoped3A_59 = tpu.sem_alloc : memref<!tpu.dma_semaphore, #tpu.memory_space<semaphore_mem>>
        %dma_start3A_60 = arith.constant 0 : i32
        %dma_start3A_61 = tpu.memref_slice %arg8[%add3A_58, %dma_start3A_60] : memref<40x125xi32, #tpu.memory_space<vmem>> -> memref<1x125xi32, #tpu.memory_space<vmem>>
        %dma_start3A_62 = tpu.memref_squeeze %dma_start3A_61 : memref<1x125xi32, #tpu.memory_space<vmem>> -> memref<125xi32, #tpu.memory_space<vmem>>
        %dma_start3A_63 = arith.constant 0 : i32
        %dma_start3A_64 = arith.constant 0 : i32
        %dma_start3A_65 = tpu.memref_slice %arg11[%dma_start3A_63, %dma_start3A_64] : memref<10112x128xf32, #tpu.memory_space<vmem_shared>> -> memref<10112x128xf32, #tpu.memory_space<vmem_shared>>
        tpu.enqueue_indirect_dma source(%arg10 : memref<125x128xf32, #tpu.memory_space<vmem>>) target(%dma_start3A_65 : memref<10112x128xf32, #tpu.memory_space<vmem_shared>>) offsets(%dma_start3A_62 : memref<125xi32, #tpu.memory_space<vmem>>) semaphore(%run_scoped3A_59 : memref<!tpu.dma_semaphore, #tpu.memory_space<semaphore_mem>>) {add = true}
        %dma_wait3A_66 = arith.constant 0 : i32
        %dma_wait3A_67 = tpu.memref_slice %arg8[%add3A_58, %dma_wait3A_66] : memref<40x125xi32, #tpu.memory_space<vmem>> -> memref<1x125xi32, #tpu.memory_space<vmem>>
        %dma_wait3A_68 = tpu.memref_squeeze %dma_wait3A_67 : memref<1x125xi32, #tpu.memory_space<vmem>> -> memref<125xi32, #tpu.memory_space<vmem>>
        %dma_wait3A_69 = arith.constant 0 : i32
        %dma_wait3A_70 = arith.constant 0 : i32
        %dma_wait3A_71 = tpu.memref_slice %arg11[%dma_wait3A_69, %dma_wait3A_70] : memref<10112x128xf32, #tpu.memory_space<vmem_shared>> -> memref<10112x128xf32, #tpu.memory_space<vmem_shared>>
        tpu.wait_indirect_dma semaphore(%run_scoped3A_59 : memref<!tpu.dma_semaphore, #tpu.memory_space<semaphore_mem>>) src(%arg10 : memref<125x128xf32, #tpu.memory_space<vmem>>) dst(%dma_wait3A_71 : memref<10112x128xf32, #tpu.memory_space<vmem_shared>>)
        tpu.yield
      }) : () -> ()
    }
    %scan3A_13 = arith.constant 20 : i32
    %run_scoped3A_14 = arith.constant 1 : i32
    "tpu.region"() ({
      %run_scoped3A_29 = tpu.sem_alloc : memref<!tpu.dma_semaphore, #tpu.memory_space<semaphore_mem>>
      %dma_start3A_30 = arith.constant 0 : i32
      %dma_start3A_31 = arith.constant 0 : i32
      %dma_start3A_32 = tpu.memref_slice %arg3[%add3A, %run_scoped3A_14, %dma_start3A_30, %dma_start3A_31] : memref<32x2x40x125xi32, #tpu.memory_space<hbm>> -> memref<1x1x40x125xi32, #tpu.memory_space<hbm>>
      %dma_start3A_33 = tpu.memref_squeeze %dma_start3A_32 : memref<1x1x40x125xi32, #tpu.memory_space<hbm>> -> memref<40x125xi32, #tpu.memory_space<hbm>>
      %dma_start3A_34 = arith.constant 0 : i32
      %dma_start3A_35 = arith.constant 0 : i32
      %dma_start3A_36 = tpu.memref_slice %arg3[%add3A, %run_scoped3A_14, %dma_start3A_34, %dma_start3A_35] : memref<32x2x40x125xi32, #tpu.memory_space<hbm>> -> memref<1x1x40x125xi32, #tpu.memory_space<hbm>>
      %dma_start3A_37 = tpu.memref_squeeze %dma_start3A_36 : memref<1x1x40x125xi32, #tpu.memory_space<hbm>> -> memref<40x125xi32, #tpu.memory_space<hbm>>
      tpu.enqueue_dma source(%dma_start3A_37 : memref<40x125xi32, #tpu.memory_space<hbm>>) target(%arg7 : memref<40x125xi32, #tpu.memory_space<vmem>>) target_semaphore(%run_scoped3A_29 : memref<!tpu.dma_semaphore, #tpu.memory_space<semaphore_mem>>)
      %dma_wait3A = arith.constant 0 : i32
      %dma_wait3A_38 = arith.constant 0 : i32
      %dma_wait3A_39 = tpu.memref_slice %arg3[%add3A, %run_scoped3A_14, %dma_wait3A, %dma_wait3A_38] : memref<32x2x40x125xi32, #tpu.memory_space<hbm>> -> memref<1x1x40x125xi32, #tpu.memory_space<hbm>>
      %dma_wait3A_40 = tpu.memref_squeeze %dma_wait3A_39 : memref<1x1x40x125xi32, #tpu.memory_space<hbm>> -> memref<40x125xi32, #tpu.memory_space<hbm>>
      %dma_wait3A_41 = arith.constant 0 : i32
      %dma_wait3A_42 = arith.constant 0 : i32
      %dma_wait3A_43 = tpu.memref_slice %arg3[%add3A, %run_scoped3A_14, %dma_wait3A_41, %dma_wait3A_42] : memref<32x2x40x125xi32, #tpu.memory_space<hbm>> -> memref<1x1x40x125xi32, #tpu.memory_space<hbm>>
      %dma_wait3A_44 = tpu.memref_squeeze %dma_wait3A_43 : memref<1x1x40x125xi32, #tpu.memory_space<hbm>> -> memref<40x125xi32, #tpu.memory_space<hbm>>
      tpu.wait_dma2 semaphore(%run_scoped3A_29 : memref<!tpu.dma_semaphore, #tpu.memory_space<semaphore_mem>>) src(%dma_wait3A_44 : memref<40x125xi32, #tpu.memory_space<hbm>>) dst(%arg7 : memref<40x125xi32, #tpu.memory_space<vmem>>)
      tpu.yield
    }) : () -> ()
    %run_scoped3A_15 = arith.constant 1 : i32
    "tpu.region"() ({
      %run_scoped3A_29 = tpu.sem_alloc : memref<!tpu.dma_semaphore, #tpu.memory_space<semaphore_mem>>
      %dma_start3A_30 = arith.constant 0 : i32
      %dma_start3A_31 = arith.constant 0 : i32
      %dma_start3A_32 = tpu.memref_slice %arg4[%add3A, %run_scoped3A_15, %dma_start3A_30, %dma_start3A_31] : memref<32x2x40x125xi32, #tpu.memory_space<hbm>> -> memref<1x1x40x125xi32, #tpu.memory_space<hbm>>
      %dma_start3A_33 = tpu.memref_squeeze %dma_start3A_32 : memref<1x1x40x125xi32, #tpu.memory_space<hbm>> -> memref<40x125xi32, #tpu.memory_space<hbm>>
      %dma_start3A_34 = arith.constant 0 : i32
      %dma_start3A_35 = arith.constant 0 : i32
      %dma_start3A_36 = tpu.memref_slice %arg4[%add3A, %run_scoped3A_15, %dma_start3A_34, %dma_start3A_35] : memref<32x2x40x125xi32, #tpu.memory_space<hbm>> -> memref<1x1x40x125xi32, #tpu.memory_space<hbm>>
      %dma_start3A_37 = tpu.memref_squeeze %dma_start3A_36 : memref<1x1x40x125xi32, #tpu.memory_space<hbm>> -> memref<40x125xi32, #tpu.memory_space<hbm>>
      tpu.enqueue_dma source(%dma_start3A_37 : memref<40x125xi32, #tpu.memory_space<hbm>>) target(%arg8 : memref<40x125xi32, #tpu.memory_space<vmem>>) target_semaphore(%run_scoped3A_29 : memref<!tpu.dma_semaphore, #tpu.memory_space<semaphore_mem>>)
      %dma_wait3A = arith.constant 0 : i32
      %dma_wait3A_38 = arith.constant 0 : i32
      %dma_wait3A_39 = tpu.memref_slice %arg4[%add3A, %run_scoped3A_15, %dma_wait3A, %dma_wait3A_38] : memref<32x2x40x125xi32, #tpu.memory_space<hbm>> -> memref<1x1x40x125xi32, #tpu.memory_space<hbm>>
      %dma_wait3A_40 = tpu.memref_squeeze %dma_wait3A_39 : memref<1x1x40x125xi32, #tpu.memory_space<hbm>> -> memref<40x125xi32, #tpu.memory_space<hbm>>
      %dma_wait3A_41 = arith.constant 0 : i32
      %dma_wait3A_42 = arith.constant 0 : i32
      %dma_wait3A_43 = tpu.memref_slice %arg4[%add3A, %run_scoped3A_15, %dma_wait3A_41, %dma_wait3A_42] : memref<32x2x40x125xi32, #tpu.memory_space<hbm>> -> memref<1x1x40x125xi32, #tpu.memory_space<hbm>>
      %dma_wait3A_44 = tpu.memref_squeeze %dma_wait3A_43 : memref<1x1x40x125xi32, #tpu.memory_space<hbm>> -> memref<40x125xi32, #tpu.memory_space<hbm>>
      tpu.wait_dma2 semaphore(%run_scoped3A_29 : memref<!tpu.dma_semaphore, #tpu.memory_space<semaphore_mem>>) src(%dma_wait3A_44 : memref<40x125xi32, #tpu.memory_space<hbm>>) dst(%arg8 : memref<40x125xi32, #tpu.memory_space<vmem>>)
      tpu.yield
    }) : () -> ()
    %dma_start3A_16 = arith.constant 0 : i32
    %dma_start3A_17 = arith.constant 0 : i32
    %dma_start3A_18 = tpu.memref_slice %arg7[%dma_start3A_16, %dma_start3A_17] : memref<40x125xi32, #tpu.memory_space<vmem>> -> memref<1x125xi32, #tpu.memory_space<vmem>>
    %dma_start3A_19 = tpu.memref_squeeze %dma_start3A_18 : memref<1x125xi32, #tpu.memory_space<vmem>> -> memref<125xi32, #tpu.memory_space<vmem>>
    %dma_start3A_20 = arith.constant 0 : i32
    %dma_start3A_21 = arith.constant 0 : i32
    %dma_start3A_22 = tpu.memref_slice %arg2[%dma_start3A_20, %dma_start3A_21] : memref<10000x128xf32, #tpu.memory_space<hbm>> -> memref<10000x128xf32, #tpu.memory_space<hbm>>
    tpu.enqueue_indirect_dma source(%dma_start3A_22 : memref<10000x128xf32, #tpu.memory_space<hbm>>) target(%arg9 : memref<125x128xf32, #tpu.memory_space<vmem>>) offsets(%dma_start3A_19 : memref<125xi32, #tpu.memory_space<vmem>>) semaphore(%arg12 : memref<!tpu.dma_semaphore, #tpu.memory_space<semaphore_mem>>)
    %scan3A_23 = arith.constant 0 : i32
    %scan3A_24 = arith.constant 20 : i32
    %scan3A_25 = arith.addi %scan3A_23, %scan3A_24 : i32
    %scan3A_26 = arith.constant 1 : i32
    scf.for %scan3A_29 = %scan3A_23 to %scan3A_25 step %scan3A_26  : i32 {
      %mul3A_30 = arith.constant 2 : i32
      %mul3A_31 = arith.muli %scan3A_29, %mul3A_30 : i32
      %add3A_32 = arith.constant 0 : i32
      %add3A_33 = arith.addi %add3A_32, %mul3A_31 : i32
      %add3A_34 = arith.constant 1 : i32
      %add3A_35 = arith.addi %add3A_33, %add3A_34 : i32
      %dma_start3A_36 = arith.constant 0 : i32
      %dma_start3A_37 = tpu.memref_slice %arg7[%add3A_35, %dma_start3A_36] : memref<40x125xi32, #tpu.memory_space<vmem>> -> memref<1x125xi32, #tpu.memory_space<vmem>>
      %dma_start3A_38 = tpu.memref_squeeze %dma_start3A_37 : memref<1x125xi32, #tpu.memory_space<vmem>> -> memref<125xi32, #tpu.memory_space<vmem>>
      %dma_start3A_39 = arith.constant 0 : i32
      %dma_start3A_40 = arith.constant 0 : i32
      %dma_start3A_41 = tpu.memref_slice %arg2[%dma_start3A_39, %dma_start3A_40] : memref<10000x128xf32, #tpu.memory_space<hbm>> -> memref<10000x128xf32, #tpu.memory_space<hbm>>
      tpu.enqueue_indirect_dma source(%dma_start3A_41 : memref<10000x128xf32, #tpu.memory_space<hbm>>) target(%arg10 : memref<125x128xf32, #tpu.memory_space<vmem>>) offsets(%dma_start3A_38 : memref<125xi32, #tpu.memory_space<vmem>>) semaphore(%arg13 : memref<!tpu.dma_semaphore, #tpu.memory_space<semaphore_mem>>)
      %dma_wait3A = arith.constant 0 : i32
      %dma_wait3A_42 = tpu.memref_slice %arg7[%add3A_33, %dma_wait3A] : memref<40x125xi32, #tpu.memory_space<vmem>> -> memref<1x125xi32, #tpu.memory_space<vmem>>
      %dma_wait3A_43 = tpu.memref_squeeze %dma_wait3A_42 : memref<1x125xi32, #tpu.memory_space<vmem>> -> memref<125xi32, #tpu.memory_space<vmem>>
      %dma_wait3A_44 = arith.constant 0 : i32
      %dma_wait3A_45 = arith.constant 0 : i32
      %dma_wait3A_46 = tpu.memref_slice %arg2[%dma_wait3A_44, %dma_wait3A_45] : memref<10000x128xf32, #tpu.memory_space<hbm>> -> memref<10000x128xf32, #tpu.memory_space<hbm>>
      tpu.wait_indirect_dma semaphore(%arg12 : memref<!tpu.dma_semaphore, #tpu.memory_space<semaphore_mem>>) src(%dma_wait3A_46 : memref<10000x128xf32, #tpu.memory_space<hbm>>) dst(%arg9 : memref<125x128xf32, #tpu.memory_space<vmem>>)
      "tpu.region"() ({
        %run_scoped3A_59 = tpu.sem_alloc : memref<!tpu.dma_semaphore, #tpu.memory_space<semaphore_mem>>
        %dma_start3A_60 = arith.constant 0 : i32
        %dma_start3A_61 = tpu.memref_slice %arg8[%add3A_33, %dma_start3A_60] : memref<40x125xi32, #tpu.memory_space<vmem>> -> memref<1x125xi32, #tpu.memory_space<vmem>>
        %dma_start3A_62 = tpu.memref_squeeze %dma_start3A_61 : memref<1x125xi32, #tpu.memory_space<vmem>> -> memref<125xi32, #tpu.memory_space<vmem>>
        %dma_start3A_63 = arith.constant 0 : i32
        %dma_start3A_64 = arith.constant 0 : i32
        %dma_start3A_65 = tpu.memref_slice %arg11[%dma_start3A_63, %dma_start3A_64] : memref<10112x128xf32, #tpu.memory_space<vmem_shared>> -> memref<10112x128xf32, #tpu.memory_space<vmem_shared>>
        tpu.enqueue_indirect_dma source(%arg9 : memref<125x128xf32, #tpu.memory_space<vmem>>) target(%dma_start3A_65 : memref<10112x128xf32, #tpu.memory_space<vmem_shared>>) offsets(%dma_start3A_62 : memref<125xi32, #tpu.memory_space<vmem>>) semaphore(%run_scoped3A_59 : memref<!tpu.dma_semaphore, #tpu.memory_space<semaphore_mem>>) {add = true}
        %dma_wait3A_66 = arith.constant 0 : i32
        %dma_wait3A_67 = tpu.memref_slice %arg8[%add3A_33, %dma_wait3A_66] : memref<40x125xi32, #tpu.memory_space<vmem>> -> memref<1x125xi32, #tpu.memory_space<vmem>>
        %dma_wait3A_68 = tpu.memref_squeeze %dma_wait3A_67 : memref<1x125xi32, #tpu.memory_space<vmem>> -> memref<125xi32, #tpu.memory_space<vmem>>
        %dma_wait3A_69 = arith.constant 0 : i32
        %dma_wait3A_70 = arith.constant 0 : i32
        %dma_wait3A_71 = tpu.memref_slice %arg11[%dma_wait3A_69, %dma_wait3A_70] : memref<10112x128xf32, #tpu.memory_space<vmem_shared>> -> memref<10112x128xf32, #tpu.memory_space<vmem_shared>>
        tpu.wait_indirect_dma semaphore(%run_scoped3A_59 : memref<!tpu.dma_semaphore, #tpu.memory_space<semaphore_mem>>) src(%arg9 : memref<125x128xf32, #tpu.memory_space<vmem>>) dst(%dma_wait3A_71 : memref<10112x128xf32, #tpu.memory_space<vmem_shared>>)
        tpu.yield
      }) : () -> ()
      %lt3A = arith.constant 38 : i32
      %lt3A_47 = arith.cmpi slt, %add3A_33, %lt3A : i32
      %convert_element_type3A = arith.extui %lt3A_47 : i1 to i32
      %cond3A = arith.constant 0 : i32
      %cond3A_48 = arith.cmpi ne, %convert_element_type3A, %cond3A : i32
      scf.if %cond3A_48 {
        %add3A_59 = arith.constant 2 : i32
        %add3A_60 = arith.addi %add3A_33, %add3A_59 : i32
        %dma_start3A_61 = arith.constant 0 : i32
        %dma_start3A_62 = tpu.memref_slice %arg7[%add3A_60, %dma_start3A_61] : memref<40x125xi32, #tpu.memory_space<vmem>> -> memref<1x125xi32, #tpu.memory_space<vmem>>
        %dma_start3A_63 = tpu.memref_squeeze %dma_start3A_62 : memref<1x125xi32, #tpu.memory_space<vmem>> -> memref<125xi32, #tpu.memory_space<vmem>>
        %dma_start3A_64 = arith.constant 0 : i32
        %dma_start3A_65 = arith.constant 0 : i32
        %dma_start3A_66 = tpu.memref_slice %arg2[%dma_start3A_64, %dma_start3A_65] : memref<10000x128xf32, #tpu.memory_space<hbm>> -> memref<10000x128xf32, #tpu.memory_space<hbm>>
        tpu.enqueue_indirect_dma source(%dma_start3A_66 : memref<10000x128xf32, #tpu.memory_space<hbm>>) target(%arg9 : memref<125x128xf32, #tpu.memory_space<vmem>>) offsets(%dma_start3A_63 : memref<125xi32, #tpu.memory_space<vmem>>) semaphore(%arg12 : memref<!tpu.dma_semaphore, #tpu.memory_space<semaphore_mem>>)
      } else {
      }
      %add3A_49 = arith.constant 1 : i32
      %add3A_50 = arith.addi %add3A_33, %add3A_49 : i32
      %dma_wait3A_51 = arith.constant 0 : i32
      %dma_wait3A_52 = tpu.memref_slice %arg7[%add3A_50, %dma_wait3A_51] : memref<40x125xi32, #tpu.memory_space<vmem>> -> memref<1x125xi32, #tpu.memory_space<vmem>>
      %dma_wait3A_53 = tpu.memref_squeeze %dma_wait3A_52 : memref<1x125xi32, #tpu.memory_space<vmem>> -> memref<125xi32, #tpu.memory_space<vmem>>
      %dma_wait3A_54 = arith.constant 0 : i32
      %dma_wait3A_55 = arith.constant 0 : i32
      %dma_wait3A_56 = tpu.memref_slice %arg2[%dma_wait3A_54, %dma_wait3A_55] : memref<10000x128xf32, #tpu.memory_space<hbm>> -> memref<10000x128xf32, #tpu.memory_space<hbm>>
      tpu.wait_indirect_dma semaphore(%arg13 : memref<!tpu.dma_semaphore, #tpu.memory_space<semaphore_mem>>) src(%dma_wait3A_56 : memref<10000x128xf32, #tpu.memory_space<hbm>>) dst(%arg10 : memref<125x128xf32, #tpu.memory_space<vmem>>)
      %add3A_57 = arith.constant 1 : i32
      %add3A_58 = arith.addi %add3A_33, %add3A_57 : i32
      "tpu.region"() ({
        %run_scoped3A_59 = tpu.sem_alloc : memref<!tpu.dma_semaphore, #tpu.memory_space<semaphore_mem>>
        %dma_start3A_60 = arith.constant 0 : i32
        %dma_start3A_61 = tpu.memref_slice %arg8[%add3A_58, %dma_start3A_60] : memref<40x125xi32, #tpu.memory_space<vmem>> -> memref<1x125xi32, #tpu.memory_space<vmem>>
        %dma_start3A_62 = tpu.memref_squeeze %dma_start3A_61 : memref<1x125xi32, #tpu.memory_space<vmem>> -> memref<125xi32, #tpu.memory_space<vmem>>
        %dma_start3A_63 = arith.constant 0 : i32
        %dma_start3A_64 = arith.constant 0 : i32
        %dma_start3A_65 = tpu.memref_slice %arg11[%dma_start3A_63, %dma_start3A_64] : memref<10112x128xf32, #tpu.memory_space<vmem_shared>> -> memref<10112x128xf32, #tpu.memory_space<vmem_shared>>
        tpu.enqueue_indirect_dma source(%arg10 : memref<125x128xf32, #tpu.memory_space<vmem>>) target(%dma_start3A_65 : memref<10112x128xf32, #tpu.memory_space<vmem_shared>>) offsets(%dma_start3A_62 : memref<125xi32, #tpu.memory_space<vmem>>) semaphore(%run_scoped3A_59 : memref<!tpu.dma_semaphore, #tpu.memory_space<semaphore_mem>>) {add = true}
        %dma_wait3A_66 = arith.constant 0 : i32
        %dma_wait3A_67 = tpu.memref_slice %arg8[%add3A_58, %dma_wait3A_66] : memref<40x125xi32, #tpu.memory_space<vmem>> -> memref<1x125xi32, #tpu.memory_space<vmem>>
        %dma_wait3A_68 = tpu.memref_squeeze %dma_wait3A_67 : memref<1x125xi32, #tpu.memory_space<vmem>> -> memref<125xi32, #tpu.memory_space<vmem>>
        %dma_wait3A_69 = arith.constant 0 : i32
        %dma_wait3A_70 = arith.constant 0 : i32
        %dma_wait3A_71 = tpu.memref_slice %arg11[%dma_wait3A_69, %dma_wait3A_70] : memref<10112x128xf32, #tpu.memory_space<vmem_shared>> -> memref<10112x128xf32, #tpu.memory_space<vmem_shared>>
        tpu.wait_indirect_dma semaphore(%run_scoped3A_59 : memref<!tpu.dma_semaphore, #tpu.memory_space<semaphore_mem>>) src(%arg10 : memref<125x128xf32, #tpu.memory_space<vmem>>) dst(%dma_wait3A_71 : memref<10112x128xf32, #tpu.memory_space<vmem_shared>>)
        tpu.yield
      }) : () -> ()
    }
    %scan3A_27 = arith.constant 20 : i32
    %barrier3A_28 = arith.constant 0 : index
    tpu.barrier barrier_id(%barrier3A_28)
    "tpu.region"() ({
      %run_scoped3A_29 = tpu.sem_alloc : memref<!tpu.dma_semaphore, #tpu.memory_space<semaphore_mem>>
      %dma_start3A_30 = arith.constant 0 : i32
      %dma_start3A_31 = tpu.memref_slice %arg6[%arg0, %mul3A_2, %dma_start3A_30] : memref<2x10112x128xf32, #tpu.memory_space<hbm>> -> memref<1x632x128xf32, #tpu.memory_space<hbm>>
      %dma_start3A_32 = tpu.memref_squeeze %dma_start3A_31 : memref<1x632x128xf32, #tpu.memory_space<hbm>> -> memref<632x128xf32, #tpu.memory_space<hbm>>
      %dma_start3A_33 = arith.constant 0 : i32
      %dma_start3A_34 = tpu.memref_slice %arg11[%mul3A_2, %dma_start3A_33] : memref<10112x128xf32, #tpu.memory_space<vmem_shared>> -> memref<632x128xf32, #tpu.memory_space<vmem_shared>>
      tpu.enqueue_dma source(%dma_start3A_34 : memref<632x128xf32, #tpu.memory_space<vmem_shared>>) target(%dma_start3A_32 : memref<632x128xf32, #tpu.memory_space<hbm>>) target_semaphore(%run_scoped3A_29 : memref<!tpu.dma_semaphore, #tpu.memory_space<semaphore_mem>>)
      %dma_wait3A = arith.constant 0 : i32
      %dma_wait3A_35 = tpu.memref_slice %arg6[%arg0, %mul3A_2, %dma_wait3A] : memref<2x10112x128xf32, #tpu.memory_space<hbm>> -> memref<1x632x128xf32, #tpu.memory_space<hbm>>
      %dma_wait3A_36 = tpu.memref_squeeze %dma_wait3A_35 : memref<1x632x128xf32, #tpu.memory_space<hbm>> -> memref<632x128xf32, #tpu.memory_space<hbm>>
      %dma_wait3A_37 = arith.constant 0 : i32
      %dma_wait3A_38 = tpu.memref_slice %arg11[%mul3A_2, %dma_wait3A_37] : memref<10112x128xf32, #tpu.memory_space<vmem_shared>> -> memref<632x128xf32, #tpu.memory_space<vmem_shared>>
      tpu.wait_dma2 semaphore(%run_scoped3A_29 : memref<!tpu.dma_semaphore, #tpu.memory_space<semaphore_mem>>) src(%dma_wait3A_38 : memref<632x128xf32, #tpu.memory_space<vmem_shared>>) dst(%dma_wait3A_36 : memref<632x128xf32, #tpu.memory_space<hbm>>)
      tpu.yield
    }) : () -> ()
    return
  }
}

#map = affine_map<(d0, d1) -> (0, 0)>
#map1 = affine_map<(d0, d1) -> (0, 0, 0, 0)>
#map2 = affine_map<(d0, d1) -> (0, 0, 0)>
module attributes {stable_mosaic.version = 14 : i64} {
  func.func @body(%arg0: i32, %arg1: i32, %arg2: memref<10000x128xf32, #tpu.memory_space<hbm>>, %arg3: memref<32x2x40x125xi32, #tpu.memory_space<hbm>>, %arg4: memref<32x2x40x125xi32, #tpu.memory_space<hbm>>, %arg5: memref<10112x128xf32, #tpu.memory_space<hbm>>, %arg6: memref<2x10112x128xf32, #tpu.memory_space<hbm>>, %arg7: memref<40x125xi32, #tpu.memory_space<vmem>>, %arg8: memref<40x125xi32, #tpu.memory_space<vmem>>, %arg9: memref<125x128xf32, #tpu.memory_space<vmem>>, %arg10: memref<125x128xf32, #tpu.memory_space<vmem>>, %arg11: memref<10112x128xf32, #tpu.memory_space<vmem_shared>>, %arg12: memref<!tpu.dma_semaphore, #tpu.memory_space<semaphore_mem>>, %arg13: memref<!tpu.dma_semaphore, #tpu.memory_space<semaphore_mem>>) attributes {dimension_semantics = [#tpu.dimension_semantics<core_parallel>, #tpu.dimension_semantics<subcore_parallel>], iteration_bounds = array<i64: 2, 16>, scalar_prefetch = 0 : i64, scratch_operands = 7 : i64, tpu.core_type = #tpu.core_type<sc_vector_subcore>, window_params = [{transform_indices = #map}, {transform_indices = #map1}, {transform_indices = #map1}, {transform_indices = #map}, {transform_indices = #map2}]} {
    %mul3A = arith.constant 16 : i32
    %mul3A_0 = arith.muli %arg0, %mul3A : i32
    %add3A = arith.addi %mul3A_0, %arg1 : i32
    %mul3A_1 = arith.constant 632 : i32
    %mul3A_2 = arith.muli %arg1, %mul3A_1 : i32
    "tpu.region"() ({
      %run_scoped3A_29 = tpu.sem_alloc : memref<!tpu.dma_semaphore, #tpu.memory_space<semaphore_mem>>
      %dma_start3A_30 = arith.constant 0 : i32
      %dma_start3A_31 = tpu.memref_slice %arg11[%mul3A_2, %dma_start3A_30] : memref<10112x128xf32, #tpu.memory_space<vmem_shared>> -> memref<632x128xf32, #tpu.memory_space<vmem_shared>>
      %dma_start3A_32 = arith.constant 0 : i32
      %dma_start3A_33 = tpu.memref_slice %arg5[%mul3A_2, %dma_start3A_32] : memref<10112x128xf32, #tpu.memory_space<hbm>> -> memref<632x128xf32, #tpu.memory_space<hbm>>
      tpu.enqueue_dma source(%dma_start3A_33 : memref<632x128xf32, #tpu.memory_space<hbm>>) target(%dma_start3A_31 : memref<632x128xf32, #tpu.memory_space<vmem_shared>>) target_semaphore(%run_scoped3A_29 : memref<!tpu.dma_semaphore, #tpu.memory_space<semaphore_mem>>)
      %dma_wait3A = arith.constant 0 : i32
      %dma_wait3A_34 = tpu.memref_slice %arg11[%mul3A_2, %dma_wait3A] : memref<10112x128xf32, #tpu.memory_space<vmem_shared>> -> memref<632x128xf32, #tpu.memory_space<vmem_shared>>
      %dma_wait3A_35 = arith.constant 0 : i32
      %dma_wait3A_36 = tpu.memref_slice %arg5[%mul3A_2, %dma_wait3A_35] : memref<10112x128xf32, #tpu.memory_space<hbm>> -> memref<632x128xf32, #tpu.memory_space<hbm>>
      tpu.wait_dma2 semaphore(%run_scoped3A_29 : memref<!tpu.dma_semaphore, #tpu.memory_space<semaphore_mem>>) src(%dma_wait3A_36 : memref<632x128xf32, #tpu.memory_space<hbm>>) dst(%dma_wait3A_34 : memref<632x128xf32, #tpu.memory_space<vmem_shared>>)
      tpu.yield
    }) : () -> ()
    %barrier3A = arith.constant 0 : index
    tpu.barrier barrier_id(%barrier3A)
    %run_scoped3A = arith.constant 0 : i32
    "tpu.region"() ({
      %run_scoped3A_29 = tpu.sem_alloc : memref<!tpu.dma_semaphore, #tpu.memory_space<semaphore_mem>>
      %dma_start3A_30 = arith.constant 0 : i32
      %dma_start3A_31 = arith.constant 0 : i32
      %dma_start3A_32 = tpu.memref_slice %arg3[%add3A, %run_scoped3A, %dma_start3A_30, %dma_start3A_31] : memref<32x2x40x125xi32, #tpu.memory_space<hbm>> -> memref<1x1x40x125xi32, #tpu.memory_space<hbm>>
      %dma_start3A_33 = tpu.memref_squeeze %dma_start3A_32 : memref<1x1x40x125xi32, #tpu.memory_space<hbm>> -> memref<40x125xi32, #tpu.memory_space<hbm>>
      %dma_start3A_34 = arith.constant 0 : i32
      %dma_start3A_35 = arith.constant 0 : i32
      %dma_start3A_36 = tpu.memref_slice %arg3[%add3A, %run_scoped3A, %dma_start3A_34, %dma_start3A_35] : memref<32x2x40x125xi32, #tpu.memory_space<hbm>> -> memref<1x1x40x125xi32, #tpu.memory_space<hbm>>
      %dma_start3A_37 = tpu.memref_squeeze %dma_start3A_36 : memref<1x1x40x125xi32, #tpu.memory_space<hbm>> -> memref<40x125xi32, #tpu.memory_space<hbm>>
      tpu.enqueue_dma source(%dma_start3A_37 : memref<40x125xi32, #tpu.memory_space<hbm>>) target(%arg7 : memref<40x125xi32, #tpu.memory_space<vmem>>) target_semaphore(%run_scoped3A_29 : memref<!tpu.dma_semaphore, #tpu.memory_space<semaphore_mem>>)
      %dma_wait3A = arith.constant 0 : i32
      %dma_wait3A_38 = arith.constant 0 : i32
      %dma_wait3A_39 = tpu.memref_slice %arg3[%add3A, %run_scoped3A, %dma_wait3A, %dma_wait3A_38] : memref<32x2x40x125xi32, #tpu.memory_space<hbm>> -> memref<1x1x40x125xi32, #tpu.memory_space<hbm>>
      %dma_wait3A_40 = tpu.memref_squeeze %dma_wait3A_39 : memref<1x1x40x125xi32, #tpu.memory_space<hbm>> -> memref<40x125xi32, #tpu.memory_space<hbm>>
      %dma_wait3A_41 = arith.constant 0 : i32
      %dma_wait3A_42 = arith.constant 0 : i32
      %dma_wait3A_43 = tpu.memref_slice %arg3[%add3A, %run_scoped3A, %dma_wait3A_41, %dma_wait3A_42] : memref<32x2x40x125xi32, #tpu.memory_space<hbm>> -> memref<1x1x40x125xi32, #tpu.memory_space<hbm>>
      %dma_wait3A_44 = tpu.memref_squeeze %dma_wait3A_43 : memref<1x1x40x125xi32, #tpu.memory_space<hbm>> -> memref<40x125xi32, #tpu.memory_space<hbm>>
      tpu.wait_dma2 semaphore(%run_scoped3A_29 : memref<!tpu.dma_semaphore, #tpu.memory_space<semaphore_mem>>) src(%dma_wait3A_44 : memref<40x125xi32, #tpu.memory_space<hbm>>) dst(%arg7 : memref<40x125xi32, #tpu.memory_space<vmem>>)
      tpu.yield
    }) : () -> ()
    %run_scoped3A_3 = arith.constant 0 : i32
    "tpu.region"() ({
      %run_scoped3A_29 = tpu.sem_alloc : memref<!tpu.dma_semaphore, #tpu.memory_space<semaphore_mem>>
      %dma_start3A_30 = arith.constant 0 : i32
      %dma_start3A_31 = arith.constant 0 : i32
      %dma_start3A_32 = tpu.memref_slice %arg4[%add3A, %run_scoped3A_3, %dma_start3A_30, %dma_start3A_31] : memref<32x2x40x125xi32, #tpu.memory_space<hbm>> -> memref<1x1x40x125xi32, #tpu.memory_space<hbm>>
      %dma_start3A_33 = tpu.memref_squeeze %dma_start3A_32 : memref<1x1x40x125xi32, #tpu.memory_space<hbm>> -> memref<40x125xi32, #tpu.memory_space<hbm>>
      %dma_start3A_34 = arith.constant 0 : i32
      %dma_start3A_35 = arith.constant 0 : i32
      %dma_start3A_36 = tpu.memref_slice %arg4[%add3A, %run_scoped3A_3, %dma_start3A_34, %dma_start3A_35] : memref<32x2x40x125xi32, #tpu.memory_space<hbm>> -> memref<1x1x40x125xi32, #tpu.memory_space<hbm>>
      %dma_start3A_37 = tpu.memref_squeeze %dma_start3A_36 : memref<1x1x40x125xi32, #tpu.memory_space<hbm>> -> memref<40x125xi32, #tpu.memory_space<hbm>>
      tpu.enqueue_dma source(%dma_start3A_37 : memref<40x125xi32, #tpu.memory_space<hbm>>) target(%arg8 : memref<40x125xi32, #tpu.memory_space<vmem>>) target_semaphore(%run_scoped3A_29 : memref<!tpu.dma_semaphore, #tpu.memory_space<semaphore_mem>>)
      %dma_wait3A = arith.constant 0 : i32
      %dma_wait3A_38 = arith.constant 0 : i32
      %dma_wait3A_39 = tpu.memref_slice %arg4[%add3A, %run_scoped3A_3, %dma_wait3A, %dma_wait3A_38] : memref<32x2x40x125xi32, #tpu.memory_space<hbm>> -> memref<1x1x40x125xi32, #tpu.memory_space<hbm>>
      %dma_wait3A_40 = tpu.memref_squeeze %dma_wait3A_39 : memref<1x1x40x125xi32, #tpu.memory_space<hbm>> -> memref<40x125xi32, #tpu.memory_space<hbm>>
      %dma_wait3A_41 = arith.constant 0 : i32
      %dma_wait3A_42 = arith.constant 0 : i32
      %dma_wait3A_43 = tpu.memref_slice %arg4[%add3A, %run_scoped3A_3, %dma_wait3A_41, %dma_wait3A_42] : memref<32x2x40x125xi32, #tpu.memory_space<hbm>> -> memref<1x1x40x125xi32, #tpu.memory_space<hbm>>
      %dma_wait3A_44 = tpu.memref_squeeze %dma_wait3A_43 : memref<1x1x40x125xi32, #tpu.memory_space<hbm>> -> memref<40x125xi32, #tpu.memory_space<hbm>>
      tpu.wait_dma2 semaphore(%run_scoped3A_29 : memref<!tpu.dma_semaphore, #tpu.memory_space<semaphore_mem>>) src(%dma_wait3A_44 : memref<40x125xi32, #tpu.memory_space<hbm>>) dst(%arg8 : memref<40x125xi32, #tpu.memory_space<vmem>>)
      tpu.yield
    }) : () -> ()
    %dma_start3A = arith.constant 0 : i32
    %dma_start3A_4 = arith.constant 0 : i32
    %dma_start3A_5 = tpu.memref_slice %arg7[%dma_start3A, %dma_start3A_4] : memref<40x125xi32, #tpu.memory_space<vmem>> -> memref<1x125xi32, #tpu.memory_space<vmem>>
    %dma_start3A_6 = tpu.memref_squeeze %dma_start3A_5 : memref<1x125xi32, #tpu.memory_space<vmem>> -> memref<125xi32, #tpu.memory_space<vmem>>
    %dma_start3A_7 = arith.constant 0 : i32
    %dma_start3A_8 = arith.constant 0 : i32
    %dma_start3A_9 = tpu.memref_slice %arg2[%dma_start3A_7, %dma_start3A_8] : memref<10000x128xf32, #tpu.memory_space<hbm>> -> memref<10000x128xf32, #tpu.memory_space<hbm>>
    tpu.enqueue_indirect_dma source(%dma_start3A_9 : memref<10000x128xf32, #tpu.memory_space<hbm>>) target(%arg9 : memref<125x128xf32, #tpu.memory_space<vmem>>) offsets(%dma_start3A_6 : memref<125xi32, #tpu.memory_space<vmem>>) semaphore(%arg12 : memref<!tpu.dma_semaphore, #tpu.memory_space<semaphore_mem>>)
    %scan3A = arith.constant 0 : i32
    %scan3A_10 = arith.constant 20 : i32
    %scan3A_11 = arith.addi %scan3A, %scan3A_10 : i32
    %scan3A_12 = arith.constant 1 : i32
    scf.for %scan3A_29 = %scan3A to %scan3A_11 step %scan3A_12  : i32 {
      %mul3A_30 = arith.constant 2 : i32
      %mul3A_31 = arith.muli %scan3A_29, %mul3A_30 : i32
      %add3A_32 = arith.constant 0 : i32
      %add3A_33 = arith.addi %add3A_32, %mul3A_31 : i32
      %add3A_34 = arith.constant 1 : i32
      %add3A_35 = arith.addi %add3A_33, %add3A_34 : i32
      %dma_start3A_36 = arith.constant 0 : i32
      %dma_start3A_37 = tpu.memref_slice %arg7[%add3A_35, %dma_start3A_36] : memref<40x125xi32, #tpu.memory_space<vmem>> -> memref<1x125xi32, #tpu.memory_space<vmem>>
      %dma_start3A_38 = tpu.memref_squeeze %dma_start3A_37 : memref<1x125xi32, #tpu.memory_space<vmem>> -> memref<125xi32, #tpu.memory_space<vmem>>
      %dma_start3A_39 = arith.constant 0 : i32
      %dma_start3A_40 = arith.constant 0 : i32
      %dma_start3A_41 = tpu.memref_slice %arg2[%dma_start3A_39, %dma_start3A_40] : memref<10000x128xf32, #tpu.memory_space<hbm>> -> memref<10000x128xf32, #tpu.memory_space<hbm>>
      tpu.enqueue_indirect_dma source(%dma_start3A_41 : memref<10000x128xf32, #tpu.memory_space<hbm>>) target(%arg10 : memref<125x128xf32, #tpu.memory_space<vmem>>) offsets(%dma_start3A_38 : memref<125xi32, #tpu.memory_space<vmem>>) semaphore(%arg13 : memref<!tpu.dma_semaphore, #tpu.memory_space<semaphore_mem>>)
      %dma_wait3A = arith.constant 0 : i32
      %dma_wait3A_42 = tpu.memref_slice %arg7[%add3A_33, %dma_wait3A] : memref<40x125xi32, #tpu.memory_space<vmem>> -> memref<1x125xi32, #tpu.memory_space<vmem>>
      %dma_wait3A_43 = tpu.memref_squeeze %dma_wait3A_42 : memref<1x125xi32, #tpu.memory_space<vmem>> -> memref<125xi32, #tpu.memory_space<vmem>>
      %dma_wait3A_44 = arith.constant 0 : i32
      %dma_wait3A_45 = arith.constant 0 : i32
      %dma_wait3A_46 = tpu.memref_slice %arg2[%dma_wait3A_44, %dma_wait3A_45] : memref<10000x128xf32, #tpu.memory_space<hbm>> -> memref<10000x128xf32, #tpu.memory_space<hbm>>
      tpu.wait_indirect_dma semaphore(%arg12 : memref<!tpu.dma_semaphore, #tpu.memory_space<semaphore_mem>>) src(%dma_wait3A_46 : memref<10000x128xf32, #tpu.memory_space<hbm>>) dst(%arg9 : memref<125x128xf32, #tpu.memory_space<vmem>>)
      "tpu.region"() ({
        %run_scoped3A_59 = tpu.sem_alloc : memref<!tpu.dma_semaphore, #tpu.memory_space<semaphore_mem>>
        %dma_start3A_60 = arith.constant 0 : i32
        %dma_start3A_61 = tpu.memref_slice %arg8[%add3A_33, %dma_start3A_60] : memref<40x125xi32, #tpu.memory_space<vmem>> -> memref<1x125xi32, #tpu.memory_space<vmem>>
        %dma_start3A_62 = tpu.memref_squeeze %dma_start3A_61 : memref<1x125xi32, #tpu.memory_space<vmem>> -> memref<125xi32, #tpu.memory_space<vmem>>
        %dma_start3A_63 = arith.constant 0 : i32
        %dma_start3A_64 = arith.constant 0 : i32
        %dma_start3A_65 = tpu.memref_slice %arg11[%dma_start3A_63, %dma_start3A_64] : memref<10112x128xf32, #tpu.memory_space<vmem_shared>> -> memref<10112x128xf32, #tpu.memory_space<vmem_shared>>
        tpu.enqueue_indirect_dma source(%arg9 : memref<125x128xf32, #tpu.memory_space<vmem>>) target(%dma_start3A_65 : memref<10112x128xf32, #tpu.memory_space<vmem_shared>>) offsets(%dma_start3A_62 : memref<125xi32, #tpu.memory_space<vmem>>) semaphore(%run_scoped3A_59 : memref<!tpu.dma_semaphore, #tpu.memory_space<semaphore_mem>>) {add = true}
        %dma_wait3A_66 = arith.constant 0 : i32
        %dma_wait3A_67 = tpu.memref_slice %arg8[%add3A_33, %dma_wait3A_66] : memref<40x125xi32, #tpu.memory_space<vmem>> -> memref<1x125xi32, #tpu.memory_space<vmem>>
        %dma_wait3A_68 = tpu.memref_squeeze %dma_wait3A_67 : memref<1x125xi32, #tpu.memory_space<vmem>> -> memref<125xi32, #tpu.memory_space<vmem>>
        %dma_wait3A_69 = arith.constant 0 : i32
        %dma_wait3A_70 = arith.constant 0 : i32
        %dma_wait3A_71 = tpu.memref_slice %arg11[%dma_wait3A_69, %dma_wait3A_70] : memref<10112x128xf32, #tpu.memory_space<vmem_shared>> -> memref<10112x128xf32, #tpu.memory_space<vmem_shared>>
        tpu.wait_indirect_dma semaphore(%run_scoped3A_59 : memref<!tpu.dma_semaphore, #tpu.memory_space<semaphore_mem>>) src(%arg9 : memref<125x128xf32, #tpu.memory_space<vmem>>) dst(%dma_wait3A_71 : memref<10112x128xf32, #tpu.memory_space<vmem_shared>>)
        tpu.yield
      }) : () -> ()
      %lt3A = arith.constant 38 : i32
      %lt3A_47 = arith.cmpi slt, %add3A_33, %lt3A : i32
      %convert_element_type3A = arith.extui %lt3A_47 : i1 to i32
      %cond3A = arith.constant 0 : i32
      %cond3A_48 = arith.cmpi ne, %convert_element_type3A, %cond3A : i32
      scf.if %cond3A_48 {
        %add3A_59 = arith.constant 2 : i32
        %add3A_60 = arith.addi %add3A_33, %add3A_59 : i32
        %dma_start3A_61 = arith.constant 0 : i32
        %dma_start3A_62 = tpu.memref_slice %arg7[%add3A_60, %dma_start3A_61] : memref<40x125xi32, #tpu.memory_space<vmem>> -> memref<1x125xi32, #tpu.memory_space<vmem>>
        %dma_start3A_63 = tpu.memref_squeeze %dma_start3A_62 : memref<1x125xi32, #tpu.memory_space<vmem>> -> memref<125xi32, #tpu.memory_space<vmem>>
        %dma_start3A_64 = arith.constant 0 : i32
        %dma_start3A_65 = arith.constant 0 : i32
        %dma_start3A_66 = tpu.memref_slice %arg2[%dma_start3A_64, %dma_start3A_65] : memref<10000x128xf32, #tpu.memory_space<hbm>> -> memref<10000x128xf32, #tpu.memory_space<hbm>>
        tpu.enqueue_indirect_dma source(%dma_start3A_66 : memref<10000x128xf32, #tpu.memory_space<hbm>>) target(%arg9 : memref<125x128xf32, #tpu.memory_space<vmem>>) offsets(%dma_start3A_63 : memref<125xi32, #tpu.memory_space<vmem>>) semaphore(%arg12 : memref<!tpu.dma_semaphore, #tpu.memory_space<semaphore_mem>>)
      } else {
      }
      %add3A_49 = arith.constant 1 : i32
      %add3A_50 = arith.addi %add3A_33, %add3A_49 : i32
      %dma_wait3A_51 = arith.constant 0 : i32
      %dma_wait3A_52 = tpu.memref_slice %arg7[%add3A_50, %dma_wait3A_51] : memref<40x125xi32, #tpu.memory_space<vmem>> -> memref<1x125xi32, #tpu.memory_space<vmem>>
      %dma_wait3A_53 = tpu.memref_squeeze %dma_wait3A_52 : memref<1x125xi32, #tpu.memory_space<vmem>> -> memref<125xi32, #tpu.memory_space<vmem>>
      %dma_wait3A_54 = arith.constant 0 : i32
      %dma_wait3A_55 = arith.constant 0 : i32
      %dma_wait3A_56 = tpu.memref_slice %arg2[%dma_wait3A_54, %dma_wait3A_55] : memref<10000x128xf32, #tpu.memory_space<hbm>> -> memref<10000x128xf32, #tpu.memory_space<hbm>>
      tpu.wait_indirect_dma semaphore(%arg13 : memref<!tpu.dma_semaphore, #tpu.memory_space<semaphore_mem>>) src(%dma_wait3A_56 : memref<10000x128xf32, #tpu.memory_space<hbm>>) dst(%arg10 : memref<125x128xf32, #tpu.memory_space<vmem>>)
      %add3A_57 = arith.constant 1 : i32
      %add3A_58 = arith.addi %add3A_33, %add3A_57 : i32
      "tpu.region"() ({
        %run_scoped3A_59 = tpu.sem_alloc : memref<!tpu.dma_semaphore, #tpu.memory_space<semaphore_mem>>
        %dma_start3A_60 = arith.constant 0 : i32
        %dma_start3A_61 = tpu.memref_slice %arg8[%add3A_58, %dma_start3A_60] : memref<40x125xi32, #tpu.memory_space<vmem>> -> memref<1x125xi32, #tpu.memory_space<vmem>>
        %dma_start3A_62 = tpu.memref_squeeze %dma_start3A_61 : memref<1x125xi32, #tpu.memory_space<vmem>> -> memref<125xi32, #tpu.memory_space<vmem>>
        %dma_start3A_63 = arith.constant 0 : i32
        %dma_start3A_64 = arith.constant 0 : i32
        %dma_start3A_65 = tpu.memref_slice %arg11[%dma_start3A_63, %dma_start3A_64] : memref<10112x128xf32, #tpu.memory_space<vmem_shared>> -> memref<10112x128xf32, #tpu.memory_space<vmem_shared>>
        tpu.enqueue_indirect_dma source(%arg10 : memref<125x128xf32, #tpu.memory_space<vmem>>) target(%dma_start3A_65 : memref<10112x128xf32, #tpu.memory_space<vmem_shared>>) offsets(%dma_start3A_62 : memref<125xi32, #tpu.memory_space<vmem>>) semaphore(%run_scoped3A_59 : memref<!tpu.dma_semaphore, #tpu.memory_space<semaphore_mem>>) {add = true}
        %dma_wait3A_66 = arith.constant 0 : i32
        %dma_wait3A_67 = tpu.memref_slice %arg8[%add3A_58, %dma_wait3A_66] : memref<40x125xi32, #tpu.memory_space<vmem>> -> memref<1x125xi32, #tpu.memory_space<vmem>>
        %dma_wait3A_68 = tpu.memref_squeeze %dma_wait3A_67 : memref<1x125xi32, #tpu.memory_space<vmem>> -> memref<125xi32, #tpu.memory_space<vmem>>
        %dma_wait3A_69 = arith.constant 0 : i32
        %dma_wait3A_70 = arith.constant 0 : i32
        %dma_wait3A_71 = tpu.memref_slice %arg11[%dma_wait3A_69, %dma_wait3A_70] : memref<10112x128xf32, #tpu.memory_space<vmem_shared>> -> memref<10112x128xf32, #tpu.memory_space<vmem_shared>>
        tpu.wait_indirect_dma semaphore(%run_scoped3A_59 : memref<!tpu.dma_semaphore, #tpu.memory_space<semaphore_mem>>) src(%arg10 : memref<125x128xf32, #tpu.memory_space<vmem>>) dst(%dma_wait3A_71 : memref<10112x128xf32, #tpu.memory_space<vmem_shared>>)
        tpu.yield
      }) : () -> ()
    }
    %scan3A_13 = arith.constant 20 : i32
    %run_scoped3A_14 = arith.constant 1 : i32
    "tpu.region"() ({
      %run_scoped3A_29 = tpu.sem_alloc : memref<!tpu.dma_semaphore, #tpu.memory_space<semaphore_mem>>
      %dma_start3A_30 = arith.constant 0 : i32
      %dma_start3A_31 = arith.constant 0 : i32
      %dma_start3A_32 = tpu.memref_slice %arg3[%add3A, %run_scoped3A_14, %dma_start3A_30, %dma_start3A_31] : memref<32x2x40x125xi32, #tpu.memory_space<hbm>> -> memref<1x1x40x125xi32, #tpu.memory_space<hbm>>
      %dma_start3A_33 = tpu.memref_squeeze %dma_start3A_32 : memref<1x1x40x125xi32, #tpu.memory_space<hbm>> -> memref<40x125xi32, #tpu.memory_space<hbm>>
      %dma_start3A_34 = arith.constant 0 : i32
      %dma_start3A_35 = arith.constant 0 : i32
      %dma_start3A_36 = tpu.memref_slice %arg3[%add3A, %run_scoped3A_14, %dma_start3A_34, %dma_start3A_35] : memref<32x2x40x125xi32, #tpu.memory_space<hbm>> -> memref<1x1x40x125xi32, #tpu.memory_space<hbm>>
      %dma_start3A_37 = tpu.memref_squeeze %dma_start3A_36 : memref<1x1x40x125xi32, #tpu.memory_space<hbm>> -> memref<40x125xi32, #tpu.memory_space<hbm>>
      tpu.enqueue_dma source(%dma_start3A_37 : memref<40x125xi32, #tpu.memory_space<hbm>>) target(%arg7 : memref<40x125xi32, #tpu.memory_space<vmem>>) target_semaphore(%run_scoped3A_29 : memref<!tpu.dma_semaphore, #tpu.memory_space<semaphore_mem>>)
      %dma_wait3A = arith.constant 0 : i32
      %dma_wait3A_38 = arith.constant 0 : i32
      %dma_wait3A_39 = tpu.memref_slice %arg3[%add3A, %run_scoped3A_14, %dma_wait3A, %dma_wait3A_38] : memref<32x2x40x125xi32, #tpu.memory_space<hbm>> -> memref<1x1x40x125xi32, #tpu.memory_space<hbm>>
      %dma_wait3A_40 = tpu.memref_squeeze %dma_wait3A_39 : memref<1x1x40x125xi32, #tpu.memory_space<hbm>> -> memref<40x125xi32, #tpu.memory_space<hbm>>
      %dma_wait3A_41 = arith.constant 0 : i32
      %dma_wait3A_42 = arith.constant 0 : i32
      %dma_wait3A_43 = tpu.memref_slice %arg3[%add3A, %run_scoped3A_14, %dma_wait3A_41, %dma_wait3A_42] : memref<32x2x40x125xi32, #tpu.memory_space<hbm>> -> memref<1x1x40x125xi32, #tpu.memory_space<hbm>>
      %dma_wait3A_44 = tpu.memref_squeeze %dma_wait3A_43 : memref<1x1x40x125xi32, #tpu.memory_space<hbm>> -> memref<40x125xi32, #tpu.memory_space<hbm>>
      tpu.wait_dma2 semaphore(%run_scoped3A_29 : memref<!tpu.dma_semaphore, #tpu.memory_space<semaphore_mem>>) src(%dma_wait3A_44 : memref<40x125xi32, #tpu.memory_space<hbm>>) dst(%arg7 : memref<40x125xi32, #tpu.memory_space<vmem>>)
      tpu.yield
    }) : () -> ()
    %run_scoped3A_15 = arith.constant 1 : i32
    "tpu.region"() ({
      %run_scoped3A_29 = tpu.sem_alloc : memref<!tpu.dma_semaphore, #tpu.memory_space<semaphore_mem>>
      %dma_start3A_30 = arith.constant 0 : i32
      %dma_start3A_31 = arith.constant 0 : i32
      %dma_start3A_32 = tpu.memref_slice %arg4[%add3A, %run_scoped3A_15, %dma_start3A_30, %dma_start3A_31] : memref<32x2x40x125xi32, #tpu.memory_space<hbm>> -> memref<1x1x40x125xi32, #tpu.memory_space<hbm>>
      %dma_start3A_33 = tpu.memref_squeeze %dma_start3A_32 : memref<1x1x40x125xi32, #tpu.memory_space<hbm>> -> memref<40x125xi32, #tpu.memory_space<hbm>>
      %dma_start3A_34 = arith.constant 0 : i32
      %dma_start3A_35 = arith.constant 0 : i32
      %dma_start3A_36 = tpu.memref_slice %arg4[%add3A, %run_scoped3A_15, %dma_start3A_34, %dma_start3A_35] : memref<32x2x40x125xi32, #tpu.memory_space<hbm>> -> memref<1x1x40x125xi32, #tpu.memory_space<hbm>>
      %dma_start3A_37 = tpu.memref_squeeze %dma_start3A_36 : memref<1x1x40x125xi32, #tpu.memory_space<hbm>> -> memref<40x125xi32, #tpu.memory_space<hbm>>
      tpu.enqueue_dma source(%dma_start3A_37 : memref<40x125xi32, #tpu.memory_space<hbm>>) target(%arg8 : memref<40x125xi32, #tpu.memory_space<vmem>>) target_semaphore(%run_scoped3A_29 : memref<!tpu.dma_semaphore, #tpu.memory_space<semaphore_mem>>)
      %dma_wait3A = arith.constant 0 : i32
      %dma_wait3A_38 = arith.constant 0 : i32
      %dma_wait3A_39 = tpu.memref_slice %arg4[%add3A, %run_scoped3A_15, %dma_wait3A, %dma_wait3A_38] : memref<32x2x40x125xi32, #tpu.memory_space<hbm>> -> memref<1x1x40x125xi32, #tpu.memory_space<hbm>>
      %dma_wait3A_40 = tpu.memref_squeeze %dma_wait3A_39 : memref<1x1x40x125xi32, #tpu.memory_space<hbm>> -> memref<40x125xi32, #tpu.memory_space<hbm>>
      %dma_wait3A_41 = arith.constant 0 : i32
      %dma_wait3A_42 = arith.constant 0 : i32
      %dma_wait3A_43 = tpu.memref_slice %arg4[%add3A, %run_scoped3A_15, %dma_wait3A_41, %dma_wait3A_42] : memref<32x2x40x125xi32, #tpu.memory_space<hbm>> -> memref<1x1x40x125xi32, #tpu.memory_space<hbm>>
      %dma_wait3A_44 = tpu.memref_squeeze %dma_wait3A_43 : memref<1x1x40x125xi32, #tpu.memory_space<hbm>> -> memref<40x125xi32, #tpu.memory_space<hbm>>
      tpu.wait_dma2 semaphore(%run_scoped3A_29 : memref<!tpu.dma_semaphore, #tpu.memory_space<semaphore_mem>>) src(%dma_wait3A_44 : memref<40x125xi32, #tpu.memory_space<hbm>>) dst(%arg8 : memref<40x125xi32, #tpu.memory_space<vmem>>)
      tpu.yield
    }) : () -> ()
    %dma_start3A_16 = arith.constant 0 : i32
    %dma_start3A_17 = arith.constant 0 : i32
    %dma_start3A_18 = tpu.memref_slice %arg7[%dma_start3A_16, %dma_start3A_17] : memref<40x125xi32, #tpu.memory_space<vmem>> -> memref<1x125xi32, #tpu.memory_space<vmem>>
    %dma_start3A_19 = tpu.memref_squeeze %dma_start3A_18 : memref<1x125xi32, #tpu.memory_space<vmem>> -> memref<125xi32, #tpu.memory_space<vmem>>
    %dma_start3A_20 = arith.constant 0 : i32
    %dma_start3A_21 = arith.constant 0 : i32
    %dma_start3A_22 = tpu.memref_slice %arg2[%dma_start3A_20, %dma_start3A_21] : memref<10000x128xf32, #tpu.memory_space<hbm>> -> memref<10000x128xf32, #tpu.memory_space<hbm>>
    tpu.enqueue_indirect_dma source(%dma_start3A_22 : memref<10000x128xf32, #tpu.memory_space<hbm>>) target(%arg9 : memref<125x128xf32, #tpu.memory_space<vmem>>) offsets(%dma_start3A_19 : memref<125xi32, #tpu.memory_space<vmem>>) semaphore(%arg12 : memref<!tpu.dma_semaphore, #tpu.memory_space<semaphore_mem>>)
    %scan3A_23 = arith.constant 0 : i32
    %scan3A_24 = arith.constant 20 : i32
    %scan3A_25 = arith.addi %scan3A_23, %scan3A_24 : i32
    %scan3A_26 = arith.constant 1 : i32
    scf.for %scan3A_29 = %scan3A_23 to %scan3A_25 step %scan3A_26  : i32 {
      %mul3A_30 = arith.constant 2 : i32
      %mul3A_31 = arith.muli %scan3A_29, %mul3A_30 : i32
      %add3A_32 = arith.constant 0 : i32
      %add3A_33 = arith.addi %add3A_32, %mul3A_31 : i32
      %add3A_34 = arith.constant 1 : i32
      %add3A_35 = arith.addi %add3A_33, %add3A_34 : i32
      %dma_start3A_36 = arith.constant 0 : i32
      %dma_start3A_37 = tpu.memref_slice %arg7[%add3A_35, %dma_start3A_36] : memref<40x125xi32, #tpu.memory_space<vmem>> -> memref<1x125xi32, #tpu.memory_space<vmem>>
      %dma_start3A_38 = tpu.memref_squeeze %dma_start3A_37 : memref<1x125xi32, #tpu.memory_space<vmem>> -> memref<125xi32, #tpu.memory_space<vmem>>
      %dma_start3A_39 = arith.constant 0 : i32
      %dma_start3A_40 = arith.constant 0 : i32
      %dma_start3A_41 = tpu.memref_slice %arg2[%dma_start3A_39, %dma_start3A_40] : memref<10000x128xf32, #tpu.memory_space<hbm>> -> memref<10000x128xf32, #tpu.memory_space<hbm>>
      tpu.enqueue_indirect_dma source(%dma_start3A_41 : memref<10000x128xf32, #tpu.memory_space<hbm>>) target(%arg10 : memref<125x128xf32, #tpu.memory_space<vmem>>) offsets(%dma_start3A_38 : memref<125xi32, #tpu.memory_space<vmem>>) semaphore(%arg13 : memref<!tpu.dma_semaphore, #tpu.memory_space<semaphore_mem>>)
      %dma_wait3A = arith.constant 0 : i32
      %dma_wait3A_42 = tpu.memref_slice %arg7[%add3A_33, %dma_wait3A] : memref<40x125xi32, #tpu.memory_space<vmem>> -> memref<1x125xi32, #tpu.memory_space<vmem>>
      %dma_wait3A_43 = tpu.memref_squeeze %dma_wait3A_42 : memref<1x125xi32, #tpu.memory_space<vmem>> -> memref<125xi32, #tpu.memory_space<vmem>>
      %dma_wait3A_44 = arith.constant 0 : i32
      %dma_wait3A_45 = arith.constant 0 : i32
      %dma_wait3A_46 = tpu.memref_slice %arg2[%dma_wait3A_44, %dma_wait3A_45] : memref<10000x128xf32, #tpu.memory_space<hbm>> -> memref<10000x128xf32, #tpu.memory_space<hbm>>
      tpu.wait_indirect_dma semaphore(%arg12 : memref<!tpu.dma_semaphore, #tpu.memory_space<semaphore_mem>>) src(%dma_wait3A_46 : memref<10000x128xf32, #tpu.memory_space<hbm>>) dst(%arg9 : memref<125x128xf32, #tpu.memory_space<vmem>>)
      "tpu.region"() ({
        %run_scoped3A_59 = tpu.sem_alloc : memref<!tpu.dma_semaphore, #tpu.memory_space<semaphore_mem>>
        %dma_start3A_60 = arith.constant 0 : i32
        %dma_start3A_61 = tpu.memref_slice %arg8[%add3A_33, %dma_start3A_60] : memref<40x125xi32, #tpu.memory_space<vmem>> -> memref<1x125xi32, #tpu.memory_space<vmem>>
        %dma_start3A_62 = tpu.memref_squeeze %dma_start3A_61 : memref<1x125xi32, #tpu.memory_space<vmem>> -> memref<125xi32, #tpu.memory_space<vmem>>
        %dma_start3A_63 = arith.constant 0 : i32
        %dma_start3A_64 = arith.constant 0 : i32
        %dma_start3A_65 = tpu.memref_slice %arg11[%dma_start3A_63, %dma_start3A_64] : memref<10112x128xf32, #tpu.memory_space<vmem_shared>> -> memref<10112x128xf32, #tpu.memory_space<vmem_shared>>
        tpu.enqueue_indirect_dma source(%arg9 : memref<125x128xf32, #tpu.memory_space<vmem>>) target(%dma_start3A_65 : memref<10112x128xf32, #tpu.memory_space<vmem_shared>>) offsets(%dma_start3A_62 : memref<125xi32, #tpu.memory_space<vmem>>) semaphore(%run_scoped3A_59 : memref<!tpu.dma_semaphore, #tpu.memory_space<semaphore_mem>>) {add = true}
        %dma_wait3A_66 = arith.constant 0 : i32
        %dma_wait3A_67 = tpu.memref_slice %arg8[%add3A_33, %dma_wait3A_66] : memref<40x125xi32, #tpu.memory_space<vmem>> -> memref<1x125xi32, #tpu.memory_space<vmem>>
        %dma_wait3A_68 = tpu.memref_squeeze %dma_wait3A_67 : memref<1x125xi32, #tpu.memory_space<vmem>> -> memref<125xi32, #tpu.memory_space<vmem>>
        %dma_wait3A_69 = arith.constant 0 : i32
        %dma_wait3A_70 = arith.constant 0 : i32
        %dma_wait3A_71 = tpu.memref_slice %arg11[%dma_wait3A_69, %dma_wait3A_70] : memref<10112x128xf32, #tpu.memory_space<vmem_shared>> -> memref<10112x128xf32, #tpu.memory_space<vmem_shared>>
        tpu.wait_indirect_dma semaphore(%run_scoped3A_59 : memref<!tpu.dma_semaphore, #tpu.memory_space<semaphore_mem>>) src(%arg9 : memref<125x128xf32, #tpu.memory_space<vmem>>) dst(%dma_wait3A_71 : memref<10112x128xf32, #tpu.memory_space<vmem_shared>>)
        tpu.yield
      }) : () -> ()
      %lt3A = arith.constant 38 : i32
      %lt3A_47 = arith.cmpi slt, %add3A_33, %lt3A : i32
      %convert_element_type3A = arith.extui %lt3A_47 : i1 to i32
      %cond3A = arith.constant 0 : i32
      %cond3A_48 = arith.cmpi ne, %convert_element_type3A, %cond3A : i32
      scf.if %cond3A_48 {
        %add3A_59 = arith.constant 2 : i32
        %add3A_60 = arith.addi %add3A_33, %add3A_59 : i32
        %dma_start3A_61 = arith.constant 0 : i32
        %dma_start3A_62 = tpu.memref_slice %arg7[%add3A_60, %dma_start3A_61] : memref<40x125xi32, #tpu.memory_space<vmem>> -> memref<1x125xi32, #tpu.memory_space<vmem>>
        %dma_start3A_63 = tpu.memref_squeeze %dma_start3A_62 : memref<1x125xi32, #tpu.memory_space<vmem>> -> memref<125xi32, #tpu.memory_space<vmem>>
        %dma_start3A_64 = arith.constant 0 : i32
        %dma_start3A_65 = arith.constant 0 : i32
        %dma_start3A_66 = tpu.memref_slice %arg2[%dma_start3A_64, %dma_start3A_65] : memref<10000x128xf32, #tpu.memory_space<hbm>> -> memref<10000x128xf32, #tpu.memory_space<hbm>>
        tpu.enqueue_indirect_dma source(%dma_start3A_66 : memref<10000x128xf32, #tpu.memory_space<hbm>>) target(%arg9 : memref<125x128xf32, #tpu.memory_space<vmem>>) offsets(%dma_start3A_63 : memref<125xi32, #tpu.memory_space<vmem>>) semaphore(%arg12 : memref<!tpu.dma_semaphore, #tpu.memory_space<semaphore_mem>>)
      } else {
      }
      %add3A_49 = arith.constant 1 : i32
      %add3A_50 = arith.addi %add3A_33, %add3A_49 : i32
      %dma_wait3A_51 = arith.constant 0 : i32
      %dma_wait3A_52 = tpu.memref_slice %arg7[%add3A_50, %dma_wait3A_51] : memref<40x125xi32, #tpu.memory_space<vmem>> -> memref<1x125xi32, #tpu.memory_space<vmem>>
      %dma_wait3A_53 = tpu.memref_squeeze %dma_wait3A_52 : memref<1x125xi32, #tpu.memory_space<vmem>> -> memref<125xi32, #tpu.memory_space<vmem>>
      %dma_wait3A_54 = arith.constant 0 : i32
      %dma_wait3A_55 = arith.constant 0 : i32
      %dma_wait3A_56 = tpu.memref_slice %arg2[%dma_wait3A_54, %dma_wait3A_55] : memref<10000x128xf32, #tpu.memory_space<hbm>> -> memref<10000x128xf32, #tpu.memory_space<hbm>>
      tpu.wait_indirect_dma semaphore(%arg13 : memref<!tpu.dma_semaphore, #tpu.memory_space<semaphore_mem>>) src(%dma_wait3A_56 : memref<10000x128xf32, #tpu.memory_space<hbm>>) dst(%arg10 : memref<125x128xf32, #tpu.memory_space<vmem>>)
      %add3A_57 = arith.constant 1 : i32
      %add3A_58 = arith.addi %add3A_33, %add3A_57 : i32
      "tpu.region"() ({
        %run_scoped3A_59 = tpu.sem_alloc : memref<!tpu.dma_semaphore, #tpu.memory_space<semaphore_mem>>
        %dma_start3A_60 = arith.constant 0 : i32
        %dma_start3A_61 = tpu.memref_slice %arg8[%add3A_58, %dma_start3A_60] : memref<40x125xi32, #tpu.memory_space<vmem>> -> memref<1x125xi32, #tpu.memory_space<vmem>>
        %dma_start3A_62 = tpu.memref_squeeze %dma_start3A_61 : memref<1x125xi32, #tpu.memory_space<vmem>> -> memref<125xi32, #tpu.memory_space<vmem>>
        %dma_start3A_63 = arith.constant 0 : i32
        %dma_start3A_64 = arith.constant 0 : i32
        %dma_start3A_65 = tpu.memref_slice %arg11[%dma_start3A_63, %dma_start3A_64] : memref<10112x128xf32, #tpu.memory_space<vmem_shared>> -> memref<10112x128xf32, #tpu.memory_space<vmem_shared>>
        tpu.enqueue_indirect_dma source(%arg10 : memref<125x128xf32, #tpu.memory_space<vmem>>) target(%dma_start3A_65 : memref<10112x128xf32, #tpu.memory_space<vmem_shared>>) offsets(%dma_start3A_62 : memref<125xi32, #tpu.memory_space<vmem>>) semaphore(%run_scoped3A_59 : memref<!tpu.dma_semaphore, #tpu.memory_space<semaphore_mem>>) {add = true}
        %dma_wait3A_66 = arith.constant 0 : i32
        %dma_wait3A_67 = tpu.memref_slice %arg8[%add3A_58, %dma_wait3A_66] : memref<40x125xi32, #tpu.memory_space<vmem>> -> memref<1x125xi32, #tpu.memory_space<vmem>>
        %dma_wait3A_68 = tpu.memref_squeeze %dma_wait3A_67 : memref<1x125xi32, #tpu.memory_space<vmem>> -> memref<125xi32, #tpu.memory_space<vmem>>
        %dma_wait3A_69 = arith.constant 0 : i32
        %dma_wait3A_70 = arith.constant 0 : i32
        %dma_wait3A_71 = tpu.memref_slice %arg11[%dma_wait3A_69, %dma_wait3A_70] : memref<10112x128xf32, #tpu.memory_space<vmem_shared>> -> memref<10112x128xf32, #tpu.memory_space<vmem_shared>>
        tpu.wait_indirect_dma semaphore(%run_scoped3A_59 : memref<!tpu.dma_semaphore, #tpu.memory_space<semaphore_mem>>) src(%arg10 : memref<125x128xf32, #tpu.memory_space<vmem>>) dst(%dma_wait3A_71 : memref<10112x128xf32, #tpu.memory_space<vmem_shared>>)
        tpu.yield
      }) : () -> ()
    }
    %scan3A_27 = arith.constant 20 : i32
    %barrier3A_28 = arith.constant 0 : index
    tpu.barrier barrier_id(%barrier3A_28)
    "tpu.region"() ({
      %run_scoped3A_29 = tpu.sem_alloc : memref<!tpu.dma_semaphore, #tpu.memory_space<semaphore_mem>>
      %dma_start3A_30 = arith.constant 0 : i32
      %dma_start3A_31 = tpu.memref_slice %arg6[%arg0, %mul3A_2, %dma_start3A_30] : memref<2x10112x128xf32, #tpu.memory_space<hbm>> -> memref<1x632x128xf32, #tpu.memory_space<hbm>>
      %dma_start3A_32 = tpu.memref_squeeze %dma_start3A_31 : memref<1x632x128xf32, #tpu.memory_space<hbm>> -> memref<632x128xf32, #tpu.memory_space<hbm>>
      %dma_start3A_33 = arith.constant 0 : i32
      %dma_start3A_34 = tpu.memref_slice %arg11[%mul3A_2, %dma_start3A_33] : memref<10112x128xf32, #tpu.memory_space<vmem_shared>> -> memref<632x128xf32, #tpu.memory_space<vmem_shared>>
      tpu.enqueue_dma source(%dma_start3A_34 : memref<632x128xf32, #tpu.memory_space<vmem_shared>>) target(%dma_start3A_32 : memref<632x128xf32, #tpu.memory_space<hbm>>) target_semaphore(%run_scoped3A_29 : memref<!tpu.dma_semaphore, #tpu.memory_space<semaphore_mem>>)
      %dma_wait3A = arith.constant 0 : i32
      %dma_wait3A_35 = tpu.memref_slice %arg6[%arg0, %mul3A_2, %dma_wait3A] : memref<2x10112x128xf32, #tpu.memory_space<hbm>> -> memref<1x632x128xf32, #tpu.memory_space<hbm>>
      %dma_wait3A_36 = tpu.memref_squeeze %dma_wait3A_35 : memref<1x632x128xf32, #tpu.memory_space<hbm>> -> memref<632x128xf32, #tpu.memory_space<hbm>>
      %dma_wait3A_37 = arith.constant 0 : i32
      %dma_wait3A_38 = tpu.memref_slice %arg11[%mul3A_2, %dma_wait3A_37] : memref<10112x128xf32, #tpu.memory_space<vmem_shared>> -> memref<632x128xf32, #tpu.memory_space<vmem_shared>>
      tpu.wait_dma2 semaphore(%run_scoped3A_29 : memref<!tpu.dma_semaphore, #tpu.memory_space<semaphore_mem>>) src(%dma_wait3A_38 : memref<632x128xf32, #tpu.memory_space<vmem_shared>>) dst(%dma_wait3A_36 : memref<632x128xf32, #tpu.memory_space<hbm>>)
      tpu.yield
    }) : () -> ()
    return
  }
}

module attributes {stable_mosaic.version = 14 : i64} {
  func.func @body(%arg0: i32, %arg1: memref<2x5000x128xf32, #tpu.memory_space<vmem>>, %arg2: memref<2x5000x16xf32, #tpu.memory_space<vmem>>, %arg3: memref<5000x128xf32, #tpu.memory_space<vmem>>, %arg4: memref<128x128xf32, #tpu.memory_space<vmem>>, %arg5: memref<128x128xf32, #tpu.memory_space<vmem>>, %arg6: memref<1x128xf32, #tpu.memory_space<vmem>>, %arg7: memref<5000x128xf32, #tpu.memory_space<vmem>>) attributes {dimension_semantics = [#tpu.dimension_semantics<arbitrary>], iteration_bounds = array<i64: 2>, scalar_prefetch = 0 : i64, scratch_operands = 0 : i64, tpu.core_type = #tpu.core_type<tc>, window_params = [{transform_indices = @transform_0, window_bounds = array<i64: 2, 5000, 128>}, {transform_indices = @transform_1, window_bounds = array<i64: 2, 5000, 16>}, {transform_indices = @transform_2, window_bounds = array<i64: 5000, 128>}, {pipeline_mode = #tpu.pipeline_mode<synchronous>, transform_indices = @transform_3, window_bounds = array<i64: 128, 128>}, {pipeline_mode = #tpu.pipeline_mode<synchronous>, transform_indices = @transform_4, window_bounds = array<i64: 128, 128>}, {pipeline_mode = #tpu.pipeline_mode<synchronous>, transform_indices = @transform_5, window_bounds = array<i64: 1, 128>}, {transform_indices = @transform_6, window_bounds = array<i64: 5000, 128>}]} {
    %get3A = arith.constant 0 : index
    %get3A_0 = arith.constant 0 : index
    %get3A_1 = arith.constant 0 : index
    %get3A_2 = vector.load %arg1[%get3A, %get3A_0, %get3A_1] : memref<2x5000x128xf32, #tpu.memory_space<vmem>>, vector<1x5000x128xf32>
    %get3A_3 = vector.shape_cast %get3A_2 : vector<1x5000x128xf32> to vector<5000x128xf32>
    %get3A_4 = arith.constant 1 : index
    %get3A_5 = arith.constant 0 : index
    %get3A_6 = arith.constant 0 : index
    %get3A_7 = vector.load %arg1[%get3A_4, %get3A_5, %get3A_6] : memref<2x5000x128xf32, #tpu.memory_space<vmem>>, vector<1x5000x128xf32>
    %get3A_8 = vector.shape_cast %get3A_7 : vector<1x5000x128xf32> to vector<5000x128xf32>
    %add3A = arith.addf %get3A_3, %get3A_8 : vector<5000x128xf32>
    %get3A_9 = arith.constant 0 : index
    %get3A_10 = arith.constant 0 : index
    %get3A_11 = arith.constant 0 : index
    %get3A_12 = vector.load %arg2[%get3A_9, %get3A_10, %get3A_11] : memref<2x5000x16xf32, #tpu.memory_space<vmem>>, vector<2x5000x16xf32>
    %slice3A = vector.extract_strided_slice %get3A_12 {offsets = [0, 0, 0], sizes = [1, 5000, 1], strides = [1, 1, 1]} : vector<2x5000x16xf32> to vector<1x5000x1xf32>
    %squeeze3A = vector.shape_cast %slice3A : vector<1x5000x1xf32> to vector<5000x1xf32>
    %slice3A_13 = vector.extract_strided_slice %get3A_12 {offsets = [1, 0, 0], sizes = [1, 5000, 1], strides = [1, 1, 1]} : vector<2x5000x16xf32> to vector<1x5000x1xf32>
    %squeeze3A_14 = vector.shape_cast %slice3A_13 : vector<1x5000x1xf32> to vector<5000x1xf32>
    %add3A_15 = arith.addf %squeeze3A, %squeeze3A_14 : vector<5000x1xf32>
    %max3A = arith.constant 1.000000e+00 : f32
    %max3A_16 = vector.broadcast %max3A : f32 to vector<5000x1xf32>
    %max3A_17 = arith.maximumf %add3A_15, %max3A_16 : vector<5000x1xf32>
    %div3A = vector.broadcast %max3A_17 : vector<5000x1xf32> to vector<5000x128xf32>
    %div3A_18 = arith.divf %add3A, %div3A : vector<5000x128xf32>
    %get3A_19 = arith.constant 0 : index
    %get3A_20 = arith.constant 0 : index
    %get3A_21 = vector.load %arg4[%get3A_19, %get3A_20] : memref<128x128xf32, #tpu.memory_space<vmem>>, vector<128x128xf32>
    %dot_general3A = arith.constant dense<0.000000e+00> : vector<5000x128xf32>
    %dot_general3A_22 = tpu.matmul %div3A_18, %get3A_21, %dot_general3A {dimension_numbers = #tpu.dot_dimension_numbers<[1], [0], [0], [1], [0, 0, 1, 1], [], []>, transpose_lhs_hint = false} : vector<5000x128xf32>, vector<128x128xf32>, vector<5000x128xf32> -> vector<5000x128xf32>
    %get3A_23 = arith.constant 0 : index
    %get3A_24 = arith.constant 0 : index
    %get3A_25 = vector.load %arg3[%get3A_23, %get3A_24] : memref<5000x128xf32, #tpu.memory_space<vmem>>, vector<5000x128xf32>
    %get3A_26 = arith.constant 0 : index
    %get3A_27 = arith.constant 0 : index
    %get3A_28 = vector.load %arg5[%get3A_26, %get3A_27] : memref<128x128xf32, #tpu.memory_space<vmem>>, vector<128x128xf32>
    %dot_general3A_29 = arith.constant dense<0.000000e+00> : vector<5000x128xf32>
    %dot_general3A_30 = tpu.matmul %get3A_25, %get3A_28, %dot_general3A_29 {dimension_numbers = #tpu.dot_dimension_numbers<[1], [0], [0], [1], [0, 0, 1, 1], [], []>, transpose_lhs_hint = false} : vector<5000x128xf32>, vector<128x128xf32>, vector<5000x128xf32> -> vector<5000x128xf32>
    %add3A_31 = arith.addf %dot_general3A_22, %dot_general3A_30 : vector<5000x128xf32>
    %get3A_32 = arith.constant 0 : index
    %get3A_33 = arith.constant 0 : index
    %get3A_34 = vector.load %arg6[%get3A_32, %get3A_33] : memref<1x128xf32, #tpu.memory_space<vmem>>, vector<1x128xf32>
    %add3A_35 = vector.broadcast %get3A_34 : vector<1x128xf32> to vector<5000x128xf32>
    %add3A_36 = arith.addf %add3A_31, %add3A_35 : vector<5000x128xf32>
    %max3A_37 = arith.constant 0.000000e+00 : f32
    %max3A_38 = vector.broadcast %max3A_37 : f32 to vector<5000x128xf32>
    %max3A_39 = arith.maximumf %add3A_36, %max3A_38 : vector<5000x128xf32>
    %mul3A = arith.mulf %max3A_39, %max3A_39 : vector<5000x128xf32>
    %reduce_sum3A = arith.constant dense<0.000000e+00> : vector<5000xf32>
    %reduce_sum3A_40 = vector.multi_reduction <add>, %mul3A, %reduce_sum3A [1] : vector<5000x128xf32> to vector<5000xf32>
    %broadcast_in_dim3A = vector.shape_cast %reduce_sum3A_40 : vector<5000xf32> to vector<5000x1xf32>
    %sqrt3A = math.sqrt %broadcast_in_dim3A : vector<5000x1xf32>
    %max3A_41 = arith.constant 9.99999996E-13 : f32
    %max3A_42 = vector.broadcast %max3A_41 : f32 to vector<5000x1xf32>
    %max3A_43 = arith.maximumf %sqrt3A, %max3A_42 : vector<5000x1xf32>
    %div3A_44 = vector.broadcast %max3A_43 : vector<5000x1xf32> to vector<5000x128xf32>
    %div3A_45 = arith.divf %max3A_39, %div3A_44 : vector<5000x128xf32>
    %swap3A = arith.constant 0 : index
    %swap3A_46 = arith.constant 0 : index
    %swap3A_47 = vector.load %arg7[%swap3A, %swap3A_46] : memref<5000x128xf32, #tpu.memory_space<vmem>>, vector<5000x128xf32>
    tpu.vector_store %arg7[%swap3A, %swap3A_46], %div3A_45 {strides = array<i32>} : memref<5000x128xf32, #tpu.memory_space<vmem>>, vector<5000x128xf32>,
    return
  }
  func.func @transform_0(%arg0: i32) -> (i32, i32, i32) {
    %c0_i32 = arith.constant 0 : i32
    %c0_i32_0 = arith.constant 0 : i32
    %c0_i32_1 = arith.constant 0 : i32
    return %c0_i32, %arg0, %c0_i32_0 : i32, i32, i32
  }
  func.func @transform_1(%arg0: i32) -> (i32, i32, i32) {
    %c0_i32 = arith.constant 0 : i32
    %c0_i32_0 = arith.constant 0 : i32
    %c0_i32_1 = arith.constant 0 : i32
    return %c0_i32, %arg0, %c0_i32_0 : i32, i32, i32
  }
  func.func @transform_2(%arg0: i32) -> (i32, i32) {
    %c0_i32 = arith.constant 0 : i32
    %c0_i32_0 = arith.constant 0 : i32
    return %arg0, %c0_i32 : i32, i32
  }
  func.func @transform_3(%arg0: i32) -> (i32, i32) {
    %c0_i32 = arith.constant 0 : i32
    %c0_i32_0 = arith.constant 0 : i32
    %c0_i32_1 = arith.constant 0 : i32
    return %c0_i32, %c0_i32_0 : i32, i32
  }
  func.func @transform_4(%arg0: i32) -> (i32, i32) {
    %c0_i32 = arith.constant 0 : i32
    %c0_i32_0 = arith.constant 0 : i32
    %c0_i32_1 = arith.constant 0 : i32
    return %c0_i32, %c0_i32_0 : i32, i32
  }
  func.func @transform_5(%arg0: i32) -> (i32, i32) {
    %c0_i32 = arith.constant 0 : i32
    %c0_i32_0 = arith.constant 0 : i32
    %c0_i32_1 = arith.constant 0 : i32
    return %c0_i32, %c0_i32_0 : i32, i32
  }
  func.func @transform_6(%arg0: i32) -> (i32, i32) {
    %c0_i32 = arith.constant 0 : i32
    %c0_i32_0 = arith.constant 0 : i32
    return %arg0, %c0_i32 : i32, i32
  }
}

module attributes {stable_mosaic.version = 14 : i64} {
  func.func @body(%arg0: i32, %arg1: memref<2x5000x128xf32, #tpu.memory_space<vmem>>, %arg2: memref<2x5000x16xf32, #tpu.memory_space<vmem>>, %arg3: memref<5000x128xf32, #tpu.memory_space<vmem>>, %arg4: memref<128x128xf32, #tpu.memory_space<vmem>>, %arg5: memref<128x128xf32, #tpu.memory_space<vmem>>, %arg6: memref<1x128xf32, #tpu.memory_space<vmem>>, %arg7: memref<128x64xf32, #tpu.memory_space<vmem>>, %arg8: memref<1x64xf32, #tpu.memory_space<vmem>>, %arg9: memref<64x2xf32, #tpu.memory_space<vmem>>, %arg10: memref<1x2xf32, #tpu.memory_space<vmem>>, %arg11: memref<1x2xf32, #tpu.memory_space<vmem>>, %arg12: memref<1x128xf32, #tpu.memory_space<vmem>>) attributes {dimension_semantics = [#tpu.dimension_semantics<arbitrary>], iteration_bounds = array<i64: 2>, scalar_prefetch = 0 : i64, scratch_operands = 1 : i64, tpu.core_type = #tpu.core_type<tc>, window_params = [{transform_indices = @transform_0, window_bounds = array<i64: 2, 5000, 128>}, {transform_indices = @transform_1, window_bounds = array<i64: 2, 5000, 16>}, {transform_indices = @transform_2, window_bounds = array<i64: 5000, 128>}, {pipeline_mode = #tpu.pipeline_mode<synchronous>, transform_indices = @transform_3, window_bounds = array<i64: 128, 128>}, {pipeline_mode = #tpu.pipeline_mode<synchronous>, transform_indices = @transform_4, window_bounds = array<i64: 128, 128>}, {pipeline_mode = #tpu.pipeline_mode<synchronous>, transform_indices = @transform_5, window_bounds = array<i64: 1, 128>}, {pipeline_mode = #tpu.pipeline_mode<synchronous>, transform_indices = @transform_6, window_bounds = array<i64: 128, 64>}, {pipeline_mode = #tpu.pipeline_mode<synchronous>, transform_indices = @transform_7, window_bounds = array<i64: 1, 64>}, {pipeline_mode = #tpu.pipeline_mode<synchronous>, transform_indices = @transform_8, window_bounds = array<i64: 64, 2>}, {pipeline_mode = #tpu.pipeline_mode<synchronous>, transform_indices = @transform_9, window_bounds = array<i64: 1, 2>}, {pipeline_mode = #tpu.pipeline_mode<synchronous>, transform_indices = @transform_10, window_bounds = array<i64: 1, 2>}]} {
    %get3A = arith.constant 0 : index
    %get3A_0 = arith.constant 0 : index
    %get3A_1 = arith.constant 0 : index
    %get3A_2 = vector.load %arg1[%get3A, %get3A_0, %get3A_1] : memref<2x5000x128xf32, #tpu.memory_space<vmem>>, vector<1x5000x128xf32>
    %get3A_3 = vector.shape_cast %get3A_2 : vector<1x5000x128xf32> to vector<5000x128xf32>
    %get3A_4 = arith.constant 1 : index
    %get3A_5 = arith.constant 0 : index
    %get3A_6 = arith.constant 0 : index
    %get3A_7 = vector.load %arg1[%get3A_4, %get3A_5, %get3A_6] : memref<2x5000x128xf32, #tpu.memory_space<vmem>>, vector<1x5000x128xf32>
    %get3A_8 = vector.shape_cast %get3A_7 : vector<1x5000x128xf32> to vector<5000x128xf32>
    %add3A = arith.addf %get3A_3, %get3A_8 : vector<5000x128xf32>
    %get3A_9 = arith.constant 0 : index
    %get3A_10 = arith.constant 0 : index
    %get3A_11 = arith.constant 0 : index
    %get3A_12 = vector.load %arg2[%get3A_9, %get3A_10, %get3A_11] : memref<2x5000x16xf32, #tpu.memory_space<vmem>>, vector<2x5000x16xf32>
    %slice3A = vector.extract_strided_slice %get3A_12 {offsets = [0, 0, 0], sizes = [1, 5000, 1], strides = [1, 1, 1]} : vector<2x5000x16xf32> to vector<1x5000x1xf32>
    %squeeze3A = vector.shape_cast %slice3A : vector<1x5000x1xf32> to vector<5000x1xf32>
    %slice3A_13 = vector.extract_strided_slice %get3A_12 {offsets = [1, 0, 0], sizes = [1, 5000, 1], strides = [1, 1, 1]} : vector<2x5000x16xf32> to vector<1x5000x1xf32>
    %squeeze3A_14 = vector.shape_cast %slice3A_13 : vector<1x5000x1xf32> to vector<5000x1xf32>
    %add3A_15 = arith.addf %squeeze3A, %squeeze3A_14 : vector<5000x1xf32>
    %max3A = arith.constant 1.000000e+00 : f32
    %max3A_16 = vector.broadcast %max3A : f32 to vector<5000x1xf32>
    %max3A_17 = arith.maximumf %add3A_15, %max3A_16 : vector<5000x1xf32>
    %div3A = vector.broadcast %max3A_17 : vector<5000x1xf32> to vector<5000x128xf32>
    %div3A_18 = arith.divf %add3A, %div3A : vector<5000x128xf32>
    %get3A_19 = arith.constant 0 : index
    %get3A_20 = arith.constant 0 : index
    %get3A_21 = vector.load %arg4[%get3A_19, %get3A_20] : memref<128x128xf32, #tpu.memory_space<vmem>>, vector<128x128xf32>
    %dot_general3A = arith.constant dense<0.000000e+00> : vector<5000x128xf32>
    %dot_general3A_22 = tpu.matmul %div3A_18, %get3A_21, %dot_general3A {dimension_numbers = #tpu.dot_dimension_numbers<[1], [0], [0], [1], [0, 0, 1, 1], [], []>, transpose_lhs_hint = false} : vector<5000x128xf32>, vector<128x128xf32>, vector<5000x128xf32> -> vector<5000x128xf32>
    %get3A_23 = arith.constant 0 : index
    %get3A_24 = arith.constant 0 : index
    %get3A_25 = vector.load %arg3[%get3A_23, %get3A_24] : memref<5000x128xf32, #tpu.memory_space<vmem>>, vector<5000x128xf32>
    %get3A_26 = arith.constant 0 : index
    %get3A_27 = arith.constant 0 : index
    %get3A_28 = vector.load %arg5[%get3A_26, %get3A_27] : memref<128x128xf32, #tpu.memory_space<vmem>>, vector<128x128xf32>
    %dot_general3A_29 = arith.constant dense<0.000000e+00> : vector<5000x128xf32>
    %dot_general3A_30 = tpu.matmul %get3A_25, %get3A_28, %dot_general3A_29 {dimension_numbers = #tpu.dot_dimension_numbers<[1], [0], [0], [1], [0, 0, 1, 1], [], []>, transpose_lhs_hint = false} : vector<5000x128xf32>, vector<128x128xf32>, vector<5000x128xf32> -> vector<5000x128xf32>
    %add3A_31 = arith.addf %dot_general3A_22, %dot_general3A_30 : vector<5000x128xf32>
    %get3A_32 = arith.constant 0 : index
    %get3A_33 = arith.constant 0 : index
    %get3A_34 = vector.load %arg6[%get3A_32, %get3A_33] : memref<1x128xf32, #tpu.memory_space<vmem>>, vector<1x128xf32>
    %add3A_35 = vector.broadcast %get3A_34 : vector<1x128xf32> to vector<5000x128xf32>
    %add3A_36 = arith.addf %add3A_31, %add3A_35 : vector<5000x128xf32>
    %max3A_37 = arith.constant 0.000000e+00 : f32
    %max3A_38 = vector.broadcast %max3A_37 : f32 to vector<5000x128xf32>
    %max3A_39 = arith.maximumf %add3A_36, %max3A_38 : vector<5000x128xf32>
    %mul3A = arith.mulf %max3A_39, %max3A_39 : vector<5000x128xf32>
    %reduce_sum3A = arith.constant dense<0.000000e+00> : vector<5000xf32>
    %reduce_sum3A_40 = vector.multi_reduction <add>, %mul3A, %reduce_sum3A [1] : vector<5000x128xf32> to vector<5000xf32>
    %broadcast_in_dim3A = vector.shape_cast %reduce_sum3A_40 : vector<5000xf32> to vector<5000x1xf32>
    %sqrt3A = math.sqrt %broadcast_in_dim3A : vector<5000x1xf32>
    %max3A_41 = arith.constant 9.99999996E-13 : f32
    %max3A_42 = vector.broadcast %max3A_41 : f32 to vector<5000x1xf32>
    %max3A_43 = arith.maximumf %sqrt3A, %max3A_42 : vector<5000x1xf32>
    %div3A_44 = vector.broadcast %max3A_43 : vector<5000x1xf32> to vector<5000x128xf32>
    %div3A_45 = arith.divf %max3A_39, %div3A_44 : vector<5000x128xf32>
    %reduce_sum3A_46 = arith.constant dense<0.000000e+00> : vector<128xf32>
    %reduce_sum3A_47 = vector.multi_reduction <add>, %div3A_45, %reduce_sum3A_46 [0] : vector<5000x128xf32> to vector<128xf32>
    %broadcast_in_dim3A_48 = vector.shape_cast %reduce_sum3A_47 : vector<128xf32> to vector<1x128xf32>
    %eq3A = arith.constant 0 : i32
    %eq3A_49 = arith.cmpi eq, %arg0, %eq3A : i32
    %convert_element_type3A = arith.extui %eq3A_49 : i1 to i32
    %cond3A = arith.constant 0 : i32
    %cond3A_50 = arith.cmpi ne, %convert_element_type3A, %cond3A : i32
    scf.if %cond3A_50 {
      %broadcast_in_dim3A_62 = arith.constant 0.000000e+00 : f32
      %broadcast_in_dim3A_63 = vector.broadcast %broadcast_in_dim3A_62 : f32 to vector<1x128xf32>
      %swap3A_64 = arith.constant 0 : index
      %swap3A_65 = arith.constant 0 : index
      %swap3A_66 = vector.load %arg12[%swap3A_64, %swap3A_65] : memref<1x128xf32, #tpu.memory_space<vmem>>, vector<1x128xf32>
      tpu.vector_store %arg12[%swap3A_64, %swap3A_65], %broadcast_in_dim3A_63 {strides = array<i32>} : memref<1x128xf32, #tpu.memory_space<vmem>>, vector<1x128xf32>,
    } else {
    }
    %get3A_51 = arith.constant 0 : index
    %get3A_52 = arith.constant 0 : index
    %get3A_53 = vector.load %arg12[%get3A_51, %get3A_52] : memref<1x128xf32, #tpu.memory_space<vmem>>, vector<1x128xf32>
    %add3A_54 = arith.addf %get3A_53, %broadcast_in_dim3A_48 : vector<1x128xf32>
    %swap3A = arith.constant 0 : index
    %swap3A_55 = arith.constant 0 : index
    %swap3A_56 = vector.load %arg12[%swap3A, %swap3A_55] : memref<1x128xf32, #tpu.memory_space<vmem>>, vector<1x128xf32>
    tpu.vector_store %arg12[%swap3A, %swap3A_55], %add3A_54 {strides = array<i32>} : memref<1x128xf32, #tpu.memory_space<vmem>>, vector<1x128xf32>,
    %eq3A_57 = arith.constant 1 : i32
    %eq3A_58 = arith.cmpi eq, %arg0, %eq3A_57 : i32
    %convert_element_type3A_59 = arith.extui %eq3A_58 : i1 to i32
    %cond3A_60 = arith.constant 0 : i32
    %cond3A_61 = arith.cmpi ne, %convert_element_type3A_59, %cond3A_60 : i32
    scf.if %cond3A_61 {
      %get3A_62 = arith.constant 0 : index
      %get3A_63 = arith.constant 0 : index
      %get3A_64 = vector.load %arg12[%get3A_62, %get3A_63] : memref<1x128xf32, #tpu.memory_space<vmem>>, vector<1x128xf32>
      %mul3A_65 = arith.constant 9.99999974E-5 : f32
      %mul3A_66 = vector.broadcast %mul3A_65 : f32 to vector<1x128xf32>
      %mul3A_67 = arith.mulf %get3A_64, %mul3A_66 : vector<1x128xf32>
      %get3A_68 = arith.constant 0 : index
      %get3A_69 = arith.constant 0 : index
      %get3A_70 = vector.load %arg7[%get3A_68, %get3A_69] : memref<128x64xf32, #tpu.memory_space<vmem>>, vector<128x64xf32>
      %dot_general3A_71 = arith.constant dense<0.000000e+00> : vector<1x64xf32>
      %dot_general3A_72 = tpu.matmul %mul3A_67, %get3A_70, %dot_general3A_71 {dimension_numbers = #tpu.dot_dimension_numbers<[1], [0], [0], [1], [0, 0, 1, 1], [], []>, transpose_lhs_hint = false} : vector<1x128xf32>, vector<128x64xf32>, vector<1x64xf32> -> vector<1x64xf32>
      %get3A_73 = arith.constant 0 : index
      %get3A_74 = arith.constant 0 : index
      %get3A_75 = vector.load %arg8[%get3A_73, %get3A_74] : memref<1x64xf32, #tpu.memory_space<vmem>>, vector<1x64xf32>
      %add3A_76 = arith.addf %dot_general3A_72, %get3A_75 : vector<1x64xf32>
      %max3A_77 = arith.constant 0.000000e+00 : f32
      %max3A_78 = vector.broadcast %max3A_77 : f32 to vector<1x64xf32>
      %max3A_79 = arith.maximumf %add3A_76, %max3A_78 : vector<1x64xf32>
      %get3A_80 = arith.constant 0 : index
      %get3A_81 = arith.constant 0 : index
      %get3A_82 = vector.load %arg9[%get3A_80, %get3A_81] : memref<64x2xf32, #tpu.memory_space<vmem>>, vector<64x2xf32>
      %dot_general3A_83 = arith.constant dense<0.000000e+00> : vector<1x2xf32>
      %dot_general3A_84 = tpu.matmul %max3A_79, %get3A_82, %dot_general3A_83 {dimension_numbers = #tpu.dot_dimension_numbers<[1], [0], [0], [1], [0, 0, 1, 1], [], []>, transpose_lhs_hint = false} : vector<1x64xf32>, vector<64x2xf32>, vector<1x2xf32> -> vector<1x2xf32>
      %get3A_85 = arith.constant 0 : index
      %get3A_86 = arith.constant 0 : index
      %get3A_87 = vector.load %arg10[%get3A_85, %get3A_86] : memref<1x2xf32, #tpu.memory_space<vmem>>, vector<1x2xf32>
      %add3A_88 = arith.addf %dot_general3A_84, %get3A_87 : vector<1x2xf32>
      %swap3A_89 = arith.constant 0 : index
      %swap3A_90 = arith.constant 0 : index
      %swap3A_91 = vector.load %arg11[%swap3A_89, %swap3A_90] : memref<1x2xf32, #tpu.memory_space<vmem>>, vector<1x2xf32>
      tpu.vector_store %arg11[%swap3A_89, %swap3A_90], %add3A_88 {strides = array<i32>} : memref<1x2xf32, #tpu.memory_space<vmem>>, vector<1x2xf32>,
    } else {
    }
    return
  }
  func.func @transform_0(%arg0: i32) -> (i32, i32, i32) {
    %c0_i32 = arith.constant 0 : i32
    %c0_i32_0 = arith.constant 0 : i32
    %c0_i32_1 = arith.constant 0 : i32
    return %c0_i32, %arg0, %c0_i32_0 : i32, i32, i32
  }
  func.func @transform_1(%arg0: i32) -> (i32, i32, i32) {
    %c0_i32 = arith.constant 0 : i32
    %c0_i32_0 = arith.constant 0 : i32
    %c0_i32_1 = arith.constant 0 : i32
    return %c0_i32, %arg0, %c0_i32_0 : i32, i32, i32
  }
  func.func @transform_2(%arg0: i32) -> (i32, i32) {
    %c0_i32 = arith.constant 0 : i32
    %c0_i32_0 = arith.constant 0 : i32
    return %arg0, %c0_i32 : i32, i32
  }
  func.func @transform_3(%arg0: i32) -> (i32, i32) {
    %c0_i32 = arith.constant 0 : i32
    %c0_i32_0 = arith.constant 0 : i32
    %c0_i32_1 = arith.constant 0 : i32
    return %c0_i32, %c0_i32_0 : i32, i32
  }
  func.func @transform_4(%arg0: i32) -> (i32, i32) {
    %c0_i32 = arith.constant 0 : i32
    %c0_i32_0 = arith.constant 0 : i32
    %c0_i32_1 = arith.constant 0 : i32
    return %c0_i32, %c0_i32_0 : i32, i32
  }
  func.func @transform_5(%arg0: i32) -> (i32, i32) {
    %c0_i32 = arith.constant 0 : i32
    %c0_i32_0 = arith.constant 0 : i32
    %c0_i32_1 = arith.constant 0 : i32
    return %c0_i32, %c0_i32_0 : i32, i32
  }
  func.func @transform_6(%arg0: i32) -> (i32, i32) {
    %c0_i32 = arith.constant 0 : i32
    %c0_i32_0 = arith.constant 0 : i32
    %c0_i32_1 = arith.constant 0 : i32
    return %c0_i32, %c0_i32_0 : i32, i32
  }
  func.func @transform_7(%arg0: i32) -> (i32, i32) {
    %c0_i32 = arith.constant 0 : i32
    %c0_i32_0 = arith.constant 0 : i32
    %c0_i32_1 = arith.constant 0 : i32
    return %c0_i32, %c0_i32_0 : i32, i32
  }
  func.func @transform_8(%arg0: i32) -> (i32, i32) {
    %c0_i32 = arith.constant 0 : i32
    %c0_i32_0 = arith.constant 0 : i32
    %c0_i32_1 = arith.constant 0 : i32
    return %c0_i32, %c0_i32_0 : i32, i32
  }
  func.func @transform_9(%arg0: i32) -> (i32, i32) {
    %c0_i32 = arith.constant 0 : i32
    %c0_i32_0 = arith.constant 0 : i32
    %c0_i32_1 = arith.constant 0 : i32
    return %c0_i32, %c0_i32_0 : i32, i32
  }
  func.func @transform_10(%arg0: i32) -> (i32, i32) {
    %c0_i32 = arith.constant 0 : i32
    %c0_i32_0 = arith.constant 0 : i32
    %c0_i32_1 = arith.constant 0 : i32
    return %c0_i32, %c0_i32_0 : i32, i32
  }
}

</mosaic_0001>

<sc_bundles>
// kernel: kernel.12.cloned.1.call-start
scs
__scs_entry_jumppad:
0x0: {  	(pc) =	sbr.rel $0x88, $3  }
0x1: {  	(tag) =	ssettag $0x0;
	lr =	simm.s32 $0x1  }
0x2: {  	[smem:$0x3F98] =	sst lr;
	_ =	strace $0xD0000000  }
0x3: {  	_ = 	snop  }
0x4: {  	_ = 	snop  }
0x5: {  	_ = 	snop  }
0x6: {  	_ = 	snop  }
0x7: {  	_ = 	snop  }
__scs_overlays_trampoline_lowered:
0x8: {  	[smem:$0x3FA7] =	sst s0  }
0x9: {  	[smem:$0x3FA8] =	sst s1  }
0xa: {  	[smem:$0x3FA9] =	sst s2  }
0xb: {  	[smem:$0x3FAA] =	sst s3  }
0xc: {  	[smem:$0x3FAB] =	sst s4  }
0xd: {  	[smem:$0x3FAC] =	sst s5  }
0xe: {  	[smem:$0x3FAD] =	sst s6  }
0xf: {  	[smem:$0x3FAE] =	sst s7  }
0x10: {  	[smem:$0x3FAF] =	sst s8  }
0x11: {  	[smem:$0x3FB0] =	sst s9;
	s0 =	simm.s32 @!p0 $0x0  }
0x12: {  	s1 =	sld [smem:$0x3F96];
	s0 =	simm.s32 @p0 $0x1  }
0x13: {  	[smem:$0x3FB1] =	sst s0;
	s0 =	simm.s32 @!p1 $0x0  }
0x14: {  	s2 =	sld [smem:$0x3F95];
	s0 =	simm.s32 @p1 $0x1  }
0x15: {  	[smem:$0x3FB2] =	sst s0;
	s0 =	simm.s32 @!p2 $0x0  }
0x16: {  	s3 =	sld [smem:$0x3FDB];
	s0 =	simm.s32 @p2 $0x1  }
0x17: {  	s4 =	simm.s32 $0x1BF5;
	[smem:$0x3FB4] =	sst s0  }
0x18: {  	s0 =	sld [smem:$0x3F97];
	_ =	swait.ge [sflag:s4], $0x0  }
0x19: {  	s7 =	sld [smem:$0x3F98]  }
0x1a: {  	s8 =	sadd.s32 $0xFFFFE003, lr  }
0x1b: {  	s9 =	sadd.s32 $0xFFFFFEF7, lr;
	s5 =	simm.s32 $0xFFFFFFFF;
	p2 =	slt.u32 s8, $0xFFFFF086  }
0x1c: {  	p1 =	slt.u32 s9, $0xF7A;
	s5 =	simm.s32 @!p2 $0x0  }
0x1d: {  	s5 =	simm.s32 @p1 $0x1;
	p0 =	seq.s32 s7, s2  }
0x1e: {  	s7 =	smul.u32 @!p0 $0xF7A, s2;
	p2 =	seq.s32 @!p0 s5, $0x0  }
0x1f: {  	s9 =	smul.u32 $0xF7A, s1;
	s8 =	simm.s32 @!p0 $0x1BF5;
	p2 =	por !p2, p0  }
0x20: {  	[sflag:s8] =	ssyncset.s32 @!p0 $0xFFFFF086;
	s6 =	sadd.s32 @!p0 s3, s7;
	s7 =	simm.s32 @!p0 $0x108  }
0x21: {  	s3 =	sadd.s32 s3, s9;
	s6 =	sadd.s32 @!p0 $0x88, s6;
	s7 =	simm.s32 @p2 $0x1082  }
0x22: {  	[simem:s7], [sflag:s8] =	dma.local @!p0 [hbm:s6], $0xF7A  }
0x23: {  	s9 =	sor.u32 $0xD0000000, s2;
	s6 =	simm.s32 $0x108;
	_ =	swait.ge @!p0 [sflag:s8], $0x0  }
0x24: {  	s3 =	sadd.s32 $0x88, s3;
	s6 =	simm.s32 @!p1 $0x1082;
	[sflag:s4] =	ssyncset.s32 $0xFFFFF086  }
0x25: {  	[simem:s6], [sflag:s4] =	dma.local [hbm:s3], $0xF7A  }
0x26: {  	[smem:$0x3F98] =	sst s1;
	(tag) =	ssettag s2;
	_ =	strace s9  }
0x27: {  	s1 =	sld [smem:$0x3FA8]  }
0x28: {  	s2 =	sld [smem:$0x3FA9]  }
0x29: {  	s4 =	sld [smem:$0x3FAB]  }
0x2a: {  	p0 =	seq.s32 s5, $0x0;
	s5 =	sld [smem:$0x3FAC]  }
0x2b: {  	s6 =	sld [smem:$0x3FAD]  }
0x2c: {  	s7 =	sld [smem:$0x3FAE]  }
0x2d: {  	s3 =	simm.s32 $0x108;
	s8 =	sld [smem:$0x3FAF]  }
0x2e: {  	s3 =	simm.s32 @!p0 $0x1082;
	s9 =	sld [smem:$0x3FB0]  }
0x2f: {  	lr =	sadd.s32 s0, s3;
	s0 =	sld [smem:$0x3FA7]  }
0x30: {  	s3 =	sld [smem:$0x3FAA]  }
0x31: {  	[smem:$0x3FB3] =	sst s10  }
0x32: {  	s10 =	sld [smem:$0x3FB1];
	_ =	sdelay $0x3  }
0x33: {  	p0 =	seq.s32 s10, $0x1;
	s10 =	sld [smem:$0x3FB3];
	_ =	sdelay $0x3  }
0x34: {  	[smem:$0x3FB3] =	sst s10  }
0x35: {  	s10 =	sld [smem:$0x3FB2];
	_ =	sdelay $0x3  }
0x36: {  	p1 =	seq.s32 s10, $0x1;
	s10 =	sld [smem:$0x3FB3];
	_ =	sdelay $0x3  }
0x37: {  	[smem:$0x3FB3] =	sst s10  }
0x38: {  	s10 =	sld [smem:$0x3FB4]  }
0x39: {  	_ = 	snop;
	(pc) =	sbr.ind lr, $3  }
0x3a: {  	_ = 	snop  }
0x3b: {  	_ = 	snop  }
0x3c: {  	p2 =	seq.s32 s10, $0x1;
	s10 =	sld [smem:$0x3FB3]  }
0x3d: {  	_ =	shalt  }
0x3e: {  	_ =	shalt  }
0x3f: {  	_ =	shalt  }
0x40: {  	_ =	shalt  }
0x41: {  	_ =	shalt  }
0x42: {  	_ =	shalt  }
0x43: {  	_ =	shalt  }
0x44: {  	_ =	shalt  }
0x45: {  	_ =	shalt  }
0x46: {  	_ =	shalt  }
0x47: {  	_ =	shalt  }
0x48: {  	_ =	shalt  }
0x49: {  	_ =	shalt  }
0x4a: {  	_ =	shalt  }
0x4b: {  	_ =	shalt  }
0x4c: {  	_ =	shalt  }
0x4d: {  	_ =	shalt  }
0x4e: {  	_ =	shalt  }
0x4f: {  	_ =	shalt  }
0x50: {  	_ =	shalt  }
0x51: {  	_ =	shalt  }
0x52: {  	_ =	shalt  }
0x53: {  	_ =	shalt  }
0x54: {  	_ =	shalt  }
0x55: {  	_ =	shalt  }
0x56: {  	_ =	shalt  }
0x57: {  	_ =	shalt  }
0x58: {  	_ =	shalt  }
0x59: {  	_ =	shalt  }
0x5a: {  	_ =	shalt  }
0x5b: {  	_ =	shalt  }
0x5c: {  	_ =	shalt  }
0x5d: {  	_ =	shalt  }
0x5e: {  	_ =	shalt  }
0x5f: {  	_ =	shalt  }
0x60: {  	_ =	shalt  }
0x61: {  	_ =	shalt  }
0x62: {  	_ =	shalt  }
0x63: {  	_ =	shalt  }
0x64: {  	_ =	shalt  }
0x65: {  	_ =	shalt  }
0x66: {  	_ =	shalt  }
0x67: {  	_ =	shalt  }
0x68: {  	_ =	shalt  }
0x69: {  	_ =	shalt  }
0x6a: {  	_ =	shalt  }
0x6b: {  	_ =	shalt  }
0x6c: {  	_ =	shalt  }
0x6d: {  	_ =	shalt  }
0x6e: {  	_ =	shalt  }
0x6f: {  	_ =	shalt  }
0x70: {  	_ =	shalt  }
0x71: {  	_ =	shalt  }
0x72: {  	_ =	shalt  }
0x73: {  	_ =	shalt  }
0x74: {  	_ =	shalt  }
0x75: {  	_ =	shalt  }
0x76: {  	_ =	shalt  }
0x77: {  	_ =	shalt  }
0x78: {  	_ =	shalt  }
0x79: {  	_ =	shalt  }
0x7a: {  	_ =	shalt  }
0x7b: {  	_ =	shalt  }
0x7c: {  	_ =	shalt  }
0x7d: {  	_ =	shalt  }
0x7e: {  	_ =	shalt  }
0x7f: {  	_ =	shalt  }
0x80: {  	_ =	shalt  }
0x81: {  	_ =	shalt  }
0x82: {  	_ =	shalt  }
0x83: {  	_ =	shalt  }
0x84: {  	_ =	shalt  }
0x85: {  	_ =	shalt  }
0x86: {  	_ =	shalt  }
0x87: {  	_ =	shalt  }
.Lfunc_end0:
.L_simem_size_0:
called_computation.1_lowered:
.L_overlay_start_0:
0x88: {  	s2 =	sld [smem:$0x3FD9]  }
0x89: {  	s3 =	sld [smem:$0x3FFE];
	_ =	sdelay $0x1  }
0x8a: {  	s1 =	srdreg.scid  }
0x8b: {  	s0 =	sand.u32 $0x1, s1  }
0x8c: {  	s17 =	sshll.u32 s0, $0xA;
	s2 =	sadd.s32 s3, s2  }
0x8d: {  	s2 =	sadd.s32 s2, s17  }
0x8e: {  	[smem:$0x3FBF] =	sst s2  }
0x8f: {  	_ = 	snop  }
0x90: {  	s18 =	sld [smem:$0x3FC9];
	(tm) =	ssettm $0x1  }
0x91: {  	s19 =	sld [smem:$0x3FFB];
	_ =	sdelay $0x3  }
0x92: {  	_ =	strace s19  }
0x93: {  	s2 =	sld [smem:$0x3FFC];
	_ =	sdelay $0x3  }
0x94: {  	_ =	strace s2  }
0x95: {  	s2 =	sld [smem:$0x3FFD];
	_ =	sdelay $0x3  }
0x96: {  	_ =	strace s2  }
0x97: {  	_ =	strace $0x8FFFFFFF  }
0x98: {  	s20 =	sld [smem:$0x3FDB];
	_ =	sdelay $0x1  }
0x99: {  	s4 =	simm.s32 $_scs_section_size  }
0x9a: {  	s5 =	simm.s32 $_size__tile_overlayer_lowered;
	s6 =	simm.s32 $_tile_overlayer_lowered  }
0x9b: {  	s7 =	simm.s32 $0x1BFF;
	s21 =	sshll.u32 s6, $0x1;
	s4 =	sadd.s32 s4, s20  }
0x9c: {  	s22 =	simm.s32 $0x0;
	s5 =	sshll.u32 s5, $0x1;
	s6 =	sadd.s32 s21, s4  }
0x9d: {  	[timem:s22], [sflag:s7] =	dma.local [hbm:s6], s5  }
0x9e: {  	_ =	swait.ge [sflag:s7], s5  }
0x9f: {  	s5 =	ssub.s32 $0x0, s5;
	[sflag:s7] =	ssyncset.done $0x0  }
0xa0: {  	[sflag:s7] =	ssyncadd.s32 s5;
	_ =	sdelay $0x1  }
0xa1: {  	s23 =	simm.s32 $0x1B8B  }
0xa2: {  	_ =	swait.ge [sflag:s23], $0x1  }
0xa3: {  	[sflag:s23] =	ssyncset.done $0x0  }
0xa4: {  	[sflag:s23] =	ssyncadd.s32 $0xFFFFFFFF  }
0xa5: {  	s5 =	sld [smem:$0x0]  }
0xa6: {  	s6 =	sand.u32 $0xFFFFFFFE, s1  }
0xa7: {  	p0 =	sne.s32 s1, s6  }
0xa8: {  	s6 =	sshll.u32 @p0 s6, $0xE  }
0xa9: {  	s6 =	sadd.s32 @p0 $0x11B8D, s6;
	s7 =	sshll.u32 @p0 s5, $0x11  }
0xaa: {  	s6 =	sor.u32 @p0 s7, s6  }
0xab: {  	[sflag:s6] =	ssyncadd.remote.s32 @p0 $0x1;
	_ =	sdelay $0x1  }
0xac: {  	s6 =	simm.s32 @p0 $0x1B8D  }
0xad: {  	_ =	swait.eq @p0 [sflag:s6], $0x1  }
0xae: {  	[sflag:s6] =	ssyncadd.s32 @p0 $0xFFFFFFFF  }
0xaf: {  	s7 =	sshll.u32 @!p0 s1, $0xE  }
0xb0: {  	s7 =	sor.u32 @!p0 $0x4000, s7;
	s6 =	simm.s32 @!p0 $0x1B8D  }
0xb1: {  	s5 =	sshll.u32 @!p0 s5, $0x11;
	s7 =	sadd.s32 @!p0 $0x11B8D, s7;
	_ =	swait.eq @!p0 [sflag:s6], $0x1  }
0xb2: {  	s5 =	sor.u32 @!p0 s5, s7;
	[sflag:s6] =	ssyncadd.s32 @!p0 $0xFFFFFFFF  }
0xb3: {  	s25 =	simm.s32 $0x1B8E;
	s24 =	sld [smem:$0x3FFE];
	[sflag:s5] =	ssyncadd.remote.s32 @!p0 $0x1  }
0xb4: {  	s26 =	simm.s32 $execute0_lowered;
	[smem:$0x3FD2] =	sst s25  }
0xb5: {  	s6 =	sshll.u32 s26, $0x1;
	_ =	strace $0x80000049;
	[dreg:$0x1] =	wrdreg $0xFFFFFFFF  }
0xb6: {  	s28 =	simm.s32 $_size_execute0_lowered;
	s4 =	sadd.s32 s4, s6;
	[dreg:$0x0] =	wrdreg $0x0  }
0xb7: {  	s6 =	sshll.u32 s28, $0x1;
	[dreg:$0x2] =	wrdreg s4  }
0xb8: {  	[dreg:$0x3] =	wrdreg s6  }
0xb9: {  	[dreg:$0x4] =	wrdreg $0xC0  }
0xba: {  	_ =	task [dreg:s22], $0x5FFFF  }
0xbb: {  	[dreg:$0x1] =	wrdreg $0xFFFFFFFF  }
0xbc: {  	[dreg:$0x0] =	wrdreg $0x60  }
0xbd: {  	[dreg:$0x2] =	wrdreg s18  }
0xbe: {  	[dreg:$0x3] =	wrdreg s24  }
0xbf: {  	[dreg:$0x4] =	wrdreg $0xA5000  }
0xc0: {  	[dreg:$0x5] =	wrdreg $0xA  }
0xc1: {  	_ =	task.clear_ibuf [dreg:s22], $0x6FFFF;
	_ =	strace $0x90000049  }
0xc2: {  	s29 =	simm.s32 $0xA;
	_ =	strace $0x8000004B  }
0xc3: {  	_ =	swait.ge [sflag:s29], $0x1  }
0xc4: {  	[sflag:s29] =	ssyncadd.s32 $0xFFFFFFFF  }
0xc5: {  	_ =	strace $0x9000004B  }
0xc6: {  	_ =	sfence  }
0xc7: {  	s30 =	sld [smem:$0x0];
	_ =	sdelay $0x2  }
0xc8: {  	s31 =	sshll.u32 s1, $0xD;
	s1 =	sshrl.u32 s1, $0x2  }
0xc9: {  	s4 =	sand.u32 $0x4000, s31;
	s1 =	sadd.s32 s1, s30  }
0xca: {  	s0 =	sor.u32 s4, s0;
	s1 =	sshll.u32 s1, $0x11  }
0xcb: {  	s0 =	sor.u32 s1, s0  }
0xcc: {  	s0 =	sadd.s32 $0x8F2B, s0  }
0xcd: {  	[sflag:s0] =	ssyncadd.remote.s32 $0x1  }
0xce: {  	_ =	sfence.sel $0xFFFF  }
0xcf: {  	[dreg:$0x0] =	wrdreg $0xFFFFFFFF;
	(pc) =	sbr.abs _section_cstart, $3  }
0xd0: {  	[dreg:$0x1] =	wrdreg $0xFFFFFFFF  }
0xd1: {  	_ =	task.clear_ibuf [dreg:s22], $0x2FFFF;
	_ =	strace $0x9FFFFFFF  }
0xd2: {  	(tm) =	ssettm $0x7FFFFFFF  }
0xd3: {  	_ =	shalt  }
tec
execute0_lowered:
.L_overlay_start_1:
0x0: {  	(tag) =	ssettag $0x1  }
0x1: {  	s1 =	rddreg [dreg:$0x0]  }
0x2: {  	s5 =	rddreg [dreg:$0x1]  }
0x3: {  	s3 =	rddreg [dreg:$0x2]  }
0x4: {  	s0 =	rddreg [dreg:$0x3]  }
0x5: {  	s4 =	simm.s32 $0x0;
	s2 =	stileid.u32;
	s6 =	srdreg.scid  }
0x6: {  	s16 =	simm.s32 $0x7D;
	s17 =	simm.s32 $0x2800;
	s18 =	simm.s32 $0x6680  }
0x7: {  	s19 =	simm.s32 $0x1;
	s20 =	simm.s32 $0x2;
	s21 =	simm.s32 $0x1380  }
0x8: {  	s22 =	simm.s32 $0x2700;
	s23 =	simm.s32 $0x2780;
	s24 =	simm.s32 $0x0  }
0x9: {  	[smem:$0x7FF] =	sst s4;
	s7 =	smul.u32 $0x13C00, s2;
	s6 =	sand.u32 $0x1, s6  }
0xa: {  	s9 =	sadd.s32 $0x26C00, s5;
	s10 =	sadd.s32 $0x1CC00, s5;
	s29 =	sshll.u32 s2, $0x6  }
0xb: {  	_ =	strace $0x8000004A;
	s8 =	smul.u32 $0x13C000, s6;
	s12 =	sshll.u32 s6, $0x4  }
0xc: {  	s6 =	ssub.s32 $0x2, s6;
	s11 =	sshrl.u32 s7, $0x3;
	s12 =	sor.u32 s2, s12  }
0xd: {  	s13 =	sshrl.u32 s6, $0x1;
	s15 =	sadd.s32 s7, s3;
	s8 =	sadd.s32 s7, s8  }
0xe: {  	s12 =	smul.u32 $0x2800, s12;
	s11 =	sadd.s32 s11, s5;
	s8 =	sshrl.u32 s8, $0x3  }
0xf: {  	s13 =	ssub.s32 s6, s13;
	s6 =	sor.u32 $0x1C03, s29;
	s14 =	sadd.s32 s8, s5  }
0x10: {  	s30 =	sshrl.u32 s12, $0x3;
	s5 =	sadd.s32 $0x30C00, s11;
	s12 =	smax.u32 s13, $0x1  }
0x11: {  	s13 =	sshrl.u32 s15, $0x3;
	s15 =	simm.s32 $0x1400;
	s31 =	sadd.s32 $0x280, s30  }
0x12: {  	s7 =	sadd.s32 s9, s30;
	s8 =	sadd.s32 s10, s30;
	s11 =	sadd.s32 $0x58400, s14  }
0x13: {  	s14 =	simm.s32 $0x3;
	s9 =	sadd.s32 s9, s31;
	s10 =	sadd.s32 s10, s31  }
.LBB2_1:
0x14: {  	[spmem:s13], [sflag:s6] =	dma.local [hbm:s5], $0x2780  }
0x15: {  	_ =	swait.ge [sflag:s14], $0x2780  }
0x16: {  	[sflag:s14] =	ssyncset.done $0x0  }
0x17: {  	[sflag:s14] =	ssyncadd.s32 $0xFFFFD880  }
0x18: {  	[bflag:$0x0] =	sbarrier.arrive $0xFFFF  }
0x19: {  	[tilespmem:s4], [sflag:$0x3] =	stream.linear.gather [hbm4b:s7+s4], $0x1400, $0x38;
	[tilespmem:$0x1E100] =	vst v63  }
0x1a: {  	_ =	swait.ge [sflag:s14], $0x1400  }
0x1b: {  	[sflag:s14] =	ssyncset.done $0x0  }
0x1c: {  	[sflag:s14] =	ssyncadd.s32 $0xFFFFEC00  }
0x1d: {  	[tilespmem:s15], [sflag:$0x3] =	stream.linear.gather [hbm4b:s8+s4], $0x1400, $0x38;
	[tilespmem:$0x1E100] =	vst v63  }
0x1e: {  	_ =	swait.ge [sflag:s14], $0x1400  }
0x1f: {  	[sflag:s14] =	ssyncset.done $0x0  }
0x20: {  	[sflag:s14] =	ssyncadd.s32 $0xFFFFEC00  }
0x21: {  	[tilespmem:s17], [sflag:$0x1] =	stream.indirect.gather [hbm4b:s1+s16], $0x80, s4, s16, $0xb8;
	[tilespmem:$0x1E100] =	vst v63  }
0x22: {  	s25 =	simm.s32 $0x80  }
0x23: {  	[tilespmem:s18], [sflag:$0x2] =	stream.indirect.gather [hbm4b:s1+s16], $0x80, s25, s16, $0xb8;
	[tilespmem:$0x1E100] =	vst v63  }
0x24: {  	_ =	swait.ge [sflag:s19], $0x3E80  }
0x25: {  	[sflag:s19] =	ssyncset.done $0x0  }
0x26: {  	s29 =	simm.s32 $0x1400;
	[sflag:s19] =	ssyncadd.s32 $0xFFFFC180  }
0x27: {  	[spmem:s3] =	stream.indirect.scatter.add.f32 [tilespmem:s17], [sflag:$0x3], $0x80, s29, s16, $0xb8;
	[tilespmem:$0x1E100] =	vst v63  }
0x28: {  	_ =	swait.ge [sflag:s14], $0x3E80  }
0x29: {  	[sflag:s14] =	ssyncset.done $0x0  }
0x2a: {  	s30 =	simm.s32 $0x100;
	[sflag:s14] =	ssyncadd.s32 $0xFFFFC180  }
0x2b: {  	[tilespmem:s17], [sflag:$0x1] =	stream.indirect.gather [hbm4b:s1+s16], $0x80, s30, s16, $0xb8;
	[tilespmem:$0x1E100] =	vst v63  }
0x2c: {  	_ =	swait.ge [sflag:s20], $0x3E80  }
0x2d: {  	[sflag:s20] =	ssyncset.done $0x0  }
0x2e: {  	s31 =	simm.s32 $0x1480;
	[sflag:s20] =	ssyncadd.s32 $0xFFFFC180  }
0x2f: {  	[spmem:s3] =	stream.indirect.scatter.add.f32 [tilespmem:s18], [sflag:$0x3], $0x80, s31, s16, $0xb8;
	[tilespmem:$0x1E100] =	vst v63  }
0x30: {  	_ =	swait.ge [sflag:s14], $0x3E80  }
0x31: {  	s26 =	simm.s32 $0x800;
	s25 =	simm.s32 $0x100;
	[sflag:s14] =	ssyncset.done $0x0  }
.LBB2_2:
0x32: {  	s28 =	sadd.s32 $0x80, s25  }
0x33: {  	[sflag:s14] =	ssyncadd.s32 $0xFFFFC180;
	s29 =	smov.u32 s26;
	s30 =	sadd.s32 $0x400, s26  }
0x34: {  	[tilespmem:s18], [sflag:$0x2] =	stream.indirect.gather [hbm4b:s1+s16], $0x80, s28, s16, $0xb8;
	[tilespmem:$0x1E100] =	vst v63  }
0x35: {  	p0 =	sne.s32 s26, $0x4800;
	_ =	swait.ge [sflag:s19], $0x3E80  }
0x36: {  	[sflag:s19] =	ssyncset.done $0x0  }
0x37: {  	s26 =	sadd.s32 $0x1400, s25;
	[sflag:s19] =	ssyncadd.s32 $0xFFFFC180  }
0x38: {  	[spmem:s3] =	stream.indirect.scatter.add.f32 [tilespmem:s17], [sflag:$0x3], $0x80, s26, s16, $0xb8;
	[tilespmem:$0x1E100] =	vst v63  }
0x39: {  	_ =	swait.ge [sflag:s14], $0x3E80  }
0x3a: {  	[sflag:s14] =	ssyncset.done $0x0  }
0x3b: {  	s26 =	sadd.s32 $0x100, s25;
	[sflag:s14] =	ssyncadd.s32 $0xFFFFC180  }
0x3c: {  	[tilespmem:s17], [sflag:$0x1] =	stream.indirect.gather [hbm4b:s1+s16], $0x80, s26, s16, $0xb8;
	[tilespmem:$0x1E100] =	vst v63  }
0x3d: {  	_ =	swait.ge [sflag:s20], $0x3E80  }
.Ltmp0:
0x3e: {  	[sflag:s20] =	ssyncset.done $0x0;
	(pc) =	sbr.rel @p0 .LBB2_2-.Ltmp0, $4  }
0x3f: {  	s25 =	sadd.s32 $0x1480, s25;
	[sflag:s20] =	ssyncadd.s32 $0xFFFFC180  }
0x40: {  	[spmem:s3] =	stream.indirect.scatter.add.f32 [tilespmem:s18], [sflag:$0x3], $0x80, s25, s16, $0xb8;
	[tilespmem:$0x1E100] =	vst v63  }
0x41: {  	_ =	swait.ge [sflag:s14], $0x3E80  }
0x42: {  	s26 =	smov.u32 s30;
	s25 =	sshra.s32 s29, $0x2;
	[sflag:s14] =	ssyncset.done $0x0  }
0x43: {  	s26 =	sadd.s32 $0x80, s25;
	[sflag:s14] =	ssyncadd.s32 $0xFFFFC180  }
0x44: {  	[tilespmem:s18], [sflag:$0x2] =	stream.indirect.gather [hbm4b:s1+s16], $0x80, s26, s16, $0xb8;
	[tilespmem:$0x1E100] =	vst v63  }
0x45: {  	_ =	swait.ge [sflag:s19], $0x3E80  }
0x46: {  	[sflag:s19] =	ssyncset.done $0x0  }
0x47: {  	s29 =	sadd.s32 $0x1400, s25;
	[sflag:s19] =	ssyncadd.s32 $0xFFFFC180  }
0x48: {  	[spmem:s3] =	stream.indirect.scatter.add.f32 [tilespmem:s17], [sflag:$0x3], $0x80, s29, s16, $0xb8;
	[tilespmem:$0x1E100] =	vst v63  }
0x49: {  	_ =	swait.ge [sflag:s14], $0x3E80  }
0x4a: {  	[sflag:s14] =	ssyncset.done $0x0  }
0x4b: {  	s30 =	sadd.s32 $0x100, s25;
	[sflag:s14] =	ssyncadd.s32 $0xFFFFC180  }
0x4c: {  	[tilespmem:s17], [sflag:$0x1] =	stream.indirect.gather [hbm4b:s1+s16], $0x80, s30, s16, $0xb8;
	[tilespmem:$0x1E100] =	vst v63  }
0x4d: {  	_ =	swait.ge [sflag:s20], $0x3E80  }
0x4e: {  	[sflag:s20] =	ssyncset.done $0x0  }
0x4f: {  	s31 =	sadd.s32 $0x1480, s25;
	[sflag:s20] =	ssyncadd.s32 $0xFFFFC180  }
0x50: {  	[spmem:s3] =	stream.indirect.scatter.add.f32 [tilespmem:s18], [sflag:$0x3], $0x80, s31, s16, $0xb8;
	[tilespmem:$0x1E100] =	vst v63  }
0x51: {  	_ =	swait.ge [sflag:s14], $0x3E80  }
0x52: {  	[sflag:s14] =	ssyncset.done $0x0  }
0x53: {  	[sflag:s14] =	ssyncadd.s32 $0xFFFFC180  }
0x54: {  	[tilespmem:s18], [sflag:$0x2] =	stream.indirect.gather [hbm4b:s1+s16], $0x80, s21, s16, $0xb8;
	[tilespmem:$0x1E100] =	vst v63  }
0x55: {  	_ =	swait.ge [sflag:s19], $0x3E80  }
0x56: {  	[sflag:s19] =	ssyncset.done $0x0  }
0x57: {  	[sflag:s19] =	ssyncadd.s32 $0xFFFFC180  }
0x58: {  	[spmem:s3] =	stream.indirect.scatter.add.f32 [tilespmem:s17], [sflag:$0x3], $0x80, s22, s16, $0xb8;
	[tilespmem:$0x1E100] =	vst v63  }
0x59: {  	_ =	swait.ge [sflag:s14], $0x3E80  }
0x5a: {  	[sflag:s14] =	ssyncset.done $0x0  }
0x5b: {  	[sflag:s14] =	ssyncadd.s32 $0xFFFFC180  }
0x5c: {  	_ =	swait.ge [sflag:s20], $0x3E80  }
0x5d: {  	[sflag:s20] =	ssyncset.done $0x0  }
0x5e: {  	[sflag:s20] =	ssyncadd.s32 $0xFFFFC180  }
0x5f: {  	[spmem:s3] =	stream.indirect.scatter.add.f32 [tilespmem:s18], [sflag:$0x3], $0x80, s23, s16, $0xb8;
	[tilespmem:$0x1E100] =	vst v63  }
0x60: {  	_ =	swait.ge [sflag:s14], $0x3E80  }
0x61: {  	[sflag:s14] =	ssyncset.done $0x0  }
0x62: {  	s26 =	simm.s32 $0x0;
	[sflag:s14] =	ssyncadd.s32 $0xFFFFC180  }
0x63: {  	[tilespmem:s26], [sflag:$0x3] =	stream.linear.gather [hbm4b:s9+s26], $0x1400, $0x38;
	[tilespmem:$0x1E100] =	vst v63  }
0x64: {  	_ =	swait.ge [sflag:s14], $0x1400  }
0x65: {  	[sflag:s14] =	ssyncset.done $0x0  }
0x66: {  	[sflag:s14] =	ssyncadd.s32 $0xFFFFEC00  }
0x67: {  	[tilespmem:s15], [sflag:$0x3] =	stream.linear.gather [hbm4b:s10+s26], $0x1400, $0x38;
	[tilespmem:$0x1E100] =	vst v63  }
0x68: {  	_ =	swait.ge [sflag:s14], $0x1400  }
0x69: {  	[sflag:s14] =	ssyncset.done $0x0  }
0x6a: {  	[sflag:s14] =	ssyncadd.s32 $0xFFFFEC00  }
0x6b: {  	[tilespmem:s17], [sflag:$0x1] =	stream.indirect.gather [hbm4b:s1+s16], $0x80, s26, s16, $0xb8;
	[tilespmem:$0x1E100] =	vst v63  }
0x6c: {  	s28 =	simm.s32 $0x80  }
0x6d: {  	[tilespmem:s18], [sflag:$0x2] =	stream.indirect.gather [hbm4b:s1+s16], $0x80, s28, s16, $0xb8;
	[tilespmem:$0x1E100] =	vst v63  }
0x6e: {  	_ =	swait.ge [sflag:s19], $0x3E80  }
0x6f: {  	[sflag:s19] =	ssyncset.done $0x0  }
0x70: {  	s29 =	simm.s32 $0x1400;
	[sflag:s19] =	ssyncadd.s32 $0xFFFFC180  }
0x71: {  	[spmem:s3] =	stream.indirect.scatter.add.f32 [tilespmem:s17], [sflag:$0x3], $0x80, s29, s16, $0xb8;
	[tilespmem:$0x1E100] =	vst v63  }
0x72: {  	_ =	swait.ge [sflag:s14], $0x3E80  }
0x73: {  	[sflag:s14] =	ssyncset.done $0x0  }
0x74: {  	s30 =	simm.s32 $0x100;
	[sflag:s14] =	ssyncadd.s32 $0xFFFFC180  }
0x75: {  	[tilespmem:s17], [sflag:$0x1] =	stream.indirect.gather [hbm4b:s1+s16], $0x80, s30, s16, $0xb8;
	[tilespmem:$0x1E100] =	vst v63  }
0x76: {  	_ =	swait.ge [sflag:s20], $0x3E80  }
0x77: {  	[sflag:s20] =	ssyncset.done $0x0  }
0x78: {  	s31 =	simm.s32 $0x1480;
	[sflag:s20] =	ssyncadd.s32 $0xFFFFC180  }
0x79: {  	[spmem:s3] =	stream.indirect.scatter.add.f32 [tilespmem:s18], [sflag:$0x3], $0x80, s31, s16, $0xb8;
	[tilespmem:$0x1E100] =	vst v63  }
0x7a: {  	_ =	swait.ge [sflag:s14], $0x3E80  }
0x7b: {  	s25 =	simm.s32 $0x100;
	s26 =	simm.s32 $0x800;
	[sflag:s14] =	ssyncset.done $0x0  }
.LBB2_4:
0x7c: {  	s28 =	sadd.s32 $0x80, s25  }
0x7d: {  	[sflag:s14] =	ssyncadd.s32 $0xFFFFC180;
	s29 =	smov.u32 s26;
	s30 =	sadd.s32 $0x400, s26  }
0x7e: {  	[tilespmem:s18], [sflag:$0x2] =	stream.indirect.gather [hbm4b:s1+s16], $0x80, s28, s16, $0xb8;
	[tilespmem:$0x1E100] =	vst v63  }
0x7f: {  	p0 =	sne.s32 s26, $0x4800;
	_ =	swait.ge [sflag:s19], $0x3E80  }
0x80: {  	[sflag:s19] =	ssyncset.done $0x0  }
0x81: {  	s26 =	sadd.s32 $0x1400, s25;
	[sflag:s19] =	ssyncadd.s32 $0xFFFFC180  }
0x82: {  	[spmem:s3] =	stream.indirect.scatter.add.f32 [tilespmem:s17], [sflag:$0x3], $0x80, s26, s16, $0xb8;
	[tilespmem:$0x1E100] =	vst v63  }
0x83: {  	_ =	swait.ge [sflag:s14], $0x3E80  }
0x84: {  	[sflag:s14] =	ssyncset.done $0x0  }
0x85: {  	s26 =	sadd.s32 $0x100, s25;
	[sflag:s14] =	ssyncadd.s32 $0xFFFFC180  }
0x86: {  	[tilespmem:s17], [sflag:$0x1] =	stream.indirect.gather [hbm4b:s1+s16], $0x80, s26, s16, $0xb8;
	[tilespmem:$0x1E100] =	vst v63  }
0x87: {  	_ =	swait.ge [sflag:s20], $0x3E80  }
.Ltmp1:
0x88: {  	[sflag:s20] =	ssyncset.done $0x0;
	(pc) =	sbr.rel @p0 .LBB2_4-.Ltmp1, $4  }
0x89: {  	s25 =	sadd.s32 $0x1480, s25;
	[sflag:s20] =	ssyncadd.s32 $0xFFFFC180  }
0x8a: {  	[spmem:s3] =	stream.indirect.scatter.add.f32 [tilespmem:s18], [sflag:$0x3], $0x80, s25, s16, $0xb8;
	[tilespmem:$0x1E100] =	vst v63  }
0x8b: {  	_ =	swait.ge [sflag:s14], $0x3E80  }
0x8c: {  	s26 =	smov.u32 s30;
	s25 =	sshra.s32 s29, $0x2;
	[sflag:s14] =	ssyncset.done $0x0  }
0x8d: {  	s26 =	sadd.s32 $0x80, s25;
	[sflag:s14] =	ssyncadd.s32 $0xFFFFC180  }
0x8e: {  	[tilespmem:s18], [sflag:$0x2] =	stream.indirect.gather [hbm4b:s1+s16], $0x80, s26, s16, $0xb8;
	[tilespmem:$0x1E100] =	vst v63  }
0x8f: {  	_ =	swait.ge [sflag:s19], $0x3E80  }
0x90: {  	[sflag:s19] =	ssyncset.done $0x0  }
0x91: {  	s29 =	sadd.s32 $0x1400, s25;
	[sflag:s19] =	ssyncadd.s32 $0xFFFFC180  }
0x92: {  	[spmem:s3] =	stream.indirect.scatter.add.f32 [tilespmem:s17], [sflag:$0x3], $0x80, s29, s16, $0xb8;
	[tilespmem:$0x1E100] =	vst v63  }
0x93: {  	_ =	swait.ge [sflag:s14], $0x3E80  }
0x94: {  	[sflag:s14] =	ssyncset.done $0x0  }
0x95: {  	s30 =	sadd.s32 $0x100, s25;
	[sflag:s14] =	ssyncadd.s32 $0xFFFFC180  }
0x96: {  	[tilespmem:s17], [sflag:$0x1] =	stream.indirect.gather [hbm4b:s1+s16], $0x80, s30, s16, $0xb8;
	[tilespmem:$0x1E100] =	vst v63  }
0x97: {  	_ =	swait.ge [sflag:s20], $0x3E80  }
0x98: {  	[sflag:s20] =	ssyncset.done $0x0  }
0x99: {  	s31 =	sadd.s32 $0x1480, s25;
	[sflag:s20] =	ssyncadd.s32 $0xFFFFC180  }
0x9a: {  	[spmem:s3] =	stream.indirect.scatter.add.f32 [tilespmem:s18], [sflag:$0x3], $0x80, s31, s16, $0xb8;
	[tilespmem:$0x1E100] =	vst v63  }
0x9b: {  	_ =	swait.ge [sflag:s14], $0x3E80  }
0x9c: {  	[sflag:s14] =	ssyncset.done $0x0  }
0x9d: {  	[sflag:s14] =	ssyncadd.s32 $0xFFFFC180  }
0x9e: {  	[tilespmem:s18], [sflag:$0x2] =	stream.indirect.gather [hbm4b:s1+s16], $0x80, s21, s16, $0xb8;
	[tilespmem:$0x1E100] =	vst v63  }
0x9f: {  	_ =	swait.ge [sflag:s19], $0x3E80  }
0xa0: {  	[sflag:s19] =	ssyncset.done $0x0  }
0xa1: {  	[sflag:s19] =	ssyncadd.s32 $0xFFFFC180  }
0xa2: {  	[spmem:s3] =	stream.indirect.scatter.add.f32 [tilespmem:s17], [sflag:$0x3], $0x80, s22, s16, $0xb8;
	[tilespmem:$0x1E100] =	vst v63  }
0xa3: {  	_ =	swait.ge [sflag:s14], $0x3E80  }
0xa4: {  	[sflag:s14] =	ssyncset.done $0x0  }
0xa5: {  	[sflag:s14] =	ssyncadd.s32 $0xFFFFC180  }
0xa6: {  	_ =	swait.ge [sflag:s20], $0x3E80  }
0xa7: {  	[sflag:s20] =	ssyncset.done $0x0  }
0xa8: {  	[sflag:s20] =	ssyncadd.s32 $0xFFFFC180  }
0xa9: {  	[spmem:s3] =	stream.indirect.scatter.add.f32 [tilespmem:s18], [sflag:$0x3], $0x80, s23, s16, $0xb8;
	[tilespmem:$0x1E100] =	vst v63  }
0xaa: {  	_ =	swait.ge [sflag:s14], $0x3E80  }
0xab: {  	s24 =	sadd.s32 $0x1, s24;
	[sflag:s14] =	ssyncset.done $0x0  }
0xac: {  	p0 =	sne.s32 s24, s12;
	[sflag:s14] =	ssyncadd.s32 $0xFFFFC180  }
.Ltmp2:
0xad: {  	[bflag:$0x0] =	sbarrier.arrive $0xFFFF;
	(pc) =	sbr.rel @p0 .LBB2_1-.Ltmp2, $4  }
0xae: {  	[hbm:s11], [sflag:s6] =	dma.local [spmem:s13], $0x2780  }
0xaf: {  	_ =	swait.ge [sflag:s14], $0x2780  }
0xb0: {  	[sflag:s14] =	ssyncset.done $0x0  }
0xb1: {  	[sflag:s14] =	ssyncadd.s32 $0xFFFFD880  }
0xb2: {  	_ =	sfence.sel $0x180000  }
0xb3: {  	[bflag:$0x0] =	sbarrier.arrive $0xFFFF  }
0xb4: {  	p0 =	sne.s32 s2, $0x0;
	_ =	strace $0x9000004A  }
0xb5: {  	s0 =	sadd.s32 @!p0 $0x100000, s0;
	[bflag:$0x2] =	sbarrier.arrive $0xFFFF  }
0xb6: {  	[sflag:s0] =	ssyncadd.tile.s32 @!p0 $0x1;
	_ =	shalt  }
.Lfunc_end2:
_tile_overlayer_lowered:
.L_overlay_start_2:
0xb7: {  	(tag) =	ssettag $0x2  }
0xb8: {  	s0 =	rddreg [dreg:$0x0];
	s2 =	stileid.u32  }
0xb9: {  	s1 =	rddreg [dreg:$0x1];
	p0 =	sne.s32 s2, $0x0  }
0xba: {  	s3 =	rddreg [dreg:$0x2];
	[bflag:$0x3] =	sbarrier.arrive $0xFFFF;
	s2 =	simm.s32 @!p0 $0x1C03  }
0xbb: {  	[timem:s3], [sflag:s2] =	dma.local @!p0 [hbm:s0], s1  }
0xbc: {  	s0 =	simm.s32 @!p0 $0x3  }
0xbd: {  	_ =	swait.ge @!p0 [sflag:s0], s1  }
0xbe: {  	s1 =	ssub.s32 @!p0 $0x0, s1;
	[sflag:s0] =	ssyncset.done @!p0 $0x0  }
0xbf: {  	[sflag:s0] =	ssyncadd.s32 @!p0 s1  }
0xc0: {  	[bflag:$0x3] =	sbarrier.arrive $0xFFFF  }
0xc1: {  	_ =	shalt  }

// kernel: kernel.15.cloned.1.call-start
scs
__scs_entry_jumppad:
0x0: {  	(pc) =	sbr.rel $0x88, $3  }
0x1: {  	(tag) =	ssettag $0x0;
	lr =	simm.s32 $0x1  }
0x2: {  	[smem:$0x3F98] =	sst lr;
	_ =	strace $0xD0000000  }
0x3: {  	_ = 	snop  }
0x4: {  	_ = 	snop  }
0x5: {  	_ = 	snop  }
0x6: {  	_ = 	snop  }
0x7: {  	_ = 	snop  }
__scs_overlays_trampoline_lowered:
0x8: {  	[smem:$0x3FA7] =	sst s0  }
0x9: {  	[smem:$0x3FA8] =	sst s1  }
0xa: {  	[smem:$0x3FA9] =	sst s2  }
0xb: {  	[smem:$0x3FAA] =	sst s3  }
0xc: {  	[smem:$0x3FAB] =	sst s4  }
0xd: {  	[smem:$0x3FAC] =	sst s5  }
0xe: {  	[smem:$0x3FAD] =	sst s6  }
0xf: {  	[smem:$0x3FAE] =	sst s7  }
0x10: {  	[smem:$0x3FAF] =	sst s8  }
0x11: {  	[smem:$0x3FB0] =	sst s9;
	s0 =	simm.s32 @!p0 $0x0  }
0x12: {  	s1 =	sld [smem:$0x3F96];
	s0 =	simm.s32 @p0 $0x1  }
0x13: {  	[smem:$0x3FB1] =	sst s0;
	s0 =	simm.s32 @!p1 $0x0  }
0x14: {  	s2 =	sld [smem:$0x3F95];
	s0 =	simm.s32 @p1 $0x1  }
0x15: {  	[smem:$0x3FB2] =	sst s0;
	s0 =	simm.s32 @!p2 $0x0  }
0x16: {  	s3 =	sld [smem:$0x3FDB];
	s0 =	simm.s32 @p2 $0x1  }
0x17: {  	s4 =	simm.s32 $0x1BF5;
	[smem:$0x3FB4] =	sst s0  }
0x18: {  	s0 =	sld [smem:$0x3F97];
	_ =	swait.ge [sflag:s4], $0x0  }
0x19: {  	s7 =	sld [smem:$0x3F98]  }
0x1a: {  	s8 =	sadd.s32 $0xFFFFE003, lr  }
0x1b: {  	s9 =	sadd.s32 $0xFFFFFEF7, lr;
	s5 =	simm.s32 $0xFFFFFFFF;
	p2 =	slt.u32 s8, $0xFFFFF086  }
0x1c: {  	p1 =	slt.u32 s9, $0xF7A;
	s5 =	simm.s32 @!p2 $0x0  }
0x1d: {  	s5 =	simm.s32 @p1 $0x1;
	p0 =	seq.s32 s7, s2  }
0x1e: {  	s7 =	smul.u32 @!p0 $0xF7A, s2;
	p2 =	seq.s32 @!p0 s5, $0x0  }
0x1f: {  	s9 =	smul.u32 $0xF7A, s1;
	s8 =	simm.s32 @!p0 $0x1BF5;
	p2 =	por !p2, p0  }
0x20: {  	[sflag:s8] =	ssyncset.s32 @!p0 $0xFFFFF086;
	s6 =	sadd.s32 @!p0 s3, s7;
	s7 =	simm.s32 @!p0 $0x108  }
0x21: {  	s3 =	sadd.s32 s3, s9;
	s6 =	sadd.s32 @!p0 $0x88, s6;
	s7 =	simm.s32 @p2 $0x1082  }
0x22: {  	[simem:s7], [sflag:s8] =	dma.local @!p0 [hbm:s6], $0xF7A  }
0x23: {  	s9 =	sor.u32 $0xD0000000, s2;
	s6 =	simm.s32 $0x108;
	_ =	swait.ge @!p0 [sflag:s8], $0x0  }
0x24: {  	s3 =	sadd.s32 $0x88, s3;
	s6 =	simm.s32 @!p1 $0x1082;
	[sflag:s4] =	ssyncset.s32 $0xFFFFF086  }
0x25: {  	[simem:s6], [sflag:s4] =	dma.local [hbm:s3], $0xF7A  }
0x26: {  	[smem:$0x3F98] =	sst s1;
	(tag) =	ssettag s2;
	_ =	strace s9  }
0x27: {  	s1 =	sld [smem:$0x3FA8]  }
0x28: {  	s2 =	sld [smem:$0x3FA9]  }
0x29: {  	s4 =	sld [smem:$0x3FAB]  }
0x2a: {  	p0 =	seq.s32 s5, $0x0;
	s5 =	sld [smem:$0x3FAC]  }
0x2b: {  	s6 =	sld [smem:$0x3FAD]  }
0x2c: {  	s7 =	sld [smem:$0x3FAE]  }
0x2d: {  	s3 =	simm.s32 $0x108;
	s8 =	sld [smem:$0x3FAF]  }
0x2e: {  	s3 =	simm.s32 @!p0 $0x1082;
	s9 =	sld [smem:$0x3FB0]  }
0x2f: {  	lr =	sadd.s32 s0, s3;
	s0 =	sld [smem:$0x3FA7]  }
0x30: {  	s3 =	sld [smem:$0x3FAA]  }
0x31: {  	[smem:$0x3FB3] =	sst s10  }
0x32: {  	s10 =	sld [smem:$0x3FB1];
	_ =	sdelay $0x3  }
0x33: {  	p0 =	seq.s32 s10, $0x1;
	s10 =	sld [smem:$0x3FB3];
	_ =	sdelay $0x3  }
0x34: {  	[smem:$0x3FB3] =	sst s10  }
0x35: {  	s10 =	sld [smem:$0x3FB2];
	_ =	sdelay $0x3  }
0x36: {  	p1 =	seq.s32 s10, $0x1;
	s10 =	sld [smem:$0x3FB3];
	_ =	sdelay $0x3  }
0x37: {  	[smem:$0x3FB3] =	sst s10  }
0x38: {  	s10 =	sld [smem:$0x3FB4]  }
0x39: {  	_ = 	snop;
	(pc) =	sbr.ind lr, $3  }
0x3a: {  	_ = 	snop  }
0x3b: {  	_ = 	snop  }
0x3c: {  	p2 =	seq.s32 s10, $0x1;
	s10 =	sld [smem:$0x3FB3]  }
0x3d: {  	_ =	shalt  }
0x3e: {  	_ =	shalt  }
0x3f: {  	_ =	shalt  }
0x40: {  	_ =	shalt  }
0x41: {  	_ =	shalt  }
0x42: {  	_ =	shalt  }
0x43: {  	_ =	shalt  }
0x44: {  	_ =	shalt  }
0x45: {  	_ =	shalt  }
0x46: {  	_ =	shalt  }
0x47: {  	_ =	shalt  }
0x48: {  	_ =	shalt  }
0x49: {  	_ =	shalt  }
0x4a: {  	_ =	shalt  }
0x4b: {  	_ =	shalt  }
0x4c: {  	_ =	shalt  }
0x4d: {  	_ =	shalt  }
0x4e: {  	_ =	shalt  }
0x4f: {  	_ =	shalt  }
0x50: {  	_ =	shalt  }
0x51: {  	_ =	shalt  }
0x52: {  	_ =	shalt  }
0x53: {  	_ =	shalt  }
0x54: {  	_ =	shalt  }
0x55: {  	_ =	shalt  }
0x56: {  	_ =	shalt  }
0x57: {  	_ =	shalt  }
0x58: {  	_ =	shalt  }
0x59: {  	_ =	shalt  }
0x5a: {  	_ =	shalt  }
0x5b: {  	_ =	shalt  }
0x5c: {  	_ =	shalt  }
0x5d: {  	_ =	shalt  }
0x5e: {  	_ =	shalt  }
0x5f: {  	_ =	shalt  }
0x60: {  	_ =	shalt  }
0x61: {  	_ =	shalt  }
0x62: {  	_ =	shalt  }
0x63: {  	_ =	shalt  }
0x64: {  	_ =	shalt  }
0x65: {  	_ =	shalt  }
0x66: {  	_ =	shalt  }
0x67: {  	_ =	shalt  }
0x68: {  	_ =	shalt  }
0x69: {  	_ =	shalt  }
0x6a: {  	_ =	shalt  }
0x6b: {  	_ =	shalt  }
0x6c: {  	_ =	shalt  }
0x6d: {  	_ =	shalt  }
0x6e: {  	_ =	shalt  }
0x6f: {  	_ =	shalt  }
0x70: {  	_ =	shalt  }
0x71: {  	_ =	shalt  }
0x72: {  	_ =	shalt  }
0x73: {  	_ =	shalt  }
0x74: {  	_ =	shalt  }
0x75: {  	_ =	shalt  }
0x76: {  	_ =	shalt  }
0x77: {  	_ =	shalt  }
0x78: {  	_ =	shalt  }
0x79: {  	_ =	shalt  }
0x7a: {  	_ =	shalt  }
0x7b: {  	_ =	shalt  }
0x7c: {  	_ =	shalt  }
0x7d: {  	_ =	shalt  }
0x7e: {  	_ =	shalt  }
0x7f: {  	_ =	shalt  }
0x80: {  	_ =	shalt  }
0x81: {  	_ =	shalt  }
0x82: {  	_ =	shalt  }
0x83: {  	_ =	shalt  }
0x84: {  	_ =	shalt  }
0x85: {  	_ =	shalt  }
0x86: {  	_ =	shalt  }
0x87: {  	_ =	shalt  }
.Lfunc_end0:
.L_simem_size_0:
called_computation.2_lowered:
.L_overlay_start_0:
0x88: {  	s2 =	sld [smem:$0x3FD9]  }
0x89: {  	s3 =	sld [smem:$0x3FFE];
	_ =	sdelay $0x1  }
0x8a: {  	s1 =	srdreg.scid  }
0x8b: {  	s0 =	sand.u32 $0x1, s1  }
0x8c: {  	s16 =	sshll.u32 s0, $0xA;
	s2 =	sadd.s32 s3, s2  }
0x8d: {  	s2 =	sadd.s32 s2, s16  }
0x8e: {  	[smem:$0x3FBF] =	sst s2  }
0x8f: {  	_ = 	snop  }
0x90: {  	(tm) =	ssettm $0x1  }
0x91: {  	s17 =	sld [smem:$0x3FFB];
	_ =	sdelay $0x3  }
0x92: {  	_ =	strace s17  }
0x93: {  	s2 =	sld [smem:$0x3FFC];
	_ =	sdelay $0x3  }
0x94: {  	_ =	strace s2  }
0x95: {  	s2 =	sld [smem:$0x3FFD];
	_ =	sdelay $0x3  }
0x96: {  	_ =	strace s2  }
0x97: {  	_ =	strace $0x8FFFFFFF  }
0x98: {  	s18 =	sld [smem:$0x3FDB];
	_ =	sdelay $0x1  }
0x99: {  	s19 =	simm.s32 $_scs_section_size  }
0x9a: {  	s4 =	simm.s32 $_size__tile_overlayer_lowered;
	s5 =	simm.s32 $_tile_overlayer_lowered  }
0x9b: {  	s22 =	simm.s32 $0x1BFF;
	s21 =	sshll.u32 s5, $0x1;
	s2 =	sadd.s32 s19, s18  }
0x9c: {  	s6 =	simm.s32 $0x0;
	s20 =	sshll.u32 s4, $0x1;
	s4 =	sadd.s32 s21, s2  }
0x9d: {  	[timem:s6], [sflag:s22] =	dma.local [hbm:s4], s20  }
0x9e: {  	_ =	swait.ge [sflag:s22], s20  }
0x9f: {  	s3 =	ssub.s32 $0x0, s20;
	[sflag:s22] =	ssyncset.done $0x0  }
0xa0: {  	[sflag:s22] =	ssyncadd.s32 s3;
	_ =	sdelay $0x1  }
0xa1: {  	s23 =	simm.s32 $0x1B8B  }
0xa2: {  	_ =	swait.ge [sflag:s23], $0x1  }
0xa3: {  	[sflag:s23] =	ssyncset.done $0x0  }
0xa4: {  	s25 =	simm.s32 $0x1B8E;
	s24 =	sld [smem:$0x3FFE];
	[sflag:s23] =	ssyncadd.s32 $0xFFFFFFFF  }
0xa5: {  	s26 =	simm.s32 $execute0_lowered;
	[smem:$0x3FD2] =	sst s25  }
0xa6: {  	s4 =	sshll.u32 s26, $0x1;
	_ =	strace $0x8000004C;
	[dreg:$0x1] =	wrdreg $0xFFFFFFFF  }
0xa7: {  	s28 =	simm.s32 $_size_execute0_lowered;
	s2 =	sadd.s32 s2, s4;
	[dreg:$0x0] =	wrdreg $0x0  }
0xa8: {  	s4 =	sshll.u32 s28, $0x1;
	[dreg:$0x2] =	wrdreg s2  }
0xa9: {  	[dreg:$0x3] =	wrdreg s4  }
0xaa: {  	[dreg:$0x4] =	wrdreg $0xC0  }
0xab: {  	_ =	task [dreg:s6], $0x5FFFF  }
0xac: {  	[dreg:$0x1] =	wrdreg $0xFFFFFFFF  }
0xad: {  	[dreg:$0x0] =	wrdreg $0x60  }
0xae: {  	[dreg:$0x2] =	wrdreg s24  }
0xaf: {  	[dreg:$0x3] =	wrdreg $0xA5000  }
0xb0: {  	[dreg:$0x4] =	wrdreg $0x9  }
0xb1: {  	_ =	task.clear_ibuf [dreg:s6], $0x5FFFF;
	_ =	strace $0x9000004C  }
0xb2: {  	s29 =	simm.s32 $0x9;
	_ =	strace $0x8000004E  }
0xb3: {  	_ =	swait.ge [sflag:s29], $0x1  }
0xb4: {  	[sflag:s29] =	ssyncadd.s32 $0xFFFFFFFF  }
0xb5: {  	_ =	strace $0x9000004E  }
0xb6: {  	_ =	sfence  }
0xb7: {  	s30 =	sld [smem:$0x0];
	_ =	sdelay $0x2  }
0xb8: {  	s31 =	sshll.u32 s1, $0xD;
	s1 =	sshrl.u32 s1, $0x2  }
0xb9: {  	s3 =	sand.u32 $0x4000, s31;
	s1 =	sadd.s32 s1, s30  }
0xba: {  	s0 =	sor.u32 s3, s0;
	s1 =	sshll.u32 s1, $0x11  }
0xbb: {  	s0 =	sor.u32 s1, s0  }
0xbc: {  	s0 =	sadd.s32 $0x8F2B, s0  }
0xbd: {  	[sflag:s0] =	ssyncadd.remote.s32 $0x1  }
0xbe: {  	_ =	sfence.sel $0xFFFF  }
0xbf: {  	[dreg:$0x0] =	wrdreg $0xFFFFFFFF;
	(pc) =	sbr.abs _section_cstart, $3  }
0xc0: {  	[dreg:$0x1] =	wrdreg $0xFFFFFFFF  }
0xc1: {  	_ =	task.clear_ibuf [dreg:s6], $0x2FFFF;
	_ =	strace $0x9FFFFFFF  }
0xc2: {  	(tm) =	ssettm $0x7FFFFFFF  }
0xc3: {  	_ =	shalt  }
tec
execute0_lowered:
.L_overlay_start_1:
0x0: {  	(tag) =	ssettag $0x1  }
0x1: {  	s5 =	rddreg [dreg:$0x0]  }
0x2: {  	s2 =	rddreg [dreg:$0x1]  }
0x3: {  	s0 =	rddreg [dreg:$0x2];
	s3 =	simm.s32 $0x0  }
0x4: {  	s1 =	stileid.u32;
	s4 =	srdreg.scid;
	s16 =	simm.s32 $0x7D  }
0x5: {  	s17 =	simm.s32 $0x2800;
	s18 =	simm.s32 $0x6680;
	s19 =	simm.s32 $0x1  }
0x6: {  	s20 =	simm.s32 $0x2;
	s21 =	simm.s32 $0x1380;
	s22 =	simm.s32 $0x2700  }
0x7: {  	s23 =	simm.s32 $0x2780;
	s24 =	simm.s32 $0x0;
	[smem:$0x7FF] =	sst s3  }
0x8: {  	s6 =	smul.u32 $0x13C00, s1;
	s7 =	sand.u32 $0x1, s4;
	s4 =	sadd.s32 $0x58400, s5  }
0x9: {  	s9 =	sadd.s32 $0x26C00, s5;
	s10 =	sadd.s32 $0x1CC00, s5;
	s29 =	sshll.u32 s1, $0x6  }
0xa: {  	_ =	strace $0x8000004D;
	s8 =	smul.u32 $0x13C000, s7;
	s12 =	sshll.u32 s7, $0x4  }
0xb: {  	s7 =	ssub.s32 $0x2, s7;
	s11 =	sshrl.u32 s6, $0x3;
	s12 =	sor.u32 s1, s12  }
0xc: {  	s13 =	sshrl.u32 s7, $0x1;
	s15 =	sadd.s32 s6, s2;
	s8 =	sadd.s32 s6, s8  }
0xd: {  	s12 =	smul.u32 $0x2800, s12;
	s11 =	sadd.s32 s11, s5;
	s8 =	sshrl.u32 s8, $0x3  }
0xe: {  	s13 =	ssub.s32 s7, s13;
	s6 =	sor.u32 $0x1C03, s29;
	s14 =	sadd.s32 s8, s5  }
0xf: {  	s30 =	sshrl.u32 s12, $0x3;
	s5 =	sadd.s32 $0x30C00, s11;
	s12 =	smax.u32 s13, $0x1  }
0x10: {  	s13 =	sshrl.u32 s15, $0x3;
	s15 =	simm.s32 $0x1400;
	s31 =	sadd.s32 $0x280, s30  }
0x11: {  	s7 =	sadd.s32 s9, s30;
	s8 =	sadd.s32 s10, s30;
	s11 =	sadd.s32 $0xF6400, s14  }
0x12: {  	s14 =	simm.s32 $0x3;
	s9 =	sadd.s32 s9, s31;
	s10 =	sadd.s32 s10, s31  }
.LBB2_1:
0x13: {  	[spmem:s13], [sflag:s6] =	dma.local [hbm:s5], $0x2780  }
0x14: {  	_ =	swait.ge [sflag:s14], $0x2780  }
0x15: {  	[sflag:s14] =	ssyncset.done $0x0  }
0x16: {  	[sflag:s14] =	ssyncadd.s32 $0xFFFFD880  }
0x17: {  	[bflag:$0x0] =	sbarrier.arrive $0xFFFF  }
0x18: {  	[tilespmem:s3], [sflag:$0x3] =	stream.linear.gather [hbm4b:s7+s3], $0x1400, $0x38;
	[tilespmem:$0x1E100] =	vst v63  }
0x19: {  	_ =	swait.ge [sflag:s14], $0x1400  }
0x1a: {  	[sflag:s14] =	ssyncset.done $0x0  }
0x1b: {  	[sflag:s14] =	ssyncadd.s32 $0xFFFFEC00  }
0x1c: {  	[tilespmem:s15], [sflag:$0x3] =	stream.linear.gather [hbm4b:s8+s3], $0x1400, $0x38;
	[tilespmem:$0x1E100] =	vst v63  }
0x1d: {  	_ =	swait.ge [sflag:s14], $0x1400  }
0x1e: {  	[sflag:s14] =	ssyncset.done $0x0  }
0x1f: {  	[sflag:s14] =	ssyncadd.s32 $0xFFFFEC00  }
0x20: {  	[tilespmem:s17], [sflag:$0x1] =	stream.indirect.gather [hbm4b:s4+s16], $0x80, s3, s16, $0xb8;
	[tilespmem:$0x1E100] =	vst v63  }
0x21: {  	s25 =	simm.s32 $0x80  }
0x22: {  	[tilespmem:s18], [sflag:$0x2] =	stream.indirect.gather [hbm4b:s4+s16], $0x80, s25, s16, $0xb8;
	[tilespmem:$0x1E100] =	vst v63  }
0x23: {  	_ =	swait.ge [sflag:s19], $0x3E80  }
0x24: {  	[sflag:s19] =	ssyncset.done $0x0  }
0x25: {  	s29 =	simm.s32 $0x1400;
	[sflag:s19] =	ssyncadd.s32 $0xFFFFC180  }
0x26: {  	[spmem:s2] =	stream.indirect.scatter.add.f32 [tilespmem:s17], [sflag:$0x3], $0x80, s29, s16, $0xb8;
	[tilespmem:$0x1E100] =	vst v63  }
0x27: {  	_ =	swait.ge [sflag:s14], $0x3E80  }
0x28: {  	[sflag:s14] =	ssyncset.done $0x0  }
0x29: {  	s30 =	simm.s32 $0x100;
	[sflag:s14] =	ssyncadd.s32 $0xFFFFC180  }
0x2a: {  	[tilespmem:s17], [sflag:$0x1] =	stream.indirect.gather [hbm4b:s4+s16], $0x80, s30, s16, $0xb8;
	[tilespmem:$0x1E100] =	vst v63  }
0x2b: {  	_ =	swait.ge [sflag:s20], $0x3E80  }
0x2c: {  	[sflag:s20] =	ssyncset.done $0x0  }
0x2d: {  	s31 =	simm.s32 $0x1480;
	[sflag:s20] =	ssyncadd.s32 $0xFFFFC180  }
0x2e: {  	[spmem:s2] =	stream.indirect.scatter.add.f32 [tilespmem:s18], [sflag:$0x3], $0x80, s31, s16, $0xb8;
	[tilespmem:$0x1E100] =	vst v63  }
0x2f: {  	_ =	swait.ge [sflag:s14], $0x3E80  }
0x30: {  	s26 =	simm.s32 $0x800;
	s25 =	simm.s32 $0x100;
	[sflag:s14] =	ssyncset.done $0x0  }
.LBB2_2:
0x31: {  	s28 =	sadd.s32 $0x80, s25  }
0x32: {  	[sflag:s14] =	ssyncadd.s32 $0xFFFFC180;
	s29 =	smov.u32 s26;
	s30 =	sadd.s32 $0x400, s26  }
0x33: {  	[tilespmem:s18], [sflag:$0x2] =	stream.indirect.gather [hbm4b:s4+s16], $0x80, s28, s16, $0xb8;
	[tilespmem:$0x1E100] =	vst v63  }
0x34: {  	p0 =	sne.s32 s26, $0x4800;
	_ =	swait.ge [sflag:s19], $0x3E80  }
0x35: {  	[sflag:s19] =	ssyncset.done $0x0  }
0x36: {  	s26 =	sadd.s32 $0x1400, s25;
	[sflag:s19] =	ssyncadd.s32 $0xFFFFC180  }
0x37: {  	[spmem:s2] =	stream.indirect.scatter.add.f32 [tilespmem:s17], [sflag:$0x3], $0x80, s26, s16, $0xb8;
	[tilespmem:$0x1E100] =	vst v63  }
0x38: {  	_ =	swait.ge [sflag:s14], $0x3E80  }
0x39: {  	[sflag:s14] =	ssyncset.done $0x0  }
0x3a: {  	s26 =	sadd.s32 $0x100, s25;
	[sflag:s14] =	ssyncadd.s32 $0xFFFFC180  }
0x3b: {  	[tilespmem:s17], [sflag:$0x1] =	stream.indirect.gather [hbm4b:s4+s16], $0x80, s26, s16, $0xb8;
	[tilespmem:$0x1E100] =	vst v63  }
0x3c: {  	_ =	swait.ge [sflag:s20], $0x3E80  }
.Ltmp0:
0x3d: {  	[sflag:s20] =	ssyncset.done $0x0;
	(pc) =	sbr.rel @p0 .LBB2_2-.Ltmp0, $4  }
0x3e: {  	s25 =	sadd.s32 $0x1480, s25;
	[sflag:s20] =	ssyncadd.s32 $0xFFFFC180  }
0x3f: {  	[spmem:s2] =	stream.indirect.scatter.add.f32 [tilespmem:s18], [sflag:$0x3], $0x80, s25, s16, $0xb8;
	[tilespmem:$0x1E100] =	vst v63  }
0x40: {  	_ =	swait.ge [sflag:s14], $0x3E80  }
0x41: {  	s26 =	smov.u32 s30;
	s25 =	sshra.s32 s29, $0x2;
	[sflag:s14] =	ssyncset.done $0x0  }
0x42: {  	s26 =	sadd.s32 $0x80, s25;
	[sflag:s14] =	ssyncadd.s32 $0xFFFFC180  }
0x43: {  	[tilespmem:s18], [sflag:$0x2] =	stream.indirect.gather [hbm4b:s4+s16], $0x80, s26, s16, $0xb8;
	[tilespmem:$0x1E100] =	vst v63  }
0x44: {  	_ =	swait.ge [sflag:s19], $0x3E80  }
0x45: {  	[sflag:s19] =	ssyncset.done $0x0  }
0x46: {  	s29 =	sadd.s32 $0x1400, s25;
	[sflag:s19] =	ssyncadd.s32 $0xFFFFC180  }
0x47: {  	[spmem:s2] =	stream.indirect.scatter.add.f32 [tilespmem:s17], [sflag:$0x3], $0x80, s29, s16, $0xb8;
	[tilespmem:$0x1E100] =	vst v63  }
0x48: {  	_ =	swait.ge [sflag:s14], $0x3E80  }
0x49: {  	[sflag:s14] =	ssyncset.done $0x0  }
0x4a: {  	s30 =	sadd.s32 $0x100, s25;
	[sflag:s14] =	ssyncadd.s32 $0xFFFFC180  }
0x4b: {  	[tilespmem:s17], [sflag:$0x1] =	stream.indirect.gather [hbm4b:s4+s16], $0x80, s30, s16, $0xb8;
	[tilespmem:$0x1E100] =	vst v63  }
0x4c: {  	_ =	swait.ge [sflag:s20], $0x3E80  }
0x4d: {  	[sflag:s20] =	ssyncset.done $0x0  }
0x4e: {  	s31 =	sadd.s32 $0x1480, s25;
	[sflag:s20] =	ssyncadd.s32 $0xFFFFC180  }
0x4f: {  	[spmem:s2] =	stream.indirect.scatter.add.f32 [tilespmem:s18], [sflag:$0x3], $0x80, s31, s16, $0xb8;
	[tilespmem:$0x1E100] =	vst v63  }
0x50: {  	_ =	swait.ge [sflag:s14], $0x3E80  }
0x51: {  	[sflag:s14] =	ssyncset.done $0x0  }
0x52: {  	[sflag:s14] =	ssyncadd.s32 $0xFFFFC180  }
0x53: {  	[tilespmem:s18], [sflag:$0x2] =	stream.indirect.gather [hbm4b:s4+s16], $0x80, s21, s16, $0xb8;
	[tilespmem:$0x1E100] =	vst v63  }
0x54: {  	_ =	swait.ge [sflag:s19], $0x3E80  }
0x55: {  	[sflag:s19] =	ssyncset.done $0x0  }
0x56: {  	[sflag:s19] =	ssyncadd.s32 $0xFFFFC180  }
0x57: {  	[spmem:s2] =	stream.indirect.scatter.add.f32 [tilespmem:s17], [sflag:$0x3], $0x80, s22, s16, $0xb8;
	[tilespmem:$0x1E100] =	vst v63  }
0x58: {  	_ =	swait.ge [sflag:s14], $0x3E80  }
0x59: {  	[sflag:s14] =	ssyncset.done $0x0  }
0x5a: {  	[sflag:s14] =	ssyncadd.s32 $0xFFFFC180  }
0x5b: {  	_ =	swait.ge [sflag:s20], $0x3E80  }
0x5c: {  	[sflag:s20] =	ssyncset.done $0x0  }
0x5d: {  	[sflag:s20] =	ssyncadd.s32 $0xFFFFC180  }
0x5e: {  	[spmem:s2] =	stream.indirect.scatter.add.f32 [tilespmem:s18], [sflag:$0x3], $0x80, s23, s16, $0xb8;
	[tilespmem:$0x1E100] =	vst v63  }
0x5f: {  	_ =	swait.ge [sflag:s14], $0x3E80  }
0x60: {  	[sflag:s14] =	ssyncset.done $0x0  }
0x61: {  	s26 =	simm.s32 $0x0;
	[sflag:s14] =	ssyncadd.s32 $0xFFFFC180  }
0x62: {  	[tilespmem:s26], [sflag:$0x3] =	stream.linear.gather [hbm4b:s9+s26], $0x1400, $0x38;
	[tilespmem:$0x1E100] =	vst v63  }
0x63: {  	_ =	swait.ge [sflag:s14], $0x1400  }
0x64: {  	[sflag:s14] =	ssyncset.done $0x0  }
0x65: {  	[sflag:s14] =	ssyncadd.s32 $0xFFFFEC00  }
0x66: {  	[tilespmem:s15], [sflag:$0x3] =	stream.linear.gather [hbm4b:s10+s26], $0x1400, $0x38;
	[tilespmem:$0x1E100] =	vst v63  }
0x67: {  	_ =	swait.ge [sflag:s14], $0x1400  }
0x68: {  	[sflag:s14] =	ssyncset.done $0x0  }
0x69: {  	[sflag:s14] =	ssyncadd.s32 $0xFFFFEC00  }
0x6a: {  	[tilespmem:s17], [sflag:$0x1] =	stream.indirect.gather [hbm4b:s4+s16], $0x80, s26, s16, $0xb8;
	[tilespmem:$0x1E100] =	vst v63  }
0x6b: {  	s28 =	simm.s32 $0x80  }
0x6c: {  	[tilespmem:s18], [sflag:$0x2] =	stream.indirect.gather [hbm4b:s4+s16], $0x80, s28, s16, $0xb8;
	[tilespmem:$0x1E100] =	vst v63  }
0x6d: {  	_ =	swait.ge [sflag:s19], $0x3E80  }
0x6e: {  	[sflag:s19] =	ssyncset.done $0x0  }
0x6f: {  	s29 =	simm.s32 $0x1400;
	[sflag:s19] =	ssyncadd.s32 $0xFFFFC180  }
0x70: {  	[spmem:s2] =	stream.indirect.scatter.add.f32 [tilespmem:s17], [sflag:$0x3], $0x80, s29, s16, $0xb8;
	[tilespmem:$0x1E100] =	vst v63  }
0x71: {  	_ =	swait.ge [sflag:s14], $0x3E80  }
0x72: {  	[sflag:s14] =	ssyncset.done $0x0  }
0x73: {  	s30 =	simm.s32 $0x100;
	[sflag:s14] =	ssyncadd.s32 $0xFFFFC180  }
0x74: {  	[tilespmem:s17], [sflag:$0x1] =	stream.indirect.gather [hbm4b:s4+s16], $0x80, s30, s16, $0xb8;
	[tilespmem:$0x1E100] =	vst v63  }
0x75: {  	_ =	swait.ge [sflag:s20], $0x3E80  }
0x76: {  	[sflag:s20] =	ssyncset.done $0x0  }
0x77: {  	s31 =	simm.s32 $0x1480;
	[sflag:s20] =	ssyncadd.s32 $0xFFFFC180  }
0x78: {  	[spmem:s2] =	stream.indirect.scatter.add.f32 [tilespmem:s18], [sflag:$0x3], $0x80, s31, s16, $0xb8;
	[tilespmem:$0x1E100] =	vst v63  }
0x79: {  	_ =	swait.ge [sflag:s14], $0x3E80  }
0x7a: {  	s25 =	simm.s32 $0x100;
	s26 =	simm.s32 $0x800;
	[sflag:s14] =	ssyncset.done $0x0  }
.LBB2_4:
0x7b: {  	s28 =	sadd.s32 $0x80, s25  }
0x7c: {  	[sflag:s14] =	ssyncadd.s32 $0xFFFFC180;
	s29 =	smov.u32 s26;
	s30 =	sadd.s32 $0x400, s26  }
0x7d: {  	[tilespmem:s18], [sflag:$0x2] =	stream.indirect.gather [hbm4b:s4+s16], $0x80, s28, s16, $0xb8;
	[tilespmem:$0x1E100] =	vst v63  }
0x7e: {  	p0 =	sne.s32 s26, $0x4800;
	_ =	swait.ge [sflag:s19], $0x3E80  }
0x7f: {  	[sflag:s19] =	ssyncset.done $0x0  }
0x80: {  	s26 =	sadd.s32 $0x1400, s25;
	[sflag:s19] =	ssyncadd.s32 $0xFFFFC180  }
0x81: {  	[spmem:s2] =	stream.indirect.scatter.add.f32 [tilespmem:s17], [sflag:$0x3], $0x80, s26, s16, $0xb8;
	[tilespmem:$0x1E100] =	vst v63  }
0x82: {  	_ =	swait.ge [sflag:s14], $0x3E80  }
0x83: {  	[sflag:s14] =	ssyncset.done $0x0  }
0x84: {  	s26 =	sadd.s32 $0x100, s25;
	[sflag:s14] =	ssyncadd.s32 $0xFFFFC180  }
0x85: {  	[tilespmem:s17], [sflag:$0x1] =	stream.indirect.gather [hbm4b:s4+s16], $0x80, s26, s16, $0xb8;
	[tilespmem:$0x1E100] =	vst v63  }
0x86: {  	_ =	swait.ge [sflag:s20], $0x3E80  }
.Ltmp1:
0x87: {  	[sflag:s20] =	ssyncset.done $0x0;
	(pc) =	sbr.rel @p0 .LBB2_4-.Ltmp1, $4  }
0x88: {  	s25 =	sadd.s32 $0x1480, s25;
	[sflag:s20] =	ssyncadd.s32 $0xFFFFC180  }
0x89: {  	[spmem:s2] =	stream.indirect.scatter.add.f32 [tilespmem:s18], [sflag:$0x3], $0x80, s25, s16, $0xb8;
	[tilespmem:$0x1E100] =	vst v63  }
0x8a: {  	_ =	swait.ge [sflag:s14], $0x3E80  }
0x8b: {  	s26 =	smov.u32 s30;
	s25 =	sshra.s32 s29, $0x2;
	[sflag:s14] =	ssyncset.done $0x0  }
0x8c: {  	s26 =	sadd.s32 $0x80, s25;
	[sflag:s14] =	ssyncadd.s32 $0xFFFFC180  }
0x8d: {  	[tilespmem:s18], [sflag:$0x2] =	stream.indirect.gather [hbm4b:s4+s16], $0x80, s26, s16, $0xb8;
	[tilespmem:$0x1E100] =	vst v63  }
0x8e: {  	_ =	swait.ge [sflag:s19], $0x3E80  }
0x8f: {  	[sflag:s19] =	ssyncset.done $0x0  }
0x90: {  	s29 =	sadd.s32 $0x1400, s25;
	[sflag:s19] =	ssyncadd.s32 $0xFFFFC180  }
0x91: {  	[spmem:s2] =	stream.indirect.scatter.add.f32 [tilespmem:s17], [sflag:$0x3], $0x80, s29, s16, $0xb8;
	[tilespmem:$0x1E100] =	vst v63  }
0x92: {  	_ =	swait.ge [sflag:s14], $0x3E80  }
0x93: {  	[sflag:s14] =	ssyncset.done $0x0  }
0x94: {  	s30 =	sadd.s32 $0x100, s25;
	[sflag:s14] =	ssyncadd.s32 $0xFFFFC180  }
0x95: {  	[tilespmem:s17], [sflag:$0x1] =	stream.indirect.gather [hbm4b:s4+s16], $0x80, s30, s16, $0xb8;
	[tilespmem:$0x1E100] =	vst v63  }
0x96: {  	_ =	swait.ge [sflag:s20], $0x3E80  }
0x97: {  	[sflag:s20] =	ssyncset.done $0x0  }
0x98: {  	s31 =	sadd.s32 $0x1480, s25;
	[sflag:s20] =	ssyncadd.s32 $0xFFFFC180  }
0x99: {  	[spmem:s2] =	stream.indirect.scatter.add.f32 [tilespmem:s18], [sflag:$0x3], $0x80, s31, s16, $0xb8;
	[tilespmem:$0x1E100] =	vst v63  }
0x9a: {  	_ =	swait.ge [sflag:s14], $0x3E80  }
0x9b: {  	[sflag:s14] =	ssyncset.done $0x0  }
0x9c: {  	[sflag:s14] =	ssyncadd.s32 $0xFFFFC180  }
0x9d: {  	[tilespmem:s18], [sflag:$0x2] =	stream.indirect.gather [hbm4b:s4+s16], $0x80, s21, s16, $0xb8;
	[tilespmem:$0x1E100] =	vst v63  }
0x9e: {  	_ =	swait.ge [sflag:s19], $0x3E80  }
0x9f: {  	[sflag:s19] =	ssyncset.done $0x0  }
0xa0: {  	[sflag:s19] =	ssyncadd.s32 $0xFFFFC180  }
0xa1: {  	[spmem:s2] =	stream.indirect.scatter.add.f32 [tilespmem:s17], [sflag:$0x3], $0x80, s22, s16, $0xb8;
	[tilespmem:$0x1E100] =	vst v63  }
0xa2: {  	_ =	swait.ge [sflag:s14], $0x3E80  }
0xa3: {  	[sflag:s14] =	ssyncset.done $0x0  }
0xa4: {  	[sflag:s14] =	ssyncadd.s32 $0xFFFFC180  }
0xa5: {  	_ =	swait.ge [sflag:s20], $0x3E80  }
0xa6: {  	[sflag:s20] =	ssyncset.done $0x0  }
0xa7: {  	[sflag:s20] =	ssyncadd.s32 $0xFFFFC180  }
0xa8: {  	[spmem:s2] =	stream.indirect.scatter.add.f32 [tilespmem:s18], [sflag:$0x3], $0x80, s23, s16, $0xb8;
	[tilespmem:$0x1E100] =	vst v63  }
0xa9: {  	_ =	swait.ge [sflag:s14], $0x3E80  }
0xaa: {  	s24 =	sadd.s32 $0x1, s24;
	[sflag:s14] =	ssyncset.done $0x0  }
0xab: {  	p0 =	sne.s32 s24, s12;
	[sflag:s14] =	ssyncadd.s32 $0xFFFFC180  }
.Ltmp2:
0xac: {  	[bflag:$0x0] =	sbarrier.arrive $0xFFFF;
	(pc) =	sbr.rel @p0 .LBB2_1-.Ltmp2, $4  }
0xad: {  	[hbm:s11], [sflag:s6] =	dma.local [spmem:s13], $0x2780  }
0xae: {  	_ =	swait.ge [sflag:s14], $0x2780  }
0xaf: {  	[sflag:s14] =	ssyncset.done $0x0  }
0xb0: {  	[sflag:s14] =	ssyncadd.s32 $0xFFFFD880  }
0xb1: {  	_ =	sfence.sel $0x180000  }
0xb2: {  	[bflag:$0x0] =	sbarrier.arrive $0xFFFF  }
0xb3: {  	p0 =	sne.s32 s1, $0x0;
	_ =	strace $0x9000004D  }
0xb4: {  	s0 =	sadd.s32 @!p0 $0x100000, s0;
	[bflag:$0x2] =	sbarrier.arrive $0xFFFF  }
0xb5: {  	[sflag:s0] =	ssyncadd.tile.s32 @!p0 $0x1;
	_ =	shalt  }
.Lfunc_end2:
_tile_overlayer_lowered:
.L_overlay_start_2:
0xb6: {  	(tag) =	ssettag $0x2  }
0xb7: {  	s0 =	rddreg [dreg:$0x0];
	s2 =	stileid.u32  }
0xb8: {  	s1 =	rddreg [dreg:$0x1];
	p0 =	sne.s32 s2, $0x0  }
0xb9: {  	s3 =	rddreg [dreg:$0x2];
	[bflag:$0x3] =	sbarrier.arrive $0xFFFF;
	s2 =	simm.s32 @!p0 $0x1C03  }
0xba: {  	[timem:s3], [sflag:s2] =	dma.local @!p0 [hbm:s0], s1  }
0xbb: {  	s0 =	simm.s32 @!p0 $0x3  }
0xbc: {  	_ =	swait.ge @!p0 [sflag:s0], s1  }
0xbd: {  	s1 =	ssub.s32 @!p0 $0x0, s1;
	[sflag:s0] =	ssyncset.done @!p0 $0x0  }
0xbe: {  	[sflag:s0] =	ssyncadd.s32 @!p0 s1  }
0xbf: {  	[bflag:$0x3] =	sbarrier.arrive $0xFFFF  }
0xc0: {  	_ =	shalt  }

// kernel: kernel.18.cloned.1.call-start
scs
__scs_entry_jumppad:
0x0: {  	(pc) =	sbr.rel $0x88, $3  }
0x1: {  	(tag) =	ssettag $0x0;
	lr =	simm.s32 $0x1  }
0x2: {  	[smem:$0x3F98] =	sst lr;
	_ =	strace $0xD0000000  }
0x3: {  	_ = 	snop  }
0x4: {  	_ = 	snop  }
0x5: {  	_ = 	snop  }
0x6: {  	_ = 	snop  }
0x7: {  	_ = 	snop  }
__scs_overlays_trampoline_lowered:
0x8: {  	[smem:$0x3FA7] =	sst s0  }
0x9: {  	[smem:$0x3FA8] =	sst s1  }
0xa: {  	[smem:$0x3FA9] =	sst s2  }
0xb: {  	[smem:$0x3FAA] =	sst s3  }
0xc: {  	[smem:$0x3FAB] =	sst s4  }
0xd: {  	[smem:$0x3FAC] =	sst s5  }
0xe: {  	[smem:$0x3FAD] =	sst s6  }
0xf: {  	[smem:$0x3FAE] =	sst s7  }
0x10: {  	[smem:$0x3FAF] =	sst s8  }
0x11: {  	[smem:$0x3FB0] =	sst s9;
	s0 =	simm.s32 @!p0 $0x0  }
0x12: {  	s1 =	sld [smem:$0x3F96];
	s0 =	simm.s32 @p0 $0x1  }
0x13: {  	[smem:$0x3FB1] =	sst s0;
	s0 =	simm.s32 @!p1 $0x0  }
0x14: {  	s2 =	sld [smem:$0x3F95];
	s0 =	simm.s32 @p1 $0x1  }
0x15: {  	[smem:$0x3FB2] =	sst s0;
	s0 =	simm.s32 @!p2 $0x0  }
0x16: {  	s3 =	sld [smem:$0x3FDB];
	s0 =	simm.s32 @p2 $0x1  }
0x17: {  	s4 =	simm.s32 $0x1BF5;
	[smem:$0x3FB4] =	sst s0  }
0x18: {  	s0 =	sld [smem:$0x3F97];
	_ =	swait.ge [sflag:s4], $0x0  }
0x19: {  	s7 =	sld [smem:$0x3F98]  }
0x1a: {  	s8 =	sadd.s32 $0xFFFFE003, lr  }
0x1b: {  	s9 =	sadd.s32 $0xFFFFFEF7, lr;
	s5 =	simm.s32 $0xFFFFFFFF;
	p2 =	slt.u32 s8, $0xFFFFF086  }
0x1c: {  	p1 =	slt.u32 s9, $0xF7A;
	s5 =	simm.s32 @!p2 $0x0  }
0x1d: {  	s5 =	simm.s32 @p1 $0x1;
	p0 =	seq.s32 s7, s2  }
0x1e: {  	s7 =	smul.u32 @!p0 $0xF7A, s2;
	p2 =	seq.s32 @!p0 s5, $0x0  }
0x1f: {  	s9 =	smul.u32 $0xF7A, s1;
	s8 =	simm.s32 @!p0 $0x1BF5;
	p2 =	por !p2, p0  }
0x20: {  	[sflag:s8] =	ssyncset.s32 @!p0 $0xFFFFF086;
	s6 =	sadd.s32 @!p0 s3, s7;
	s7 =	simm.s32 @!p0 $0x108  }
0x21: {  	s3 =	sadd.s32 s3, s9;
	s6 =	sadd.s32 @!p0 $0x88, s6;
	s7 =	simm.s32 @p2 $0x1082  }
0x22: {  	[simem:s7], [sflag:s8] =	dma.local @!p0 [hbm:s6], $0xF7A  }
0x23: {  	s9 =	sor.u32 $0xD0000000, s2;
	s6 =	simm.s32 $0x108;
	_ =	swait.ge @!p0 [sflag:s8], $0x0  }
0x24: {  	s3 =	sadd.s32 $0x88, s3;
	s6 =	simm.s32 @!p1 $0x1082;
	[sflag:s4] =	ssyncset.s32 $0xFFFFF086  }
0x25: {  	[simem:s6], [sflag:s4] =	dma.local [hbm:s3], $0xF7A  }
0x26: {  	[smem:$0x3F98] =	sst s1;
	(tag) =	ssettag s2;
	_ =	strace s9  }
0x27: {  	s1 =	sld [smem:$0x3FA8]  }
0x28: {  	s2 =	sld [smem:$0x3FA9]  }
0x29: {  	s4 =	sld [smem:$0x3FAB]  }
0x2a: {  	p0 =	seq.s32 s5, $0x0;
	s5 =	sld [smem:$0x3FAC]  }
0x2b: {  	s6 =	sld [smem:$0x3FAD]  }
0x2c: {  	s7 =	sld [smem:$0x3FAE]  }
0x2d: {  	s3 =	simm.s32 $0x108;
	s8 =	sld [smem:$0x3FAF]  }
0x2e: {  	s3 =	simm.s32 @!p0 $0x1082;
	s9 =	sld [smem:$0x3FB0]  }
0x2f: {  	lr =	sadd.s32 s0, s3;
	s0 =	sld [smem:$0x3FA7]  }
0x30: {  	s3 =	sld [smem:$0x3FAA]  }
0x31: {  	[smem:$0x3FB3] =	sst s10  }
0x32: {  	s10 =	sld [smem:$0x3FB1];
	_ =	sdelay $0x3  }
0x33: {  	p0 =	seq.s32 s10, $0x1;
	s10 =	sld [smem:$0x3FB3];
	_ =	sdelay $0x3  }
0x34: {  	[smem:$0x3FB3] =	sst s10  }
0x35: {  	s10 =	sld [smem:$0x3FB2];
	_ =	sdelay $0x3  }
0x36: {  	p1 =	seq.s32 s10, $0x1;
	s10 =	sld [smem:$0x3FB3];
	_ =	sdelay $0x3  }
0x37: {  	[smem:$0x3FB3] =	sst s10  }
0x38: {  	s10 =	sld [smem:$0x3FB4]  }
0x39: {  	_ = 	snop;
	(pc) =	sbr.ind lr, $3  }
0x3a: {  	_ = 	snop  }
0x3b: {  	_ = 	snop  }
0x3c: {  	p2 =	seq.s32 s10, $0x1;
	s10 =	sld [smem:$0x3FB3]  }
0x3d: {  	_ =	shalt  }
0x3e: {  	_ =	shalt  }
0x3f: {  	_ =	shalt  }
0x40: {  	_ =	shalt  }
0x41: {  	_ =	shalt  }
0x42: {  	_ =	shalt  }
0x43: {  	_ =	shalt  }
0x44: {  	_ =	shalt  }
0x45: {  	_ =	shalt  }
0x46: {  	_ =	shalt  }
0x47: {  	_ =	shalt  }
0x48: {  	_ =	shalt  }
0x49: {  	_ =	shalt  }
0x4a: {  	_ =	shalt  }
0x4b: {  	_ =	shalt  }
0x4c: {  	_ =	shalt  }
0x4d: {  	_ =	shalt  }
0x4e: {  	_ =	shalt  }
0x4f: {  	_ =	shalt  }
0x50: {  	_ =	shalt  }
0x51: {  	_ =	shalt  }
0x52: {  	_ =	shalt  }
0x53: {  	_ =	shalt  }
0x54: {  	_ =	shalt  }
0x55: {  	_ =	shalt  }
0x56: {  	_ =	shalt  }
0x57: {  	_ =	shalt  }
0x58: {  	_ =	shalt  }
0x59: {  	_ =	shalt  }
0x5a: {  	_ =	shalt  }
0x5b: {  	_ =	shalt  }
0x5c: {  	_ =	shalt  }
0x5d: {  	_ =	shalt  }
0x5e: {  	_ =	shalt  }
0x5f: {  	_ =	shalt  }
0x60: {  	_ =	shalt  }
0x61: {  	_ =	shalt  }
0x62: {  	_ =	shalt  }
0x63: {  	_ =	shalt  }
0x64: {  	_ =	shalt  }
0x65: {  	_ =	shalt  }
0x66: {  	_ =	shalt  }
0x67: {  	_ =	shalt  }
0x68: {  	_ =	shalt  }
0x69: {  	_ =	shalt  }
0x6a: {  	_ =	shalt  }
0x6b: {  	_ =	shalt  }
0x6c: {  	_ =	shalt  }
0x6d: {  	_ =	shalt  }
0x6e: {  	_ =	shalt  }
0x6f: {  	_ =	shalt  }
0x70: {  	_ =	shalt  }
0x71: {  	_ =	shalt  }
0x72: {  	_ =	shalt  }
0x73: {  	_ =	shalt  }
0x74: {  	_ =	shalt  }
0x75: {  	_ =	shalt  }
0x76: {  	_ =	shalt  }
0x77: {  	_ =	shalt  }
0x78: {  	_ =	shalt  }
0x79: {  	_ =	shalt  }
0x7a: {  	_ =	shalt  }
0x7b: {  	_ =	shalt  }
0x7c: {  	_ =	shalt  }
0x7d: {  	_ =	shalt  }
0x7e: {  	_ =	shalt  }
0x7f: {  	_ =	shalt  }
0x80: {  	_ =	shalt  }
0x81: {  	_ =	shalt  }
0x82: {  	_ =	shalt  }
0x83: {  	_ =	shalt  }
0x84: {  	_ =	shalt  }
0x85: {  	_ =	shalt  }
0x86: {  	_ =	shalt  }
0x87: {  	_ =	shalt  }
.Lfunc_end0:
.L_simem_size_0:
called_computation.3_lowered:
.L_overlay_start_0:
0x88: {  	s2 =	sld [smem:$0x3FD9]  }
0x89: {  	s3 =	sld [smem:$0x3FFE];
	_ =	sdelay $0x1  }
0x8a: {  	s1 =	srdreg.scid  }
0x8b: {  	s0 =	sand.u32 $0x1, s1  }
0x8c: {  	s16 =	sshll.u32 s0, $0xA;
	s2 =	sadd.s32 s3, s2  }
0x8d: {  	s2 =	sadd.s32 s2, s16  }
0x8e: {  	[smem:$0x3FBF] =	sst s2  }
0x8f: {  	_ = 	snop  }
0x90: {  	(tm) =	ssettm $0x1  }
0x91: {  	s17 =	sld [smem:$0x3FFB];
	_ =	sdelay $0x3  }
0x92: {  	_ =	strace s17  }
0x93: {  	s2 =	sld [smem:$0x3FFC];
	_ =	sdelay $0x3  }
0x94: {  	_ =	strace s2  }
0x95: {  	s2 =	sld [smem:$0x3FFD];
	_ =	sdelay $0x3  }
0x96: {  	_ =	strace s2  }
0x97: {  	_ =	strace $0x8FFFFFFF  }
0x98: {  	s18 =	sld [smem:$0x3FDB];
	_ =	sdelay $0x1  }
0x99: {  	s19 =	simm.s32 $_scs_section_size  }
0x9a: {  	s4 =	simm.s32 $_size__tile_overlayer_lowered;
	s5 =	simm.s32 $_tile_overlayer_lowered  }
0x9b: {  	s22 =	simm.s32 $0x1BFF;
	s21 =	sshll.u32 s5, $0x1;
	s2 =	sadd.s32 s19, s18  }
0x9c: {  	s6 =	simm.s32 $0x0;
	s20 =	sshll.u32 s4, $0x1;
	s4 =	sadd.s32 s21, s2  }
0x9d: {  	[timem:s6], [sflag:s22] =	dma.local [hbm:s4], s20  }
0x9e: {  	_ =	swait.ge [sflag:s22], s20  }
0x9f: {  	s3 =	ssub.s32 $0x0, s20;
	[sflag:s22] =	ssyncset.done $0x0  }
0xa0: {  	[sflag:s22] =	ssyncadd.s32 s3;
	_ =	sdelay $0x1  }
0xa1: {  	s23 =	simm.s32 $0x1B8B  }
0xa2: {  	_ =	swait.ge [sflag:s23], $0x1  }
0xa3: {  	[sflag:s23] =	ssyncset.done $0x0  }
0xa4: {  	s25 =	simm.s32 $0x1B8E;
	s24 =	sld [smem:$0x3FFE];
	[sflag:s23] =	ssyncadd.s32 $0xFFFFFFFF  }
0xa5: {  	s26 =	simm.s32 $execute0_lowered;
	[smem:$0x3FD2] =	sst s25  }
0xa6: {  	s4 =	sshll.u32 s26, $0x1;
	_ =	strace $0x8000004F;
	[dreg:$0x1] =	wrdreg $0xFFFFFFFF  }
0xa7: {  	s28 =	simm.s32 $_size_execute0_lowered;
	s2 =	sadd.s32 s2, s4;
	[dreg:$0x0] =	wrdreg $0x0  }
0xa8: {  	s4 =	sshll.u32 s28, $0x1;
	[dreg:$0x2] =	wrdreg s2  }
0xa9: {  	[dreg:$0x3] =	wrdreg s4  }
0xaa: {  	[dreg:$0x4] =	wrdreg $0xC0  }
0xab: {  	_ =	task [dreg:s6], $0x5FFFF  }
0xac: {  	[dreg:$0x1] =	wrdreg $0xFFFFFFFF  }
0xad: {  	[dreg:$0x0] =	wrdreg $0x60  }
0xae: {  	[dreg:$0x2] =	wrdreg s24  }
0xaf: {  	[dreg:$0x3] =	wrdreg $0xA5000  }
0xb0: {  	[dreg:$0x4] =	wrdreg $0x9  }
0xb1: {  	_ =	task.clear_ibuf [dreg:s6], $0x5FFFF;
	_ =	strace $0x9000004F  }
0xb2: {  	s29 =	simm.s32 $0x9;
	_ =	strace $0x80000051  }
0xb3: {  	_ =	swait.ge [sflag:s29], $0x1  }
0xb4: {  	[sflag:s29] =	ssyncadd.s32 $0xFFFFFFFF  }
0xb5: {  	_ =	strace $0x90000051  }
0xb6: {  	_ =	sfence  }
0xb7: {  	s30 =	sld [smem:$0x0];
	_ =	sdelay $0x2  }
0xb8: {  	s31 =	sshll.u32 s1, $0xD;
	s1 =	sshrl.u32 s1, $0x2  }
0xb9: {  	s3 =	sand.u32 $0x4000, s31;
	s1 =	sadd.s32 s1, s30  }
0xba: {  	s0 =	sor.u32 s3, s0;
	s1 =	sshll.u32 s1, $0x11  }
0xbb: {  	s0 =	sor.u32 s1, s0  }
0xbc: {  	s0 =	sadd.s32 $0x8F2B, s0  }
0xbd: {  	[sflag:s0] =	ssyncadd.remote.s32 $0x1  }
0xbe: {  	_ =	sfence.sel $0xFFFF  }
0xbf: {  	[dreg:$0x0] =	wrdreg $0xFFFFFFFF;
	(pc) =	sbr.abs _section_cstart, $3  }
0xc0: {  	[dreg:$0x1] =	wrdreg $0xFFFFFFFF  }
0xc1: {  	_ =	task.clear_ibuf [dreg:s6], $0x2FFFF;
	_ =	strace $0x9FFFFFFF  }
0xc2: {  	(tm) =	ssettm $0x7FFFFFFF  }
0xc3: {  	_ =	shalt  }
tec
execute0_lowered:
.L_overlay_start_1:
0x0: {  	(tag) =	ssettag $0x1  }
0x1: {  	s5 =	rddreg [dreg:$0x0]  }
0x2: {  	s2 =	rddreg [dreg:$0x1]  }
0x3: {  	s0 =	rddreg [dreg:$0x2];
	s3 =	simm.s32 $0x0  }
0x4: {  	s1 =	stileid.u32;
	s4 =	srdreg.scid;
	s16 =	simm.s32 $0x7D  }
0x5: {  	s17 =	simm.s32 $0x2800;
	s18 =	simm.s32 $0x6680;
	s19 =	simm.s32 $0x1  }
0x6: {  	s20 =	simm.s32 $0x2;
	s21 =	simm.s32 $0x1380;
	s22 =	simm.s32 $0x2700  }
0x7: {  	s23 =	simm.s32 $0x2780;
	s24 =	simm.s32 $0x0;
	[smem:$0x7FF] =	sst s3  }
0x8: {  	s6 =	smul.u32 $0x13C00, s1;
	s7 =	sand.u32 $0x1, s4;
	s4 =	sadd.s32 $0x58400, s5  }
0x9: {  	s9 =	sadd.s32 $0x26C00, s5;
	s10 =	sadd.s32 $0x1CC00, s5;
	s29 =	sshll.u32 s1, $0x6  }
0xa: {  	_ =	strace $0x80000050;
	s8 =	smul.u32 $0x13C000, s7;
	s12 =	sshll.u32 s7, $0x4  }
0xb: {  	s7 =	ssub.s32 $0x2, s7;
	s11 =	sshrl.u32 s6, $0x3;
	s12 =	sor.u32 s1, s12  }
0xc: {  	s13 =	sshrl.u32 s7, $0x1;
	s15 =	sadd.s32 s6, s2;
	s8 =	sadd.s32 s6, s8  }
0xd: {  	s12 =	smul.u32 $0x2800, s12;
	s11 =	sadd.s32 s11, s5;
	s8 =	sshrl.u32 s8, $0x3  }
0xe: {  	s13 =	ssub.s32 s7, s13;
	s6 =	sor.u32 $0x1C03, s29;
	s14 =	sadd.s32 s8, s5  }
0xf: {  	s30 =	sshrl.u32 s12, $0x3;
	s5 =	sadd.s32 $0x30C00, s11;
	s12 =	smax.u32 s13, $0x1  }
0x10: {  	s13 =	sshrl.u32 s15, $0x3;
	s15 =	simm.s32 $0x1400;
	s31 =	sadd.s32 $0x280, s30  }
0x11: {  	s7 =	sadd.s32 s9, s30;
	s8 =	sadd.s32 s10, s30;
	s11 =	sadd.s32 $0xF6400, s14  }
0x12: {  	s14 =	simm.s32 $0x3;
	s9 =	sadd.s32 s9, s31;
	s10 =	sadd.s32 s10, s31  }
.LBB2_1:
0x13: {  	[spmem:s13], [sflag:s6] =	dma.local [hbm:s5], $0x2780  }
0x14: {  	_ =	swait.ge [sflag:s14], $0x2780  }
0x15: {  	[sflag:s14] =	ssyncset.done $0x0  }
0x16: {  	[sflag:s14] =	ssyncadd.s32 $0xFFFFD880  }
0x17: {  	[bflag:$0x0] =	sbarrier.arrive $0xFFFF  }
0x18: {  	[tilespmem:s3], [sflag:$0x3] =	stream.linear.gather [hbm4b:s7+s3], $0x1400, $0x38;
	[tilespmem:$0x1E100] =	vst v63  }
0x19: {  	_ =	swait.ge [sflag:s14], $0x1400  }
0x1a: {  	[sflag:s14] =	ssyncset.done $0x0  }
0x1b: {  	[sflag:s14] =	ssyncadd.s32 $0xFFFFEC00  }
0x1c: {  	[tilespmem:s15], [sflag:$0x3] =	stream.linear.gather [hbm4b:s8+s3], $0x1400, $0x38;
	[tilespmem:$0x1E100] =	vst v63  }
0x1d: {  	_ =	swait.ge [sflag:s14], $0x1400  }
0x1e: {  	[sflag:s14] =	ssyncset.done $0x0  }
0x1f: {  	[sflag:s14] =	ssyncadd.s32 $0xFFFFEC00  }
0x20: {  	[tilespmem:s17], [sflag:$0x1] =	stream.indirect.gather [hbm4b:s4+s16], $0x80, s3, s16, $0xb8;
	[tilespmem:$0x1E100] =	vst v63  }
0x21: {  	s25 =	simm.s32 $0x80  }
0x22: {  	[tilespmem:s18], [sflag:$0x2] =	stream.indirect.gather [hbm4b:s4+s16], $0x80, s25, s16, $0xb8;
	[tilespmem:$0x1E100] =	vst v63  }
0x23: {  	_ =	swait.ge [sflag:s19], $0x3E80  }
0x24: {  	[sflag:s19] =	ssyncset.done $0x0  }
0x25: {  	s29 =	simm.s32 $0x1400;
	[sflag:s19] =	ssyncadd.s32 $0xFFFFC180  }
0x26: {  	[spmem:s2] =	stream.indirect.scatter.add.f32 [tilespmem:s17], [sflag:$0x3], $0x80, s29, s16, $0xb8;
	[tilespmem:$0x1E100] =	vst v63  }
0x27: {  	_ =	swait.ge [sflag:s14], $0x3E80  }
0x28: {  	[sflag:s14] =	ssyncset.done $0x0  }
0x29: {  	s30 =	simm.s32 $0x100;
	[sflag:s14] =	ssyncadd.s32 $0xFFFFC180  }
0x2a: {  	[tilespmem:s17], [sflag:$0x1] =	stream.indirect.gather [hbm4b:s4+s16], $0x80, s30, s16, $0xb8;
	[tilespmem:$0x1E100] =	vst v63  }
0x2b: {  	_ =	swait.ge [sflag:s20], $0x3E80  }
0x2c: {  	[sflag:s20] =	ssyncset.done $0x0  }
0x2d: {  	s31 =	simm.s32 $0x1480;
	[sflag:s20] =	ssyncadd.s32 $0xFFFFC180  }
0x2e: {  	[spmem:s2] =	stream.indirect.scatter.add.f32 [tilespmem:s18], [sflag:$0x3], $0x80, s31, s16, $0xb8;
	[tilespmem:$0x1E100] =	vst v63  }
0x2f: {  	_ =	swait.ge [sflag:s14], $0x3E80  }
0x30: {  	s26 =	simm.s32 $0x800;
	s25 =	simm.s32 $0x100;
	[sflag:s14] =	ssyncset.done $0x0  }
.LBB2_2:
0x31: {  	s28 =	sadd.s32 $0x80, s25  }
0x32: {  	[sflag:s14] =	ssyncadd.s32 $0xFFFFC180;
	s29 =	smov.u32 s26;
	s30 =	sadd.s32 $0x400, s26  }
0x33: {  	[tilespmem:s18], [sflag:$0x2] =	stream.indirect.gather [hbm4b:s4+s16], $0x80, s28, s16, $0xb8;
	[tilespmem:$0x1E100] =	vst v63  }
0x34: {  	p0 =	sne.s32 s26, $0x4800;
	_ =	swait.ge [sflag:s19], $0x3E80  }
0x35: {  	[sflag:s19] =	ssyncset.done $0x0  }
0x36: {  	s26 =	sadd.s32 $0x1400, s25;
	[sflag:s19] =	ssyncadd.s32 $0xFFFFC180  }
0x37: {  	[spmem:s2] =	stream.indirect.scatter.add.f32 [tilespmem:s17], [sflag:$0x3], $0x80, s26, s16, $0xb8;
	[tilespmem:$0x1E100] =	vst v63  }
0x38: {  	_ =	swait.ge [sflag:s14], $0x3E80  }
0x39: {  	[sflag:s14] =	ssyncset.done $0x0  }
0x3a: {  	s26 =	sadd.s32 $0x100, s25;
	[sflag:s14] =	ssyncadd.s32 $0xFFFFC180  }
0x3b: {  	[tilespmem:s17], [sflag:$0x1] =	stream.indirect.gather [hbm4b:s4+s16], $0x80, s26, s16, $0xb8;
	[tilespmem:$0x1E100] =	vst v63  }
0x3c: {  	_ =	swait.ge [sflag:s20], $0x3E80  }
.Ltmp0:
0x3d: {  	[sflag:s20] =	ssyncset.done $0x0;
	(pc) =	sbr.rel @p0 .LBB2_2-.Ltmp0, $4  }
0x3e: {  	s25 =	sadd.s32 $0x1480, s25;
	[sflag:s20] =	ssyncadd.s32 $0xFFFFC180  }
0x3f: {  	[spmem:s2] =	stream.indirect.scatter.add.f32 [tilespmem:s18], [sflag:$0x3], $0x80, s25, s16, $0xb8;
	[tilespmem:$0x1E100] =	vst v63  }
0x40: {  	_ =	swait.ge [sflag:s14], $0x3E80  }
0x41: {  	s26 =	smov.u32 s30;
	s25 =	sshra.s32 s29, $0x2;
	[sflag:s14] =	ssyncset.done $0x0  }
0x42: {  	s26 =	sadd.s32 $0x80, s25;
	[sflag:s14] =	ssyncadd.s32 $0xFFFFC180  }
0x43: {  	[tilespmem:s18], [sflag:$0x2] =	stream.indirect.gather [hbm4b:s4+s16], $0x80, s26, s16, $0xb8;
	[tilespmem:$0x1E100] =	vst v63  }
0x44: {  	_ =	swait.ge [sflag:s19], $0x3E80  }
0x45: {  	[sflag:s19] =	ssyncset.done $0x0  }
0x46: {  	s29 =	sadd.s32 $0x1400, s25;
	[sflag:s19] =	ssyncadd.s32 $0xFFFFC180  }
0x47: {  	[spmem:s2] =	stream.indirect.scatter.add.f32 [tilespmem:s17], [sflag:$0x3], $0x80, s29, s16, $0xb8;
	[tilespmem:$0x1E100] =	vst v63  }
0x48: {  	_ =	swait.ge [sflag:s14], $0x3E80  }
0x49: {  	[sflag:s14] =	ssyncset.done $0x0  }
0x4a: {  	s30 =	sadd.s32 $0x100, s25;
	[sflag:s14] =	ssyncadd.s32 $0xFFFFC180  }
0x4b: {  	[tilespmem:s17], [sflag:$0x1] =	stream.indirect.gather [hbm4b:s4+s16], $0x80, s30, s16, $0xb8;
	[tilespmem:$0x1E100] =	vst v63  }
0x4c: {  	_ =	swait.ge [sflag:s20], $0x3E80  }
0x4d: {  	[sflag:s20] =	ssyncset.done $0x0  }
0x4e: {  	s31 =	sadd.s32 $0x1480, s25;
	[sflag:s20] =	ssyncadd.s32 $0xFFFFC180  }
0x4f: {  	[spmem:s2] =	stream.indirect.scatter.add.f32 [tilespmem:s18], [sflag:$0x3], $0x80, s31, s16, $0xb8;
	[tilespmem:$0x1E100] =	vst v63  }
0x50: {  	_ =	swait.ge [sflag:s14], $0x3E80  }
0x51: {  	[sflag:s14] =	ssyncset.done $0x0  }
0x52: {  	[sflag:s14] =	ssyncadd.s32 $0xFFFFC180  }
0x53: {  	[tilespmem:s18], [sflag:$0x2] =	stream.indirect.gather [hbm4b:s4+s16], $0x80, s21, s16, $0xb8;
	[tilespmem:$0x1E100] =	vst v63  }
0x54: {  	_ =	swait.ge [sflag:s19], $0x3E80  }
0x55: {  	[sflag:s19] =	ssyncset.done $0x0  }
0x56: {  	[sflag:s19] =	ssyncadd.s32 $0xFFFFC180  }
0x57: {  	[spmem:s2] =	stream.indirect.scatter.add.f32 [tilespmem:s17], [sflag:$0x3], $0x80, s22, s16, $0xb8;
	[tilespmem:$0x1E100] =	vst v63  }
0x58: {  	_ =	swait.ge [sflag:s14], $0x3E80  }
0x59: {  	[sflag:s14] =	ssyncset.done $0x0  }
0x5a: {  	[sflag:s14] =	ssyncadd.s32 $0xFFFFC180  }
0x5b: {  	_ =	swait.ge [sflag:s20], $0x3E80  }
0x5c: {  	[sflag:s20] =	ssyncset.done $0x0  }
0x5d: {  	[sflag:s20] =	ssyncadd.s32 $0xFFFFC180  }
0x5e: {  	[spmem:s2] =	stream.indirect.scatter.add.f32 [tilespmem:s18], [sflag:$0x3], $0x80, s23, s16, $0xb8;
	[tilespmem:$0x1E100] =	vst v63  }
0x5f: {  	_ =	swait.ge [sflag:s14], $0x3E80  }
0x60: {  	[sflag:s14] =	ssyncset.done $0x0  }
0x61: {  	s26 =	simm.s32 $0x0;
	[sflag:s14] =	ssyncadd.s32 $0xFFFFC180  }
0x62: {  	[tilespmem:s26], [sflag:$0x3] =	stream.linear.gather [hbm4b:s9+s26], $0x1400, $0x38;
	[tilespmem:$0x1E100] =	vst v63  }
0x63: {  	_ =	swait.ge [sflag:s14], $0x1400  }
0x64: {  	[sflag:s14] =	ssyncset.done $0x0  }
0x65: {  	[sflag:s14] =	ssyncadd.s32 $0xFFFFEC00  }
0x66: {  	[tilespmem:s15], [sflag:$0x3] =	stream.linear.gather [hbm4b:s10+s26], $0x1400, $0x38;
	[tilespmem:$0x1E100] =	vst v63  }
0x67: {  	_ =	swait.ge [sflag:s14], $0x1400  }
0x68: {  	[sflag:s14] =	ssyncset.done $0x0  }
0x69: {  	[sflag:s14] =	ssyncadd.s32 $0xFFFFEC00  }
0x6a: {  	[tilespmem:s17], [sflag:$0x1] =	stream.indirect.gather [hbm4b:s4+s16], $0x80, s26, s16, $0xb8;
	[tilespmem:$0x1E100] =	vst v63  }
0x6b: {  	s28 =	simm.s32 $0x80  }
0x6c: {  	[tilespmem:s18], [sflag:$0x2] =	stream.indirect.gather [hbm4b:s4+s16], $0x80, s28, s16, $0xb8;
	[tilespmem:$0x1E100] =	vst v63  }
0x6d: {  	_ =	swait.ge [sflag:s19], $0x3E80  }
0x6e: {  	[sflag:s19] =	ssyncset.done $0x0  }
0x6f: {  	s29 =	simm.s32 $0x1400;
	[sflag:s19] =	ssyncadd.s32 $0xFFFFC180  }
0x70: {  	[spmem:s2] =	stream.indirect.scatter.add.f32 [tilespmem:s17], [sflag:$0x3], $0x80, s29, s16, $0xb8;
	[tilespmem:$0x1E100] =	vst v63  }
0x71: {  	_ =	swait.ge [sflag:s14], $0x3E80  }
0x72: {  	[sflag:s14] =	ssyncset.done $0x0  }
0x73: {  	s30 =	simm.s32 $0x100;
	[sflag:s14] =	ssyncadd.s32 $0xFFFFC180  }
0x74: {  	[tilespmem:s17], [sflag:$0x1] =	stream.indirect.gather [hbm4b:s4+s16], $0x80, s30, s16, $0xb8;
	[tilespmem:$0x1E100] =	vst v63  }
0x75: {  	_ =	swait.ge [sflag:s20], $0x3E80  }
0x76: {  	[sflag:s20] =	ssyncset.done $0x0  }
0x77: {  	s31 =	simm.s32 $0x1480;
	[sflag:s20] =	ssyncadd.s32 $0xFFFFC180  }
0x78: {  	[spmem:s2] =	stream.indirect.scatter.add.f32 [tilespmem:s18], [sflag:$0x3], $0x80, s31, s16, $0xb8;
	[tilespmem:$0x1E100] =	vst v63  }
0x79: {  	_ =	swait.ge [sflag:s14], $0x3E80  }
0x7a: {  	s25 =	simm.s32 $0x100;
	s26 =	simm.s32 $0x800;
	[sflag:s14] =	ssyncset.done $0x0  }
.LBB2_4:
0x7b: {  	s28 =	sadd.s32 $0x80, s25  }
0x7c: {  	[sflag:s14] =	ssyncadd.s32 $0xFFFFC180;
	s29 =	smov.u32 s26;
	s30 =	sadd.s32 $0x400, s26  }
0x7d: {  	[tilespmem:s18], [sflag:$0x2] =	stream.indirect.gather [hbm4b:s4+s16], $0x80, s28, s16, $0xb8;
	[tilespmem:$0x1E100] =	vst v63  }
0x7e: {  	p0 =	sne.s32 s26, $0x4800;
	_ =	swait.ge [sflag:s19], $0x3E80  }
0x7f: {  	[sflag:s19] =	ssyncset.done $0x0  }
0x80: {  	s26 =	sadd.s32 $0x1400, s25;
	[sflag:s19] =	ssyncadd.s32 $0xFFFFC180  }
0x81: {  	[spmem:s2] =	stream.indirect.scatter.add.f32 [tilespmem:s17], [sflag:$0x3], $0x80, s26, s16, $0xb8;
	[tilespmem:$0x1E100] =	vst v63  }
0x82: {  	_ =	swait.ge [sflag:s14], $0x3E80  }
0x83: {  	[sflag:s14] =	ssyncset.done $0x0  }
0x84: {  	s26 =	sadd.s32 $0x100, s25;
	[sflag:s14] =	ssyncadd.s32 $0xFFFFC180  }
0x85: {  	[tilespmem:s17], [sflag:$0x1] =	stream.indirect.gather [hbm4b:s4+s16], $0x80, s26, s16, $0xb8;
	[tilespmem:$0x1E100] =	vst v63  }
0x86: {  	_ =	swait.ge [sflag:s20], $0x3E80  }
.Ltmp1:
0x87: {  	[sflag:s20] =	ssyncset.done $0x0;
	(pc) =	sbr.rel @p0 .LBB2_4-.Ltmp1, $4  }
0x88: {  	s25 =	sadd.s32 $0x1480, s25;
	[sflag:s20] =	ssyncadd.s32 $0xFFFFC180  }
0x89: {  	[spmem:s2] =	stream.indirect.scatter.add.f32 [tilespmem:s18], [sflag:$0x3], $0x80, s25, s16, $0xb8;
	[tilespmem:$0x1E100] =	vst v63  }
0x8a: {  	_ =	swait.ge [sflag:s14], $0x3E80  }
0x8b: {  	s26 =	smov.u32 s30;
	s25 =	sshra.s32 s29, $0x2;
	[sflag:s14] =	ssyncset.done $0x0  }
0x8c: {  	s26 =	sadd.s32 $0x80, s25;
	[sflag:s14] =	ssyncadd.s32 $0xFFFFC180  }
0x8d: {  	[tilespmem:s18], [sflag:$0x2] =	stream.indirect.gather [hbm4b:s4+s16], $0x80, s26, s16, $0xb8;
	[tilespmem:$0x1E100] =	vst v63  }
0x8e: {  	_ =	swait.ge [sflag:s19], $0x3E80  }
0x8f: {  	[sflag:s19] =	ssyncset.done $0x0  }
0x90: {  	s29 =	sadd.s32 $0x1400, s25;
	[sflag:s19] =	ssyncadd.s32 $0xFFFFC180  }
0x91: {  	[spmem:s2] =	stream.indirect.scatter.add.f32 [tilespmem:s17], [sflag:$0x3], $0x80, s29, s16, $0xb8;
	[tilespmem:$0x1E100] =	vst v63  }
0x92: {  	_ =	swait.ge [sflag:s14], $0x3E80  }
0x93: {  	[sflag:s14] =	ssyncset.done $0x0  }
0x94: {  	s30 =	sadd.s32 $0x100, s25;
	[sflag:s14] =	ssyncadd.s32 $0xFFFFC180  }
0x95: {  	[tilespmem:s17], [sflag:$0x1] =	stream.indirect.gather [hbm4b:s4+s16], $0x80, s30, s16, $0xb8;
	[tilespmem:$0x1E100] =	vst v63  }
0x96: {  	_ =	swait.ge [sflag:s20], $0x3E80  }
0x97: {  	[sflag:s20] =	ssyncset.done $0x0  }
0x98: {  	s31 =	sadd.s32 $0x1480, s25;
	[sflag:s20] =	ssyncadd.s32 $0xFFFFC180  }
0x99: {  	[spmem:s2] =	stream.indirect.scatter.add.f32 [tilespmem:s18], [sflag:$0x3], $0x80, s31, s16, $0xb8;
	[tilespmem:$0x1E100] =	vst v63  }
0x9a: {  	_ =	swait.ge [sflag:s14], $0x3E80  }
0x9b: {  	[sflag:s14] =	ssyncset.done $0x0  }
0x9c: {  	[sflag:s14] =	ssyncadd.s32 $0xFFFFC180  }
0x9d: {  	[tilespmem:s18], [sflag:$0x2] =	stream.indirect.gather [hbm4b:s4+s16], $0x80, s21, s16, $0xb8;
	[tilespmem:$0x1E100] =	vst v63  }
0x9e: {  	_ =	swait.ge [sflag:s19], $0x3E80  }
0x9f: {  	[sflag:s19] =	ssyncset.done $0x0  }
0xa0: {  	[sflag:s19] =	ssyncadd.s32 $0xFFFFC180  }
0xa1: {  	[spmem:s2] =	stream.indirect.scatter.add.f32 [tilespmem:s17], [sflag:$0x3], $0x80, s22, s16, $0xb8;
	[tilespmem:$0x1E100] =	vst v63  }
0xa2: {  	_ =	swait.ge [sflag:s14], $0x3E80  }
0xa3: {  	[sflag:s14] =	ssyncset.done $0x0  }
0xa4: {  	[sflag:s14] =	ssyncadd.s32 $0xFFFFC180  }
0xa5: {  	_ =	swait.ge [sflag:s20], $0x3E80  }
0xa6: {  	[sflag:s20] =	ssyncset.done $0x0  }
0xa7: {  	[sflag:s20] =	ssyncadd.s32 $0xFFFFC180  }
0xa8: {  	[spmem:s2] =	stream.indirect.scatter.add.f32 [tilespmem:s18], [sflag:$0x3], $0x80, s23, s16, $0xb8;
	[tilespmem:$0x1E100] =	vst v63  }
0xa9: {  	_ =	swait.ge [sflag:s14], $0x3E80  }
0xaa: {  	s24 =	sadd.s32 $0x1, s24;
	[sflag:s14] =	ssyncset.done $0x0  }
0xab: {  	p0 =	sne.s32 s24, s12;
	[sflag:s14] =	ssyncadd.s32 $0xFFFFC180  }
.Ltmp2:
0xac: {  	[bflag:$0x0] =	sbarrier.arrive $0xFFFF;
	(pc) =	sbr.rel @p0 .LBB2_1-.Ltmp2, $4  }
0xad: {  	[hbm:s11], [sflag:s6] =	dma.local [spmem:s13], $0x2780  }
0xae: {  	_ =	swait.ge [sflag:s14], $0x2780  }
0xaf: {  	[sflag:s14] =	ssyncset.done $0x0  }
0xb0: {  	[sflag:s14] =	ssyncadd.s32 $0xFFFFD880  }
0xb1: {  	_ =	sfence.sel $0x180000  }
0xb2: {  	[bflag:$0x0] =	sbarrier.arrive $0xFFFF  }
0xb3: {  	p0 =	sne.s32 s1, $0x0;
	_ =	strace $0x90000050  }
0xb4: {  	s0 =	sadd.s32 @!p0 $0x100000, s0;
	[bflag:$0x2] =	sbarrier.arrive $0xFFFF  }
0xb5: {  	[sflag:s0] =	ssyncadd.tile.s32 @!p0 $0x1;
	_ =	shalt  }
.Lfunc_end2:
_tile_overlayer_lowered:
.L_overlay_start_2:
0xb6: {  	(tag) =	ssettag $0x2  }
0xb7: {  	s0 =	rddreg [dreg:$0x0];
	s2 =	stileid.u32  }
0xb8: {  	s1 =	rddreg [dreg:$0x1];
	p0 =	sne.s32 s2, $0x0  }
0xb9: {  	s3 =	rddreg [dreg:$0x2];
	[bflag:$0x3] =	sbarrier.arrive $0xFFFF;
	s2 =	simm.s32 @!p0 $0x1C03  }
0xba: {  	[timem:s3], [sflag:s2] =	dma.local @!p0 [hbm:s0], s1  }
0xbb: {  	s0 =	simm.s32 @!p0 $0x3  }
0xbc: {  	_ =	swait.ge @!p0 [sflag:s0], s1  }
0xbd: {  	s1 =	ssub.s32 @!p0 $0x0, s1;
	[sflag:s0] =	ssyncset.done @!p0 $0x0  }
0xbe: {  	[sflag:s0] =	ssyncadd.s32 @!p0 s1  }
0xbf: {  	[bflag:$0x3] =	sbarrier.arrive $0xFFFF  }
0xc0: {  	_ =	shalt  }

// kernel: kernel.9.cloned.1.call-start
scs
__scs_entry_jumppad:
0x0: {  	(pc) =	sbr.rel $0x88, $3  }
0x1: {  	(tag) =	ssettag $0x0;
	lr =	simm.s32 $0x1  }
0x2: {  	[smem:$0x3F98] =	sst lr;
	_ =	strace $0xD0000000  }
0x3: {  	_ = 	snop  }
0x4: {  	_ = 	snop  }
0x5: {  	_ = 	snop  }
0x6: {  	_ = 	snop  }
0x7: {  	_ = 	snop  }
__scs_overlays_trampoline_lowered:
0x8: {  	[smem:$0x3FA7] =	sst s0  }
0x9: {  	[smem:$0x3FA8] =	sst s1  }
0xa: {  	[smem:$0x3FA9] =	sst s2  }
0xb: {  	[smem:$0x3FAA] =	sst s3  }
0xc: {  	[smem:$0x3FAB] =	sst s4  }
0xd: {  	[smem:$0x3FAC] =	sst s5  }
0xe: {  	[smem:$0x3FAD] =	sst s6  }
0xf: {  	[smem:$0x3FAE] =	sst s7  }
0x10: {  	[smem:$0x3FAF] =	sst s8  }
0x11: {  	[smem:$0x3FB0] =	sst s9;
	s0 =	simm.s32 @!p0 $0x0  }
0x12: {  	s1 =	sld [smem:$0x3F96];
	s0 =	simm.s32 @p0 $0x1  }
0x13: {  	[smem:$0x3FB1] =	sst s0;
	s0 =	simm.s32 @!p1 $0x0  }
0x14: {  	s2 =	sld [smem:$0x3F95];
	s0 =	simm.s32 @p1 $0x1  }
0x15: {  	[smem:$0x3FB2] =	sst s0;
	s0 =	simm.s32 @!p2 $0x0  }
0x16: {  	s3 =	sld [smem:$0x3FDB];
	s0 =	simm.s32 @p2 $0x1  }
0x17: {  	s4 =	simm.s32 $0x1BF5;
	[smem:$0x3FB4] =	sst s0  }
0x18: {  	s0 =	sld [smem:$0x3F97];
	_ =	swait.ge [sflag:s4], $0x0  }
0x19: {  	s7 =	sld [smem:$0x3F98]  }
0x1a: {  	s8 =	sadd.s32 $0xFFFFE003, lr  }
0x1b: {  	s9 =	sadd.s32 $0xFFFFFEF7, lr;
	s5 =	simm.s32 $0xFFFFFFFF;
	p2 =	slt.u32 s8, $0xFFFFF086  }
0x1c: {  	p1 =	slt.u32 s9, $0xF7A;
	s5 =	simm.s32 @!p2 $0x0  }
0x1d: {  	s5 =	simm.s32 @p1 $0x1;
	p0 =	seq.s32 s7, s2  }
0x1e: {  	s7 =	smul.u32 @!p0 $0xF7A, s2;
	p2 =	seq.s32 @!p0 s5, $0x0  }
0x1f: {  	s9 =	smul.u32 $0xF7A, s1;
	s8 =	simm.s32 @!p0 $0x1BF5;
	p2 =	por !p2, p0  }
0x20: {  	[sflag:s8] =	ssyncset.s32 @!p0 $0xFFFFF086;
	s6 =	sadd.s32 @!p0 s3, s7;
	s7 =	simm.s32 @!p0 $0x108  }
0x21: {  	s3 =	sadd.s32 s3, s9;
	s6 =	sadd.s32 @!p0 $0x88, s6;
	s7 =	simm.s32 @p2 $0x1082  }
0x22: {  	[simem:s7], [sflag:s8] =	dma.local @!p0 [hbm:s6], $0xF7A  }
0x23: {  	s9 =	sor.u32 $0xD0000000, s2;
	s6 =	simm.s32 $0x108;
	_ =	swait.ge @!p0 [sflag:s8], $0x0  }
0x24: {  	s3 =	sadd.s32 $0x88, s3;
	s6 =	simm.s32 @!p1 $0x1082;
	[sflag:s4] =	ssyncset.s32 $0xFFFFF086  }
0x25: {  	[simem:s6], [sflag:s4] =	dma.local [hbm:s3], $0xF7A  }
0x26: {  	[smem:$0x3F98] =	sst s1;
	(tag) =	ssettag s2;
	_ =	strace s9  }
0x27: {  	s1 =	sld [smem:$0x3FA8]  }
0x28: {  	s2 =	sld [smem:$0x3FA9]  }
0x29: {  	s4 =	sld [smem:$0x3FAB]  }
0x2a: {  	p0 =	seq.s32 s5, $0x0;
	s5 =	sld [smem:$0x3FAC]  }
0x2b: {  	s6 =	sld [smem:$0x3FAD]  }
0x2c: {  	s7 =	sld [smem:$0x3FAE]  }
0x2d: {  	s3 =	simm.s32 $0x108;
	s8 =	sld [smem:$0x3FAF]  }
0x2e: {  	s3 =	simm.s32 @!p0 $0x1082;
	s9 =	sld [smem:$0x3FB0]  }
0x2f: {  	lr =	sadd.s32 s0, s3;
	s0 =	sld [smem:$0x3FA7]  }
0x30: {  	s3 =	sld [smem:$0x3FAA]  }
0x31: {  	[smem:$0x3FB3] =	sst s10  }
0x32: {  	s10 =	sld [smem:$0x3FB1];
	_ =	sdelay $0x3  }
0x33: {  	p0 =	seq.s32 s10, $0x1;
	s10 =	sld [smem:$0x3FB3];
	_ =	sdelay $0x3  }
0x34: {  	[smem:$0x3FB3] =	sst s10  }
0x35: {  	s10 =	sld [smem:$0x3FB2];
	_ =	sdelay $0x3  }
0x36: {  	p1 =	seq.s32 s10, $0x1;
	s10 =	sld [smem:$0x3FB3];
	_ =	sdelay $0x3  }
0x37: {  	[smem:$0x3FB3] =	sst s10  }
0x38: {  	s10 =	sld [smem:$0x3FB4]  }
0x39: {  	_ = 	snop;
	(pc) =	sbr.ind lr, $3  }
0x3a: {  	_ = 	snop  }
0x3b: {  	_ = 	snop  }
0x3c: {  	p2 =	seq.s32 s10, $0x1;
	s10 =	sld [smem:$0x3FB3]  }
0x3d: {  	_ =	shalt  }
0x3e: {  	_ =	shalt  }
0x3f: {  	_ =	shalt  }
0x40: {  	_ =	shalt  }
0x41: {  	_ =	shalt  }
0x42: {  	_ =	shalt  }
0x43: {  	_ =	shalt  }
0x44: {  	_ =	shalt  }
0x45: {  	_ =	shalt  }
0x46: {  	_ =	shalt  }
0x47: {  	_ =	shalt  }
0x48: {  	_ =	shalt  }
0x49: {  	_ =	shalt  }
0x4a: {  	_ =	shalt  }
0x4b: {  	_ =	shalt  }
0x4c: {  	_ =	shalt  }
0x4d: {  	_ =	shalt  }
0x4e: {  	_ =	shalt  }
0x4f: {  	_ =	shalt  }
0x50: {  	_ =	shalt  }
0x51: {  	_ =	shalt  }
0x52: {  	_ =	shalt  }
0x53: {  	_ =	shalt  }
0x54: {  	_ =	shalt  }
0x55: {  	_ =	shalt  }
0x56: {  	_ =	shalt  }
0x57: {  	_ =	shalt  }
0x58: {  	_ =	shalt  }
0x59: {  	_ =	shalt  }
0x5a: {  	_ =	shalt  }
0x5b: {  	_ =	shalt  }
0x5c: {  	_ =	shalt  }
0x5d: {  	_ =	shalt  }
0x5e: {  	_ =	shalt  }
0x5f: {  	_ =	shalt  }
0x60: {  	_ =	shalt  }
0x61: {  	_ =	shalt  }
0x62: {  	_ =	shalt  }
0x63: {  	_ =	shalt  }
0x64: {  	_ =	shalt  }
0x65: {  	_ =	shalt  }
0x66: {  	_ =	shalt  }
0x67: {  	_ =	shalt  }
0x68: {  	_ =	shalt  }
0x69: {  	_ =	shalt  }
0x6a: {  	_ =	shalt  }
0x6b: {  	_ =	shalt  }
0x6c: {  	_ =	shalt  }
0x6d: {  	_ =	shalt  }
0x6e: {  	_ =	shalt  }
0x6f: {  	_ =	shalt  }
0x70: {  	_ =	shalt  }
0x71: {  	_ =	shalt  }
0x72: {  	_ =	shalt  }
0x73: {  	_ =	shalt  }
0x74: {  	_ =	shalt  }
0x75: {  	_ =	shalt  }
0x76: {  	_ =	shalt  }
0x77: {  	_ =	shalt  }
0x78: {  	_ =	shalt  }
0x79: {  	_ =	shalt  }
0x7a: {  	_ =	shalt  }
0x7b: {  	_ =	shalt  }
0x7c: {  	_ =	shalt  }
0x7d: {  	_ =	shalt  }
0x7e: {  	_ =	shalt  }
0x7f: {  	_ =	shalt  }
0x80: {  	_ =	shalt  }
0x81: {  	_ =	shalt  }
0x82: {  	_ =	shalt  }
0x83: {  	_ =	shalt  }
0x84: {  	_ =	shalt  }
0x85: {  	_ =	shalt  }
0x86: {  	_ =	shalt  }
0x87: {  	_ =	shalt  }
.Lfunc_end0:
.L_simem_size_0:
called_computation_lowered:
.L_overlay_start_0:
0x88: {  	s2 =	sld [smem:$0x3FD9]  }
0x89: {  	s3 =	sld [smem:$0x3FFE];
	_ =	sdelay $0x1  }
0x8a: {  	s1 =	srdreg.scid  }
0x8b: {  	s0 =	sand.u32 $0x1, s1  }
0x8c: {  	s16 =	sshll.u32 s0, $0xA;
	s2 =	sadd.s32 s3, s2  }
0x8d: {  	s2 =	sadd.s32 s2, s16  }
0x8e: {  	[smem:$0x3FBF] =	sst s2  }
0x8f: {  	_ = 	snop  }
0x90: {  	(tm) =	ssettm $0x1  }
0x91: {  	s17 =	sld [smem:$0x3FFB];
	_ =	sdelay $0x3  }
0x92: {  	_ =	strace s17  }
0x93: {  	s2 =	sld [smem:$0x3FFC];
	_ =	sdelay $0x3  }
0x94: {  	_ =	strace s2  }
0x95: {  	s2 =	sld [smem:$0x3FFD];
	_ =	sdelay $0x3  }
0x96: {  	_ =	strace s2  }
0x97: {  	_ =	strace $0x8FFFFFFF  }
0x98: {  	s18 =	sld [smem:$0x3FDB];
	_ =	sdelay $0x1  }
0x99: {  	s19 =	simm.s32 $_scs_section_size  }
0x9a: {  	s4 =	simm.s32 $_size__tile_overlayer_lowered;
	s5 =	simm.s32 $_tile_overlayer_lowered  }
0x9b: {  	s22 =	simm.s32 $0x1BFF;
	s21 =	sshll.u32 s5, $0x1;
	s2 =	sadd.s32 s19, s18  }
0x9c: {  	s6 =	simm.s32 $0x0;
	s20 =	sshll.u32 s4, $0x1;
	s4 =	sadd.s32 s21, s2  }
0x9d: {  	[timem:s6], [sflag:s22] =	dma.local [hbm:s4], s20  }
0x9e: {  	_ =	swait.ge [sflag:s22], s20  }
0x9f: {  	s3 =	ssub.s32 $0x0, s20;
	[sflag:s22] =	ssyncset.done $0x0  }
0xa0: {  	[sflag:s22] =	ssyncadd.s32 s3;
	_ =	sdelay $0x1  }
0xa1: {  	s23 =	simm.s32 $0x1B8B  }
0xa2: {  	_ =	swait.ge [sflag:s23], $0x1  }
0xa3: {  	[sflag:s23] =	ssyncset.done $0x0  }
0xa4: {  	s25 =	simm.s32 $0x1B8E;
	s24 =	sld [smem:$0x3FFE];
	[sflag:s23] =	ssyncadd.s32 $0xFFFFFFFF  }
0xa5: {  	s26 =	simm.s32 $execute0_lowered;
	[smem:$0x3FD2] =	sst s25  }
0xa6: {  	s4 =	sshll.u32 s26, $0x1;
	_ =	strace $0x80000046;
	[dreg:$0x1] =	wrdreg $0xFFFFFFFF  }
0xa7: {  	s28 =	simm.s32 $_size_execute0_lowered;
	s2 =	sadd.s32 s2, s4;
	[dreg:$0x0] =	wrdreg $0x0  }
0xa8: {  	s4 =	sshll.u32 s28, $0x1;
	[dreg:$0x2] =	wrdreg s2  }
0xa9: {  	[dreg:$0x3] =	wrdreg s4  }
0xaa: {  	[dreg:$0x4] =	wrdreg $0xC0  }
0xab: {  	_ =	task [dreg:s6], $0x5FFFF  }
0xac: {  	[dreg:$0x1] =	wrdreg $0xFFFFFFFF  }
0xad: {  	[dreg:$0x0] =	wrdreg $0x60  }
0xae: {  	[dreg:$0x2] =	wrdreg s24  }
0xaf: {  	[dreg:$0x3] =	wrdreg $0x2FD00  }
0xb0: {  	[dreg:$0x4] =	wrdreg $0x9  }
0xb1: {  	_ =	task.clear_ibuf [dreg:s6], $0x5FFFF;
	_ =	strace $0x90000046  }
0xb2: {  	s29 =	simm.s32 $0x9;
	_ =	strace $0x80000048  }
0xb3: {  	_ =	swait.ge [sflag:s29], $0x1  }
0xb4: {  	[sflag:s29] =	ssyncadd.s32 $0xFFFFFFFF  }
0xb5: {  	_ =	strace $0x90000048  }
0xb6: {  	_ =	sfence  }
0xb7: {  	s30 =	sld [smem:$0x0];
	_ =	sdelay $0x2  }
0xb8: {  	s31 =	sshll.u32 s1, $0xD;
	s1 =	sshrl.u32 s1, $0x2  }
0xb9: {  	s3 =	sand.u32 $0x4000, s31;
	s1 =	sadd.s32 s1, s30  }
0xba: {  	s0 =	sor.u32 s3, s0;
	s1 =	sshll.u32 s1, $0x11  }
0xbb: {  	s0 =	sor.u32 s1, s0  }
0xbc: {  	s0 =	sadd.s32 $0x8F2B, s0  }
0xbd: {  	[sflag:s0] =	ssyncadd.remote.s32 $0x1  }
0xbe: {  	_ =	sfence.sel $0xFFFF  }
0xbf: {  	[dreg:$0x0] =	wrdreg $0xFFFFFFFF;
	(pc) =	sbr.abs _section_cstart, $3  }
0xc0: {  	[dreg:$0x1] =	wrdreg $0xFFFFFFFF  }
0xc1: {  	_ =	task.clear_ibuf [dreg:s6], $0x2FFFF;
	_ =	strace $0x9FFFFFFF  }
0xc2: {  	(tm) =	ssettm $0x7FFFFFFF  }
0xc3: {  	_ =	shalt  }
tec
execute0_lowered:
.L_overlay_start_1:
0x0: {  	(tag) =	ssettag $0x1  }
0x1: {  	s5 =	rddreg [dreg:$0x0]  }
0x2: {  	s0 =	srdreg.scid;
	s2 =	rddreg [dreg:$0x1]  }
0x3: {  	s3 =	simm.s32 $0x0;
	s12 =	simm.s32 $0x2800;
	s13 =	simm.s32 $0x7D  }
0x4: {  	s14 =	simm.s32 $0x0;
	s4 =	sand.u32 $0x1, s0;
	s0 =	stileid.u32  }
0x5: {  	[smem:$0x7FF] =	sst s3;
	s1 =	sshll.u32 s4, $0x4;
	s7 =	smul.u32 $0x2780, s0  }
0x6: {  	s8 =	smul.u32 $0x27800, s4;
	s10 =	ssub.s32 $0x2, s4;
	s4 =	sadd.s32 $0x12C00, s5  }
0x7: {  	s31 =	sshll.u32 s0, $0x6;
	s1 =	sor.u32 s0, s1;
	s11 =	sshrl.u32 s10, $0x1  }
0x8: {  	s6 =	smul.u32 $0x500, s1;
	s1 =	rddreg [dreg:$0x2];
	_ =	strace $0x80000047  }
0x9: {  	s29 =	sshrl.u32 s7, $0x3;
	s8 =	sadd.s32 s7, s8;
	s10 =	ssub.s32 s10, s11  }
0xa: {  	s30 =	sadd.s32 s7, s2;
	s11 =	simm.s32 $0x1;
	s8 =	sshrl.u32 s8, $0x3  }
0xb: {  	s9 =	sadd.s32 s6, s5;
	s6 =	sadd.s32 s29, s5;
	s8 =	sadd.s32 s8, s5  }
0xc: {  	s5 =	sadd.s32 $0xDC00, s6;
	s6 =	sor.u32 $0x1C01, s31;
	s7 =	sadd.s32 $0x3C00, s9  }
0xd: {  	s8 =	sadd.s32 $0x12E00, s8;
	s9 =	smax.u32 s10, $0x1;
	s10 =	sshrl.u32 s30, $0x3  }
.LBB2_1:
0xe: {  	[spmem:s10], [sflag:s6] =	dma.local [hbm:s5], $0x4F0  }
0xf: {  	_ =	swait.ge [sflag:s11], $0x4F0  }
0x10: {  	[sflag:s11] =	ssyncset.done $0x0  }
0x11: {  	[sflag:s11] =	ssyncadd.s32 $0xFFFFFB10  }
0x12: {  	[tilespmem:s3], [sflag:$0x1] =	stream.linear.gather [hbm4b:s7+s3], $0x2800, $0x38;
	[tilespmem:$0x5750] =	vst v63  }
0x13: {  	_ =	swait.ge [sflag:s11], $0x2800  }
0x14: {  	[sflag:s11] =	ssyncset.done $0x0  }
0x15: {  	[sflag:s11] =	ssyncadd.s32 $0xFFFFD800  }
0x16: {  	[tilespmem:s12], [sflag:$0x1] =	stream.linear.gather [hbm4b:s4+s3], $0x7D0, $0x38;
	[tilespmem:$0x5750] =	vst v63  }
0x17: {  	_ =	swait.ge [sflag:s11], $0x7D0  }
0x18: {  	[sflag:s11] =	ssyncset.done $0x0  }
0x19: {  	[sflag:s11] =	ssyncadd.s32 $0xFFFFF830  }
0x1a: {  	s15 =	simm.s32 $0x0;
	[bflag:$0x0] =	sbarrier.arrive $0xFFFF  }
0x1b: {  	[spmem:s2] =	stream.indirect.scatter.add.f32 [tilespmem:s12], [sflag:$0x1], $0x10, s15, s13, $0xb8;
	[tilespmem:$0x5750] =	vst v63  }
0x1c: {  	_ =	swait.ge [sflag:s11], $0x7D0  }
0x1d: {  	s15 =	simm.s32 $0x200;
	[sflag:s11] =	ssyncset.done $0x0  }
.LBB2_2:
0x1e: {  	s16 =	sshra.s32 s15, $0x2;
	[sflag:s11] =	ssyncadd.s32 $0xFFFFF830;
	p0 =	sne.s32 s15, $0x9E00  }
0x1f: {  	[spmem:s2] =	stream.indirect.scatter.add.f32 [tilespmem:s12], [sflag:$0x1], $0x10, s16, s13, $0xb8;
	[tilespmem:$0x5750] =	vst v63  }
.Ltmp0:
0x20: {  	_ = 	snop;
	(pc) =	sbr.rel @p0 .LBB2_2-.Ltmp0, $4  }
0x21: {  	_ = 	snop  }
0x22: {  	s15 =	sadd.s32 $0x200, s15  }
0x23: {  	_ =	swait.ge [sflag:s11], $0x7D0  }
0x24: {  	[sflag:s11] =	ssyncset.done $0x0  }
0x25: {  	s14 =	sadd.s32 $0x1, s14  }
0x26: {  	[sflag:s11] =	ssyncadd.s32 $0xFFFFF830;
	p0 =	sne.s32 s14, s9  }
.Ltmp1:
0x27: {  	[bflag:$0x0] =	sbarrier.arrive $0xFFFF;
	(pc) =	sbr.rel @p0 .LBB2_1-.Ltmp1, $4  }
0x28: {  	[hbm:s8], [sflag:s6] =	dma.local [spmem:s10], $0x4F0  }
0x29: {  	_ =	swait.ge [sflag:s11], $0x4F0  }
0x2a: {  	[sflag:s11] =	ssyncset.done $0x0  }
0x2b: {  	[sflag:s11] =	ssyncadd.s32 $0xFFFFFB10  }
0x2c: {  	_ =	sfence.sel $0x180000  }
0x2d: {  	[bflag:$0x0] =	sbarrier.arrive $0xFFFF  }
0x2e: {  	p0 =	sne.s32 s0, $0x0;
	_ =	strace $0x90000047  }
0x2f: {  	s0 =	sadd.s32 @!p0 $0x100000, s1;
	[bflag:$0x2] =	sbarrier.arrive $0xFFFF  }
0x30: {  	[sflag:s0] =	ssyncadd.tile.s32 @!p0 $0x1;
	_ =	shalt  }
.Lfunc_end2:
_tile_overlayer_lowered:
.L_overlay_start_2:
0x31: {  	(tag) =	ssettag $0x2  }
0x32: {  	s0 =	rddreg [dreg:$0x0];
	s2 =	stileid.u32  }
0x33: {  	s1 =	rddreg [dreg:$0x1];
	p0 =	sne.s32 s2, $0x0  }
0x34: {  	s3 =	rddreg [dreg:$0x2];
	[bflag:$0x3] =	sbarrier.arrive $0xFFFF;
	s2 =	simm.s32 @!p0 $0x1C01  }
0x35: {  	[timem:s3], [sflag:s2] =	dma.local @!p0 [hbm:s0], s1  }
0x36: {  	s0 =	simm.s32 @!p0 $0x1  }
0x37: {  	_ =	swait.ge @!p0 [sflag:s0], s1  }
0x38: {  	s1 =	ssub.s32 @!p0 $0x0, s1;
	[sflag:s0] =	ssyncset.done @!p0 $0x0  }
0x39: {  	[sflag:s0] =	ssyncadd.s32 @!p0 s1  }
0x3a: {  	[bflag:$0x3] =	sbarrier.arrive $0xFFFF  }
0x3b: {  	_ =	shalt  }

</sc_bundles>
